<compile_context>
chip_gen: v7x
topology: tpu7x:2x2x1
jax: 0.10.2.dev20260603
libtpu: 0.0.44.dev20260713+nightly
codegen_flags: <defaults>
</compile_context>

<pallas_src>
import functools

import jax
import jax.numpy as jnp
from jax import lax
from jax.experimental import pallas as pl
from jax.experimental.pallas import tpu as pltpu
from jax.experimental.pallas import tpu_sc as plsc

N = 10000
E = 320000
H = 128
C = 10
L = 3
G = 128
BN_EPS = 1e-5

NC = 2
NS = 16
NW = NC * NS

EB = 128
K_TILE = 80
E_PAD = NW * K_TILE * EB
GRP = 8
NGRP = K_TILE // GRP

N_PAD = 10240
RPT = N_PAD // NS
BLK = 1024
NBLK = N_PAD // BLK


def _sc_agg(h_pad, zeros_pad, edges3d):
    mesh = plsc.VectorSubcoreMesh(
        core_axis_name="c", subcore_axis_name="s", num_cores=NC, num_subcores=NS
    )

    @functools.partial(
        pl.kernel,
        out_type=jax.ShapeDtypeStruct((NC, N_PAD, H), jnp.float32),
        mesh=mesh,
        scratch_types=[
            pltpu.VMEM((K_TILE, EB), jnp.int32),
            pltpu.VMEM((2, GRP, EB), jnp.int32),
            pltpu.VMEM((EB, H), jnp.float32),
            pltpu.VMEM((EB, H), jnp.float32),
            pltpu.VMEM_SHARED((N_PAD, H), jnp.float32),
            pltpu.SemaphoreType.DMA,
            pltpu.SemaphoreType.DMA,
            pltpu.SemaphoreType.DMA,
        ],
    )
    def agg(h_hbm, zero_hbm, e_hbm, out_hbm, src_v, dst_i, rows_a,
            rows_b, acc, sem_a, sem_b, sem_i):
        c = lax.axis_index("c")
        s = lax.axis_index("s")
        wid = s * NC + c
        @pl.when(c == 0)
        def _():
            pltpu.async_copy(
                h_hbm.at[pl.ds(s * RPT, RPT)], acc.at[pl.ds(s * RPT, RPT)], sem_i
            )

        @pl.when(c == 1)
        def _():
            pltpu.async_copy(
                zero_hbm.at[pl.ds(s * RPT, RPT)], acc.at[pl.ds(s * RPT, RPT)], sem_i
            )

        init = pltpu.make_async_copy(
            h_hbm.at[pl.ds(s * RPT, RPT)], acc.at[pl.ds(s * RPT, RPT)], sem_i
        )
        base = wid * K_TILE
        pltpu.sync_copy(e_hbm.at[0, pl.ds(base, K_TILE)], src_v)
        pltpu.sync_copy(e_hbm.at[1, pl.ds(base, GRP)], dst_i.at[0])
        pltpu.async_copy(h_hbm.at[src_v.at[0]], rows_a, sem_a)
        init.wait()
        plsc.subcore_barrier()


        def group(g, carry):
            slot = lax.rem(g, 2)

            @pl.when(g + 1 < NGRP)
            def _():
                pltpu.async_copy(
                    e_hbm.at[1, pl.ds(base + (g + 1) * GRP, GRP)],
                    dst_i.at[lax.rem(g + 1, 2)],
                    sem_i,
                )

            for p in range(GRP // 2):
                j0 = g * GRP + 2 * p
                pltpu.async_copy(h_hbm.at[src_v.at[j0 + 1]], rows_b, sem_b)
                pltpu.make_async_copy(h_hbm.at[src_v.at[j0]], rows_a, sem_a).wait()
                pltpu.sync_copy(rows_a, acc.at[dst_i.at[slot, 2 * p]], add=True)
                if p + 1 < GRP // 2:
                    pltpu.async_copy(h_hbm.at[src_v.at[j0 + 2]], rows_a, sem_a)
                else:

                    @pl.when(g + 1 < NGRP)
                    def _():
                        pltpu.async_copy(h_hbm.at[src_v.at[j0 + 2]], rows_a, sem_a)

                pltpu.make_async_copy(h_hbm.at[src_v.at[j0 + 1]], rows_b, sem_b).wait()
                pltpu.sync_copy(rows_b, acc.at[dst_i.at[slot, 2 * p + 1]], add=True)

            @pl.when(g + 1 < NGRP)
            def _():
                pltpu.make_async_copy(
                    e_hbm.at[1, pl.ds(base + (g + 1) * GRP, GRP)],
                    dst_i.at[lax.rem(g + 1, 2)],
                    sem_i,
                ).wait()

            return carry

        lax.fori_loop(0, NGRP, group, 0)
        plsc.subcore_barrier()
        pltpu.sync_copy(
            acc.at[pl.ds(s * RPT, RPT)], out_hbm.at[c, pl.ds(s * RPT, RPT)]
        )

    return agg(h_pad, zeros_pad, edges3d)


def _mlp_body(a_ref, b_ref, w1_ref, bb_ref, w2_ref, b2_ref, o_ref):
    z = a_ref[0] + b_ref[0]
    t = jnp.dot(z, w1_ref[...], preferred_element_type=jnp.float32) + bb_ref[0:1, :]
    t = jnp.maximum(t, 0.0)
    u = jnp.dot(t, w2_ref[...], preferred_element_type=jnp.float32) + b2_ref[0:1, :]
    o_ref[...] = jnp.maximum(u, 0.0)


def _mlp(acc, w1f, bb, w2, b2):
    row = lambda i: (i, 0)
    fixed = lambda i: (0, 0)
    return pl.pallas_call(
        _mlp_body,
        grid=(NBLK,),
        in_specs=[
            pl.BlockSpec((1, BLK, H), lambda i: (0, i, 0)),
            pl.BlockSpec((1, BLK, H), lambda i: (1, i, 0)),
            pl.BlockSpec((H, H), fixed),
            pl.BlockSpec((8, H), fixed),
            pl.BlockSpec((H, H), fixed),
            pl.BlockSpec((8, H), fixed),
        ],
        out_specs=pl.BlockSpec((BLK, H), row),
        out_shape=jax.ShapeDtypeStruct((N_PAD, H), jnp.float32),
    )(acc, acc, w1f, bb, w2, b2)


def _mlp_pool_body(
    a_ref, b_ref, w1_ref, bb_ref, w2_ref, b2_ref,
    batch_ref, wout_ref, bout_ref, o_ref, pool_acc,
):
    i = pl.program_id(0)
    z = a_ref[0] + b_ref[0]
    t = jnp.dot(z, w1_ref[...], preferred_element_type=jnp.float32) + bb_ref[0:1, :]
    t = jnp.maximum(t, 0.0)
    u = jnp.dot(t, w2_ref[...], preferred_element_type=jnp.float32) + b2_ref[0:1, :]
    hb = jnp.maximum(u, 0.0)

    bi = batch_ref[0, 0, :]
    seg = lax.broadcasted_iota(jnp.int32, (G, BLK), 0)
    m = (bi[None, :] == seg).astype(jnp.float32)
    part = jnp.dot(m, hb, preferred_element_type=jnp.float32)

    @pl.when(i == 0)
    def _():
        pool_acc[...] = jnp.zeros_like(pool_acc)

    pool_acc[...] += part

    @pl.when(i == NBLK - 1)
    def _():
        o_ref[...] = (
            jnp.dot(pool_acc[...], wout_ref[...], preferred_element_type=jnp.float32)
            + bout_ref[0:1, :]
        )


def _mlp_pool(acc, w1f, bb, w2, b2, batch3d, wout_p, bout_p):
    fixed = lambda i: (0, 0)
    return pl.pallas_call(
        _mlp_pool_body,
        grid=(NBLK,),
        in_specs=[
            pl.BlockSpec((1, BLK, H), lambda i: (0, i, 0)),
            pl.BlockSpec((1, BLK, H), lambda i: (1, i, 0)),
            pl.BlockSpec((H, H), fixed),
            pl.BlockSpec((8, H), fixed),
            pl.BlockSpec((H, H), fixed),
            pl.BlockSpec((8, H), fixed),
            pl.BlockSpec((1, 1, BLK), lambda i: (i, 0, 0)),
            pl.BlockSpec((H, H), fixed),
            pl.BlockSpec((8, H), fixed),
        ],
        out_specs=pl.BlockSpec((G, H), fixed),
        out_shape=jax.ShapeDtypeStruct((G, H), jnp.float32),
        scratch_shapes=[pltpu.VMEM((G, H), jnp.float32)],
    )(acc, acc, w1f, bb, w2, b2, batch3d, wout_p, bout_p)


def kernel(x, edge_index, batch, params):
    h = jnp.zeros((N_PAD, H), jnp.float32).at[:N].set(x)

    pad_rows = NW * K_TILE - E // EB
    fill = N + (jnp.arange(pad_rows * EB, dtype=jnp.int32) % (N_PAD - N))
    fill3 = jnp.broadcast_to(
        fill.reshape(pad_rows, EB)[None], (2, pad_rows, EB)
    ).astype(jnp.int32)
    edges3d = jnp.concatenate(
        [edge_index.reshape(2, E // EB, EB), fill3], axis=1
    )

    inv_std = 1.0 / jnp.sqrt(1.0 + BN_EPS)
    bc8 = lambda v: jnp.broadcast_to(v[None, :], (8, H))

    batch3d = (
        jnp.concatenate([batch, jnp.full((N_PAD - N,), G, jnp.int32)])
        .reshape(NBLK, 1, BLK)
    )
    wout_p = jnp.zeros((H, H), jnp.float32).at[:, :C].set(params["Wout"])
    bout_p = bc8(jnp.zeros((H,), jnp.float32).at[:C].set(params["bout"]))

    zeros_pad = jnp.zeros((N_PAD, H), jnp.float32)
    out = None
    for i in range(L):
        sc = inv_std * params[f"gamma_{i}"]
        w1f = params[f"W1_{i}"] * sc[None, :]
        bb = bc8(params[f"b1_{i}"] * sc + params[f"beta_{i}"])
        b2 = bc8(params[f"b2_{i}"])
        acc = _sc_agg(h, zeros_pad, edges3d)
        if i < L - 1:
            h = _mlp(acc, w1f, bb, params[f"W2_{i}"], b2)
        else:
            out = _mlp_pool(
                acc, w1f, bb, params[f"W2_{i}"], b2,
                batch3d, wout_p, bout_p,
            )
    return out[:, :C]

# --- scband reference (transcript-rebuilt; emitter-appended) ---
"""Pipeline reference for scband-gin-graph-56178172232062 (READ-ONLY COPY).

The authoritative reference and input builder live on the scoring server;
editing this copy changes nothing except your own understanding.
"""

import jax, jax.numpy as jnp
import numpy as np

N = 10000
E = 320000
F_IN = 128
H = 128
C = 10
L = 3
G = 128
BN_EPS = 1e-5


def setup_inputs(seed: int = 0) -> dict:
    key = jax.random.key(seed)
    ks = jax.random.split(key, 4 + 8 * L)
    x = jax.random.normal(ks[0], (N, F_IN), dtype=jnp.float32)
    edge_index = jax.random.randint(ks[1], (2, E), 0, N, dtype=jnp.int32)
    batch = jnp.sort(jax.random.randint(ks[2], (N,), 0, G, dtype=jnp.int32))
    params = {}
    ki = 3
    for i in range(L):
        in_dim = F_IN if i == 0 else H
        params[f"W1_{i}"] = jax.random.normal(ks[ki], (in_dim, H), dtype=jnp.float32) * 0.05; ki += 1
        params[f"b1_{i}"] = jnp.zeros((H,), dtype=jnp.float32)
        params[f"gamma_{i}"] = jnp.ones((H,), dtype=jnp.float32)
        params[f"beta_{i}"] = jnp.zeros((H,), dtype=jnp.float32)
        params[f"W2_{i}"] = jax.random.normal(ks[ki], (H, H), dtype=jnp.float32) * 0.05; ki += 1
        params[f"b2_{i}"] = jnp.zeros((H,), dtype=jnp.float32)
    params["Wout"] = jax.random.normal(ks[ki], (H, C), dtype=jnp.float32) * 0.05
    params["bout"] = jnp.zeros((C,), dtype=jnp.float32)
    return {"x": x, "edge_index": edge_index, "batch": batch, "params": params}


def reference(x, edge_index, batch, params):
    # GIN_graph forward (eval mode: dropout = identity, BatchNorm uses running
    # stats mean=0, var=1). GINConv (eps=0): h' = MLP(h + sum_{j->i} h_j).
    src = edge_index[0]
    dst = edge_index[1]
    h = x
    inv_std = 1.0 / jnp.sqrt(1.0 + BN_EPS)
    for i in range(L):
        agg = jax.ops.segment_sum(h[src], dst, num_segments=N)
        z = h + agg
        z = z @ params[f"W1_{i}"] + params[f"b1_{i}"]
        z = z * inv_std * params[f"gamma_{i}"] + params[f"beta_{i}"]
        z = jax.nn.relu(z)
        z = z @ params[f"W2_{i}"] + params[f"b2_{i}"]
        h = jax.nn.relu(z)
    pooled = jax.ops.segment_sum(h, batch, num_segments=G)  # global_add_pool
    out = pooled @ params["Wout"] + params["bout"]
    return out

if __name__ == "__main__":
    import jax
    _d = setup_inputs()
    print(jax.jit(kernel)(*tuple(_d.values())))

</pallas_src>

<mosaic_0001>
#map = affine_map<(d0, d1) -> (0, 0)>
#map1 = affine_map<(d0, d1) -> (0, 0, 0)>
module attributes {stable_mosaic.version = 14 : i64} {
  func.func @agg(%arg0: i32, %arg1: i32, %arg2: memref<10240x128xf32, #tpu.memory_space<hbm>>, %arg3: memref<10240x128xf32, #tpu.memory_space<hbm>>, %arg4: memref<2x2560x128xi32, #tpu.memory_space<hbm>>, %arg5: memref<2x10240x128xf32, #tpu.memory_space<hbm>>, %arg6: memref<80x128xi32, #tpu.memory_space<vmem>>, %arg7: memref<2x8x128xi32, #tpu.memory_space<vmem>>, %arg8: memref<128x128xf32, #tpu.memory_space<vmem>>, %arg9: memref<128x128xf32, #tpu.memory_space<vmem>>, %arg10: memref<10240x128xf32, #tpu.memory_space<vmem_shared>>, %arg11: memref<!tpu.dma_semaphore, #tpu.memory_space<semaphore_mem>>, %arg12: memref<!tpu.dma_semaphore, #tpu.memory_space<semaphore_mem>>, %arg13: memref<!tpu.dma_semaphore, #tpu.memory_space<semaphore_mem>>) attributes {dimension_semantics = [#tpu.dimension_semantics<core_parallel>, #tpu.dimension_semantics<subcore_parallel>], iteration_bounds = array<i64: 2, 16>, scalar_prefetch = 0 : i64, scratch_operands = 8 : i64, tpu.core_type = #tpu.core_type<sc_vector_subcore>, window_params = [{transform_indices = #map}, {transform_indices = #map}, {transform_indices = #map1}, {transform_indices = #map1}]} {
    %mul3A = arith.constant 2 : i32
    %mul3A_0 = arith.muli %arg1, %mul3A : i32
    %add3A = arith.addi %mul3A_0, %arg0 : i32
    %eq3A = arith.constant 0 : i32
    %eq3A_1 = arith.cmpi eq, %arg0, %eq3A : i32
    %convert_element_type3A = arith.extui %eq3A_1 : i1 to i32
    %cond3A = arith.constant 0 : i32
    %cond3A_2 = arith.cmpi ne, %convert_element_type3A, %cond3A : i32
    scf.if %cond3A_2 {
      %mul3A_35 = arith.constant 640 : i32
      %mul3A_36 = arith.muli %arg1, %mul3A_35 : i32
      %mul3A_37 = arith.constant 640 : i32
      %mul3A_38 = arith.muli %arg1, %mul3A_37 : i32
      %dma_start3A_39 = arith.constant 0 : i32
      %dma_start3A_40 = tpu.memref_slice %arg10[%mul3A_38, %dma_start3A_39] : memref<10240x128xf32, #tpu.memory_space<vmem_shared>> -> memref<640x128xf32, #tpu.memory_space<vmem_shared>>
      %dma_start3A_41 = arith.constant 0 : i32
      %dma_start3A_42 = tpu.memref_slice %arg2[%mul3A_36, %dma_start3A_41] : memref<10240x128xf32, #tpu.memory_space<hbm>> -> memref<640x128xf32, #tpu.memory_space<hbm>>
      tpu.enqueue_dma source(%dma_start3A_42 : memref<640x128xf32, #tpu.memory_space<hbm>>) target(%dma_start3A_40 : memref<640x128xf32, #tpu.memory_space<vmem_shared>>) target_semaphore(%arg13 : memref<!tpu.dma_semaphore, #tpu.memory_space<semaphore_mem>>)
    } else {
    }
    %eq3A_3 = arith.constant 1 : i32
    %eq3A_4 = arith.cmpi eq, %arg0, %eq3A_3 : i32
    %convert_element_type3A_5 = arith.extui %eq3A_4 : i1 to i32
    %cond3A_6 = arith.constant 0 : i32
    %cond3A_7 = arith.cmpi ne, %convert_element_type3A_5, %cond3A_6 : i32
    scf.if %cond3A_7 {
      %mul3A_35 = arith.constant 640 : i32
      %mul3A_36 = arith.muli %arg1, %mul3A_35 : i32
      %mul3A_37 = arith.constant 640 : i32
      %mul3A_38 = arith.muli %arg1, %mul3A_37 : i32
      %dma_start3A_39 = arith.constant 0 : i32
      %dma_start3A_40 = tpu.memref_slice %arg10[%mul3A_38, %dma_start3A_39] : memref<10240x128xf32, #tpu.memory_space<vmem_shared>> -> memref<640x128xf32, #tpu.memory_space<vmem_shared>>
      %dma_start3A_41 = arith.constant 0 : i32
      %dma_start3A_42 = tpu.memref_slice %arg3[%mul3A_36, %dma_start3A_41] : memref<10240x128xf32, #tpu.memory_space<hbm>> -> memref<640x128xf32, #tpu.memory_space<hbm>>
      tpu.enqueue_dma source(%dma_start3A_42 : memref<640x128xf32, #tpu.memory_space<hbm>>) target(%dma_start3A_40 : memref<640x128xf32, #tpu.memory_space<vmem_shared>>) target_semaphore(%arg13 : memref<!tpu.dma_semaphore, #tpu.memory_space<semaphore_mem>>)
    } else {
    }
    %mul3A_8 = arith.constant 640 : i32
    %mul3A_9 = arith.muli %arg1, %mul3A_8 : i32
    %mul3A_10 = arith.constant 640 : i32
    %mul3A_11 = arith.muli %arg1, %mul3A_10 : i32
    %mul3A_12 = arith.constant 80 : i32
    %mul3A_13 = arith.muli %add3A, %mul3A_12 : i32
    %run_scoped3A = arith.constant 0 : i32
    "tpu.region"() ({
      %run_scoped3A_35 = tpu.sem_alloc : memref<!tpu.dma_semaphore, #tpu.memory_space<semaphore_mem>>
      %dma_start3A_36 = arith.constant 0 : i32
      %dma_start3A_37 = tpu.memref_slice %arg4[%run_scoped3A, %mul3A_13, %dma_start3A_36] : memref<2x2560x128xi32, #tpu.memory_space<hbm>> -> memref<1x80x128xi32, #tpu.memory_space<hbm>>
      %dma_start3A_38 = tpu.memref_squeeze %dma_start3A_37 : memref<1x80x128xi32, #tpu.memory_space<hbm>> -> memref<80x128xi32, #tpu.memory_space<hbm>>
      %dma_start3A_39 = arith.constant 0 : i32
      %dma_start3A_40 = tpu.memref_slice %arg4[%run_scoped3A, %mul3A_13, %dma_start3A_39] : memref<2x2560x128xi32, #tpu.memory_space<hbm>> -> memref<1x80x128xi32, #tpu.memory_space<hbm>>
      %dma_start3A_41 = tpu.memref_squeeze %dma_start3A_40 : memref<1x80x128xi32, #tpu.memory_space<hbm>> -> memref<80x128xi32, #tpu.memory_space<hbm>>
      tpu.enqueue_dma source(%dma_start3A_41 : memref<80x128xi32, #tpu.memory_space<hbm>>) target(%arg6 : memref<80x128xi32, #tpu.memory_space<vmem>>) target_semaphore(%run_scoped3A_35 : memref<!tpu.dma_semaphore, #tpu.memory_space<semaphore_mem>>)
      %dma_wait3A_42 = arith.constant 0 : i32
      %dma_wait3A_43 = tpu.memref_slice %arg4[%run_scoped3A, %mul3A_13, %dma_wait3A_42] : memref<2x2560x128xi32, #tpu.memory_space<hbm>> -> memref<1x80x128xi32, #tpu.memory_space<hbm>>
      %dma_wait3A_44 = tpu.memref_squeeze %dma_wait3A_43 : memref<1x80x128xi32, #tpu.memory_space<hbm>> -> memref<80x128xi32, #tpu.memory_space<hbm>>
      %dma_wait3A_45 = arith.constant 0 : i32
      %dma_wait3A_46 = tpu.memref_slice %arg4[%run_scoped3A, %mul3A_13, %dma_wait3A_45] : memref<2x2560x128xi32, #tpu.memory_space<hbm>> -> memref<1x80x128xi32, #tpu.memory_space<hbm>>
      %dma_wait3A_47 = tpu.memref_squeeze %dma_wait3A_46 : memref<1x80x128xi32, #tpu.memory_space<hbm>> -> memref<80x128xi32, #tpu.memory_space<hbm>>
      tpu.wait_dma2 semaphore(%run_scoped3A_35 : memref<!tpu.dma_semaphore, #tpu.memory_space<semaphore_mem>>) src(%dma_wait3A_47 : memref<80x128xi32, #tpu.memory_space<hbm>>) dst(%arg6 : memref<80x128xi32, #tpu.memory_space<vmem>>)
      tpu.yield
    }) : () -> ()
    %run_scoped3A_14 = arith.constant 1 : i32
    %run_scoped3A_15 = arith.constant 0 : i32
    "tpu.region"() ({
      %run_scoped3A_35 = tpu.sem_alloc : memref<!tpu.dma_semaphore, #tpu.memory_space<semaphore_mem>>
      %dma_start3A_36 = arith.constant 0 : i32
      %dma_start3A_37 = arith.constant 0 : i32
      %dma_start3A_38 = tpu.memref_slice %arg7[%run_scoped3A_15, %dma_start3A_36, %dma_start3A_37] : memref<2x8x128xi32, #tpu.memory_space<vmem>> -> memref<1x8x128xi32, #tpu.memory_space<vmem>>
      %dma_start3A_39 = tpu.memref_squeeze %dma_start3A_38 : memref<1x8x128xi32, #tpu.memory_space<vmem>> -> memref<8x128xi32, #tpu.memory_space<vmem>>
      %dma_start3A_40 = arith.constant 0 : i32
      %dma_start3A_41 = tpu.memref_slice %arg4[%run_scoped3A_14, %mul3A_13, %dma_start3A_40] : memref<2x2560x128xi32, #tpu.memory_space<hbm>> -> memref<1x8x128xi32, #tpu.memory_space<hbm>>
      %dma_start3A_42 = tpu.memref_squeeze %dma_start3A_41 : memref<1x8x128xi32, #tpu.memory_space<hbm>> -> memref<8x128xi32, #tpu.memory_space<hbm>>
      %dma_start3A_43 = arith.constant 0 : i32
      %dma_start3A_44 = arith.constant 0 : i32
      %dma_start3A_45 = tpu.memref_slice %arg7[%run_scoped3A_15, %dma_start3A_43, %dma_start3A_44] : memref<2x8x128xi32, #tpu.memory_space<vmem>> -> memref<1x8x128xi32, #tpu.memory_space<vmem>>
      %dma_start3A_46 = tpu.memref_squeeze %dma_start3A_45 : memref<1x8x128xi32, #tpu.memory_space<vmem>> -> memref<8x128xi32, #tpu.memory_space<vmem>>
      %dma_start3A_47 = arith.constant 0 : i32
      %dma_start3A_48 = tpu.memref_slice %arg4[%run_scoped3A_14, %mul3A_13, %dma_start3A_47] : memref<2x2560x128xi32, #tpu.memory_space<hbm>> -> memref<1x8x128xi32, #tpu.memory_space<hbm>>
      %dma_start3A_49 = tpu.memref_squeeze %dma_start3A_48 : memref<1x8x128xi32, #tpu.memory_space<hbm>> -> memref<8x128xi32, #tpu.memory_space<hbm>>
      tpu.enqueue_dma source(%dma_start3A_49 : memref<8x128xi32, #tpu.memory_space<hbm>>) target(%dma_start3A_46 : memref<8x128xi32, #tpu.memory_space<vmem>>) target_semaphore(%run_scoped3A_35 : memref<!tpu.dma_semaphore, #tpu.memory_space<semaphore_mem>>)
      %dma_wait3A_50 = arith.constant 0 : i32
      %dma_wait3A_51 = arith.constant 0 : i32
      %dma_wait3A_52 = tpu.memref_slice %arg7[%run_scoped3A_15, %dma_wait3A_50, %dma_wait3A_51] : memref<2x8x128xi32, #tpu.memory_space<vmem>> -> memref<1x8x128xi32, #tpu.memory_space<vmem>>
      %dma_wait3A_53 = tpu.memref_squeeze %dma_wait3A_52 : memref<1x8x128xi32, #tpu.memory_space<vmem>> -> memref<8x128xi32, #tpu.memory_space<vmem>>
      %dma_wait3A_54 = arith.constant 0 : i32
      %dma_wait3A_55 = tpu.memref_slice %arg4[%run_scoped3A_14, %mul3A_13, %dma_wait3A_54] : memref<2x2560x128xi32, #tpu.memory_space<hbm>> -> memref<1x8x128xi32, #tpu.memory_space<hbm>>
      %dma_wait3A_56 = tpu.memref_squeeze %dma_wait3A_55 : memref<1x8x128xi32, #tpu.memory_space<hbm>> -> memref<8x128xi32, #tpu.memory_space<hbm>>
      %dma_wait3A_57 = arith.constant 0 : i32
      %dma_wait3A_58 = arith.constant 0 : i32
      %dma_wait3A_59 = tpu.memref_slice %arg7[%run_scoped3A_15, %dma_wait3A_57, %dma_wait3A_58] : memref<2x8x128xi32, #tpu.memory_space<vmem>> -> memref<1x8x128xi32, #tpu.memory_space<vmem>>
      %dma_wait3A_60 = tpu.memref_squeeze %dma_wait3A_59 : memref<1x8x128xi32, #tpu.memory_space<vmem>> -> memref<8x128xi32, #tpu.memory_space<vmem>>
      %dma_wait3A_61 = arith.constant 0 : i32
      %dma_wait3A_62 = tpu.memref_slice %arg4[%run_scoped3A_14, %mul3A_13, %dma_wait3A_61] : memref<2x2560x128xi32, #tpu.memory_space<hbm>> -> memref<1x8x128xi32, #tpu.memory_space<hbm>>
      %dma_wait3A_63 = tpu.memref_squeeze %dma_wait3A_62 : memref<1x8x128xi32, #tpu.memory_space<hbm>> -> memref<8x128xi32, #tpu.memory_space<hbm>>
      tpu.wait_dma2 semaphore(%run_scoped3A_35 : memref<!tpu.dma_semaphore, #tpu.memory_space<semaphore_mem>>) src(%dma_wait3A_63 : memref<8x128xi32, #tpu.memory_space<hbm>>) dst(%dma_wait3A_60 : memref<8x128xi32, #tpu.memory_space<vmem>>)
      tpu.yield
    }) : () -> ()
    %dma_start3A = arith.constant 0 : i32
    %dma_start3A_16 = arith.constant 0 : i32
    %dma_start3A_17 = tpu.memref_slice %arg6[%dma_start3A, %dma_start3A_16] : memref<80x128xi32, #tpu.memory_space<vmem>> -> memref<1x128xi32, #tpu.memory_space<vmem>>
    %dma_start3A_18 = tpu.memref_squeeze %dma_start3A_17 : memref<1x128xi32, #tpu.memory_space<vmem>> -> memref<128xi32, #tpu.memory_space<vmem>>
    %dma_start3A_19 = arith.constant 0 : i32
    %dma_start3A_20 = arith.constant 0 : i32
    %dma_start3A_21 = tpu.memref_slice %arg2[%dma_start3A_19, %dma_start3A_20] : memref<10240x128xf32, #tpu.memory_space<hbm>> -> memref<10240x128xf32, #tpu.memory_space<hbm>>
    tpu.enqueue_indirect_dma source(%dma_start3A_21 : memref<10240x128xf32, #tpu.memory_space<hbm>>) target(%arg8 : memref<128x128xf32, #tpu.memory_space<vmem>>) offsets(%dma_start3A_18 : memref<128xi32, #tpu.memory_space<vmem>>) semaphore(%arg11 : memref<!tpu.dma_semaphore, #tpu.memory_space<semaphore_mem>>)
    %dma_wait3A = arith.constant 0 : i32
    %dma_wait3A_22 = tpu.memref_slice %arg10[%mul3A_11, %dma_wait3A] : memref<10240x128xf32, #tpu.memory_space<vmem_shared>> -> memref<640x128xf32, #tpu.memory_space<vmem_shared>>
    %dma_wait3A_23 = arith.constant 0 : i32
    %dma_wait3A_24 = tpu.memref_slice %arg2[%mul3A_9, %dma_wait3A_23] : memref<10240x128xf32, #tpu.memory_space<hbm>> -> memref<640x128xf32, #tpu.memory_space<hbm>>
    tpu.wait_dma2 semaphore(%arg13 : memref<!tpu.dma_semaphore, #tpu.memory_space<semaphore_mem>>) src(%dma_wait3A_24 : memref<640x128xf32, #tpu.memory_space<hbm>>) dst(%dma_wait3A_22 : memref<640x128xf32, #tpu.memory_space<vmem_shared>>)
    %barrier3A = arith.constant 0 : index
    tpu.barrier barrier_id(%barrier3A)
    %scan3A = arith.constant 0 : i32
    %scan3A_25 = arith.constant 0 : i32
    %scan3A_26 = arith.constant 10 : i32
    %scan3A_27 = arith.addi %scan3A_25, %scan3A_26 : i32
    %scan3A_28 = arith.constant 1 : i32
    scf.for %scan3A_35 = %scan3A_25 to %scan3A_27 step %scan3A_28  : i32 {
      %rem3A = arith.constant 2 : i32
      %rem3A_36 = arith.remsi %scan3A_35, %rem3A : i32
      %add3A_37 = arith.constant 1 : i32
      %add3A_38 = arith.addi %scan3A_35, %add3A_37 : i32
      %lt3A = arith.constant 10 : i32
      %lt3A_39 = arith.cmpi slt, %add3A_38, %lt3A : i32
      %convert_element_type3A_40 = arith.extui %lt3A_39 : i1 to i32
      %cond3A_41 = arith.constant 0 : i32
      %cond3A_42 = arith.cmpi ne, %convert_element_type3A_40, %cond3A_41 : i32
      scf.if %cond3A_42 {
        %add3A_193 = arith.constant 1 : i32
        %add3A_194 = arith.addi %scan3A_35, %add3A_193 : i32
        %mul3A_195 = arith.constant 8 : i32
        %mul3A_196 = arith.muli %add3A_194, %mul3A_195 : i32
        %add3A_197 = arith.addi %mul3A_13, %mul3A_196 : i32
        %add3A_198 = arith.constant 1 : i32
        %add3A_199 = arith.addi %scan3A_35, %add3A_198 : i32
        %rem3A_200 = arith.constant 2 : i32
        %rem3A_201 = arith.remsi %add3A_199, %rem3A_200 : i32
        %dma_start3A_202 = arith.constant 1 : i32
        %dma_start3A_203 = arith.constant 0 : i32
        %dma_start3A_204 = arith.constant 0 : i32
        %dma_start3A_205 = tpu.memref_slice %arg7[%rem3A_201, %dma_start3A_203, %dma_start3A_204] : memref<2x8x128xi32, #tpu.memory_space<vmem>> -> memref<1x8x128xi32, #tpu.memory_space<vmem>>
        %dma_start3A_206 = tpu.memref_squeeze %dma_start3A_205 : memref<1x8x128xi32, #tpu.memory_space<vmem>> -> memref<8x128xi32, #tpu.memory_space<vmem>>
        %dma_start3A_207 = arith.constant 0 : i32
        %dma_start3A_208 = tpu.memref_slice %arg4[%dma_start3A_202, %add3A_197, %dma_start3A_207] : memref<2x2560x128xi32, #tpu.memory_space<hbm>> -> memref<1x8x128xi32, #tpu.memory_space<hbm>>
        %dma_start3A_209 = tpu.memref_squeeze %dma_start3A_208 : memref<1x8x128xi32, #tpu.memory_space<hbm>> -> memref<8x128xi32, #tpu.memory_space<hbm>>
        %dma_start3A_210 = arith.constant 0 : i32
        %dma_start3A_211 = arith.constant 0 : i32
        %dma_start3A_212 = tpu.memref_slice %arg7[%rem3A_201, %dma_start3A_210, %dma_start3A_211] : memref<2x8x128xi32, #tpu.memory_space<vmem>> -> memref<1x8x128xi32, #tpu.memory_space<vmem>>
        %dma_start3A_213 = tpu.memref_squeeze %dma_start3A_212 : memref<1x8x128xi32, #tpu.memory_space<vmem>> -> memref<8x128xi32, #tpu.memory_space<vmem>>
        %dma_start3A_214 = arith.constant 0 : i32
        %dma_start3A_215 = tpu.memref_slice %arg4[%dma_start3A_202, %add3A_197, %dma_start3A_214] : memref<2x2560x128xi32, #tpu.memory_space<hbm>> -> memref<1x8x128xi32, #tpu.memory_space<hbm>>
        %dma_start3A_216 = tpu.memref_squeeze %dma_start3A_215 : memref<1x8x128xi32, #tpu.memory_space<hbm>> -> memref<8x128xi32, #tpu.memory_space<hbm>>
        tpu.enqueue_dma source(%dma_start3A_216 : memref<8x128xi32, #tpu.memory_space<hbm>>) target(%dma_start3A_213 : memref<8x128xi32, #tpu.memory_space<vmem>>) target_semaphore(%arg13 : memref<!tpu.dma_semaphore, #tpu.memory_space<semaphore_mem>>)
      } else {
      }
      %mul3A_43 = arith.constant 8 : i32
      %mul3A_44 = arith.muli %scan3A_35, %mul3A_43 : i32
      %add3A_45 = arith.constant 0 : i32
      %add3A_46 = arith.addi %mul3A_44, %add3A_45 : i32
      %add3A_47 = arith.constant 1 : i32
      %add3A_48 = arith.addi %add3A_46, %add3A_47 : i32
      %dma_start3A_49 = arith.constant 0 : i32
      %dma_start3A_50 = tpu.memref_slice %arg6[%add3A_48, %dma_start3A_49] : memref<80x128xi32, #tpu.memory_space<vmem>> -> memref<1x128xi32, #tpu.memory_space<vmem>>
      %dma_start3A_51 = tpu.memref_squeeze %dma_start3A_50 : memref<1x128xi32, #tpu.memory_space<vmem>> -> memref<128xi32, #tpu.memory_space<vmem>>
      %dma_start3A_52 = arith.constant 0 : i32
      %dma_start3A_53 = arith.constant 0 : i32
      %dma_start3A_54 = tpu.memref_slice %arg2[%dma_start3A_52, %dma_start3A_53] : memref<10240x128xf32, #tpu.memory_space<hbm>> -> memref<10240x128xf32, #tpu.memory_space<hbm>>
      tpu.enqueue_indirect_dma source(%dma_start3A_54 : memref<10240x128xf32, #tpu.memory_space<hbm>>) target(%arg9 : memref<128x128xf32, #tpu.memory_space<vmem>>) offsets(%dma_start3A_51 : memref<128xi32, #tpu.memory_space<vmem>>) semaphore(%arg12 : memref<!tpu.dma_semaphore, #tpu.memory_space<semaphore_mem>>)
      %dma_wait3A_55 = arith.constant 0 : i32
      %dma_wait3A_56 = tpu.memref_slice %arg6[%add3A_46, %dma_wait3A_55] : memref<80x128xi32, #tpu.memory_space<vmem>> -> memref<1x128xi32, #tpu.memory_space<vmem>>
      %dma_wait3A_57 = tpu.memref_squeeze %dma_wait3A_56 : memref<1x128xi32, #tpu.memory_space<vmem>> -> memref<128xi32, #tpu.memory_space<vmem>>
      %dma_wait3A_58 = arith.constant 0 : i32
      %dma_wait3A_59 = arith.constant 0 : i32
      %dma_wait3A_60 = tpu.memref_slice %arg2[%dma_wait3A_58, %dma_wait3A_59] : memref<10240x128xf32, #tpu.memory_space<hbm>> -> memref<10240x128xf32, #tpu.memory_space<hbm>>
      tpu.wait_indirect_dma semaphore(%arg11 : memref<!tpu.dma_semaphore, #tpu.memory_space<semaphore_mem>>) src(%dma_wait3A_60 : memref<10240x128xf32, #tpu.memory_space<hbm>>) dst(%arg8 : memref<128x128xf32, #tpu.memory_space<vmem>>)
      %run_scoped3A_61 = arith.constant 0 : i32
      "tpu.region"() ({
        %run_scoped3A_193 = tpu.sem_alloc : memref<!tpu.dma_semaphore, #tpu.memory_space<semaphore_mem>>
        %dma_start3A_194 = arith.constant 0 : i32
        %dma_start3A_195 = tpu.memref_slice %arg7[%rem3A_36, %run_scoped3A_61, %dma_start3A_194] : memref<2x8x128xi32, #tpu.memory_space<vmem>> -> memref<1x1x128xi32, #tpu.memory_space<vmem>>
        %dma_start3A_196 = tpu.memref_squeeze %dma_start3A_195 : memref<1x1x128xi32, #tpu.memory_space<vmem>> -> memref<128xi32, #tpu.memory_space<vmem>>
        %dma_start3A_197 = arith.constant 0 : i32
        %dma_start3A_198 = arith.constant 0 : i32
        %dma_start3A_199 = tpu.memref_slice %arg10[%dma_start3A_197, %dma_start3A_198] : memref<10240x128xf32, #tpu.memory_space<vmem_shared>> -> memref<10240x128xf32, #tpu.memory_space<vmem_shared>>
        tpu.enqueue_indirect_dma source(%arg8 : memref<128x128xf32, #tpu.memory_space<vmem>>) target(%dma_start3A_199 : memref<10240x128xf32, #tpu.memory_space<vmem_shared>>) offsets(%dma_start3A_196 : memref<128xi32, #tpu.memory_space<vmem>>) semaphore(%run_scoped3A_193 : memref<!tpu.dma_semaphore, #tpu.memory_space<semaphore_mem>>) {add = true}
        %dma_wait3A_200 = arith.constant 0 : i32
        %dma_wait3A_201 = tpu.memref_slice %arg7[%rem3A_36, %run_scoped3A_61, %dma_wait3A_200] : memref<2x8x128xi32, #tpu.memory_space<vmem>> -> memref<1x1x128xi32, #tpu.memory_space<vmem>>
        %dma_wait3A_202 = tpu.memref_squeeze %dma_wait3A_201 : memref<1x1x128xi32, #tpu.memory_space<vmem>> -> memref<128xi32, #tpu.memory_space<vmem>>
        %dma_wait3A_203 = arith.constant 0 : i32
        %dma_wait3A_204 = arith.constant 0 : i32
        %dma_wait3A_205 = tpu.memref_slice %arg10[%dma_wait3A_203, %dma_wait3A_204] : memref<10240x128xf32, #tpu.memory_space<vmem_shared>> -> memref<10240x128xf32, #tpu.memory_space<vmem_shared>>
        tpu.wait_indirect_dma semaphore(%run_scoped3A_193 : memref<!tpu.dma_semaphore, #tpu.memory_space<semaphore_mem>>) src(%arg8 : memref<128x128xf32, #tpu.memory_space<vmem>>) dst(%dma_wait3A_205 : memref<10240x128xf32, #tpu.memory_space<vmem_shared>>)
        tpu.yield
      }) : () -> ()
      %add3A_62 = arith.constant 2 : i32
      %add3A_63 = arith.addi %add3A_46, %add3A_62 : i32
      %dma_start3A_64 = arith.constant 0 : i32
      %dma_start3A_65 = tpu.memref_slice %arg6[%add3A_63, %dma_start3A_64] : memref<80x128xi32, #tpu.memory_space<vmem>> -> memref<1x128xi32, #tpu.memory_space<vmem>>
      %dma_start3A_66 = tpu.memref_squeeze %dma_start3A_65 : memref<1x128xi32, #tpu.memory_space<vmem>> -> memref<128xi32, #tpu.memory_space<vmem>>
      %dma_start3A_67 = arith.constant 0 : i32
      %dma_start3A_68 = arith.constant 0 : i32
      %dma_start3A_69 = tpu.memref_slice %arg2[%dma_start3A_67, %dma_start3A_68] : memref<10240x128xf32, #tpu.memory_space<hbm>> -> memref<10240x128xf32, #tpu.memory_space<hbm>>
      tpu.enqueue_indirect_dma source(%dma_start3A_69 : memref<10240x128xf32, #tpu.memory_space<hbm>>) target(%arg8 : memref<128x128xf32, #tpu.memory_space<vmem>>) offsets(%dma_start3A_66 : memref<128xi32, #tpu.memory_space<vmem>>) semaphore(%arg11 : memref<!tpu.dma_semaphore, #tpu.memory_space<semaphore_mem>>)
      %add3A_70 = arith.constant 1 : i32
      %add3A_71 = arith.addi %add3A_46, %add3A_70 : i32
      %dma_wait3A_72 = arith.constant 0 : i32
      %dma_wait3A_73 = tpu.memref_slice %arg6[%add3A_71, %dma_wait3A_72] : memref<80x128xi32, #tpu.memory_space<vmem>> -> memref<1x128xi32, #tpu.memory_space<vmem>>
      %dma_wait3A_74 = tpu.memref_squeeze %dma_wait3A_73 : memref<1x128xi32, #tpu.memory_space<vmem>> -> memref<128xi32, #tpu.memory_space<vmem>>
      %dma_wait3A_75 = arith.constant 0 : i32
      %dma_wait3A_76 = arith.constant 0 : i32
      %dma_wait3A_77 = tpu.memref_slice %arg2[%dma_wait3A_75, %dma_wait3A_76] : memref<10240x128xf32, #tpu.memory_space<hbm>> -> memref<10240x128xf32, #tpu.memory_space<hbm>>
      tpu.wait_indirect_dma semaphore(%arg12 : memref<!tpu.dma_semaphore, #tpu.memory_space<semaphore_mem>>) src(%dma_wait3A_77 : memref<10240x128xf32, #tpu.memory_space<hbm>>) dst(%arg9 : memref<128x128xf32, #tpu.memory_space<vmem>>)
      %run_scoped3A_78 = arith.constant 1 : i32
      "tpu.region"() ({
        %run_scoped3A_193 = tpu.sem_alloc : memref<!tpu.dma_semaphore, #tpu.memory_space<semaphore_mem>>
        %dma_start3A_194 = arith.constant 0 : i32
        %dma_start3A_195 = tpu.memref_slice %arg7[%rem3A_36, %run_scoped3A_78, %dma_start3A_194] : memref<2x8x128xi32, #tpu.memory_space<vmem>> -> memref<1x1x128xi32, #tpu.memory_space<vmem>>
        %dma_start3A_196 = tpu.memref_squeeze %dma_start3A_195 : memref<1x1x128xi32, #tpu.memory_space<vmem>> -> memref<128xi32, #tpu.memory_space<vmem>>
        %dma_start3A_197 = arith.constant 0 : i32
        %dma_start3A_198 = arith.constant 0 : i32
        %dma_start3A_199 = tpu.memref_slice %arg10[%dma_start3A_197, %dma_start3A_198] : memref<10240x128xf32, #tpu.memory_space<vmem_shared>> -> memref<10240x128xf32, #tpu.memory_space<vmem_shared>>
        tpu.enqueue_indirect_dma source(%arg9 : memref<128x128xf32, #tpu.memory_space<vmem>>) target(%dma_start3A_199 : memref<10240x128xf32, #tpu.memory_space<vmem_shared>>) offsets(%dma_start3A_196 : memref<128xi32, #tpu.memory_space<vmem>>) semaphore(%run_scoped3A_193 : memref<!tpu.dma_semaphore, #tpu.memory_space<semaphore_mem>>) {add = true}
        %dma_wait3A_200 = arith.constant 0 : i32
        %dma_wait3A_201 = tpu.memref_slice %arg7[%rem3A_36, %run_scoped3A_78, %dma_wait3A_200] : memref<2x8x128xi32, #tpu.memory_space<vmem>> -> memref<1x1x128xi32, #tpu.memory_space<vmem>>
        %dma_wait3A_202 = tpu.memref_squeeze %dma_wait3A_201 : memref<1x1x128xi32, #tpu.memory_space<vmem>> -> memref<128xi32, #tpu.memory_space<vmem>>
        %dma_wait3A_203 = arith.constant 0 : i32
        %dma_wait3A_204 = arith.constant 0 : i32
        %dma_wait3A_205 = tpu.memref_slice %arg10[%dma_wait3A_203, %dma_wait3A_204] : memref<10240x128xf32, #tpu.memory_space<vmem_shared>> -> memref<10240x128xf32, #tpu.memory_space<vmem_shared>>
        tpu.wait_indirect_dma semaphore(%run_scoped3A_193 : memref<!tpu.dma_semaphore, #tpu.memory_space<semaphore_mem>>) src(%arg9 : memref<128x128xf32, #tpu.memory_space<vmem>>) dst(%dma_wait3A_205 : memref<10240x128xf32, #tpu.memory_space<vmem_shared>>)
        tpu.yield
      }) : () -> ()
      %mul3A_79 = arith.constant 8 : i32
      %mul3A_80 = arith.muli %scan3A_35, %mul3A_79 : i32
      %add3A_81 = arith.constant 2 : i32
      %add3A_82 = arith.addi %mul3A_80, %add3A_81 : i32
      %add3A_83 = arith.constant 1 : i32
      %add3A_84 = arith.addi %add3A_82, %add3A_83 : i32
      %dma_start3A_85 = arith.constant 0 : i32
      %dma_start3A_86 = tpu.memref_slice %arg6[%add3A_84, %dma_start3A_85] : memref<80x128xi32, #tpu.memory_space<vmem>> -> memref<1x128xi32, #tpu.memory_space<vmem>>
      %dma_start3A_87 = tpu.memref_squeeze %dma_start3A_86 : memref<1x128xi32, #tpu.memory_space<vmem>> -> memref<128xi32, #tpu.memory_space<vmem>>
      %dma_start3A_88 = arith.constant 0 : i32
      %dma_start3A_89 = arith.constant 0 : i32
      %dma_start3A_90 = tpu.memref_slice %arg2[%dma_start3A_88, %dma_start3A_89] : memref<10240x128xf32, #tpu.memory_space<hbm>> -> memref<10240x128xf32, #tpu.memory_space<hbm>>
      tpu.enqueue_indirect_dma source(%dma_start3A_90 : memref<10240x128xf32, #tpu.memory_space<hbm>>) target(%arg9 : memref<128x128xf32, #tpu.memory_space<vmem>>) offsets(%dma_start3A_87 : memref<128xi32, #tpu.memory_space<vmem>>) semaphore(%arg12 : memref<!tpu.dma_semaphore, #tpu.memory_space<semaphore_mem>>)
      %dma_wait3A_91 = arith.constant 0 : i32
      %dma_wait3A_92 = tpu.memref_slice %arg6[%add3A_82, %dma_wait3A_91] : memref<80x128xi32, #tpu.memory_space<vmem>> -> memref<1x128xi32, #tpu.memory_space<vmem>>
      %dma_wait3A_93 = tpu.memref_squeeze %dma_wait3A_92 : memref<1x128xi32, #tpu.memory_space<vmem>> -> memref<128xi32, #tpu.memory_space<vmem>>
      %dma_wait3A_94 = arith.constant 0 : i32
      %dma_wait3A_95 = arith.constant 0 : i32
      %dma_wait3A_96 = tpu.memref_slice %arg2[%dma_wait3A_94, %dma_wait3A_95] : memref<10240x128xf32, #tpu.memory_space<hbm>> -> memref<10240x128xf32, #tpu.memory_space<hbm>>
      tpu.wait_indirect_dma semaphore(%arg11 : memref<!tpu.dma_semaphore, #tpu.memory_space<semaphore_mem>>) src(%dma_wait3A_96 : memref<10240x128xf32, #tpu.memory_space<hbm>>) dst(%arg8 : memref<128x128xf32, #tpu.memory_space<vmem>>)
      %run_scoped3A_97 = arith.constant 2 : i32
      "tpu.region"() ({
        %run_scoped3A_193 = tpu.sem_alloc : memref<!tpu.dma_semaphore, #tpu.memory_space<semaphore_mem>>
        %dma_start3A_194 = arith.constant 0 : i32
        %dma_start3A_195 = tpu.memref_slice %arg7[%rem3A_36, %run_scoped3A_97, %dma_start3A_194] : memref<2x8x128xi32, #tpu.memory_space<vmem>> -> memref<1x1x128xi32, #tpu.memory_space<vmem>>
        %dma_start3A_196 = tpu.memref_squeeze %dma_start3A_195 : memref<1x1x128xi32, #tpu.memory_space<vmem>> -> memref<128xi32, #tpu.memory_space<vmem>>
        %dma_start3A_197 = arith.constant 0 : i32
        %dma_start3A_198 = arith.constant 0 : i32
        %dma_start3A_199 = tpu.memref_slice %arg10[%dma_start3A_197, %dma_start3A_198] : memref<10240x128xf32, #tpu.memory_space<vmem_shared>> -> memref<10240x128xf32, #tpu.memory_space<vmem_shared>>
        tpu.enqueue_indirect_dma source(%arg8 : memref<128x128xf32, #tpu.memory_space<vmem>>) target(%dma_start3A_199 : memref<10240x128xf32, #tpu.memory_space<vmem_shared>>) offsets(%dma_start3A_196 : memref<128xi32, #tpu.memory_space<vmem>>) semaphore(%run_scoped3A_193 : memref<!tpu.dma_semaphore, #tpu.memory_space<semaphore_mem>>) {add = true}
        %dma_wait3A_200 = arith.constant 0 : i32
        %dma_wait3A_201 = tpu.memref_slice %arg7[%rem3A_36, %run_scoped3A_97, %dma_wait3A_200] : memref<2x8x128xi32, #tpu.memory_space<vmem>> -> memref<1x1x128xi32, #tpu.memory_space<vmem>>
        %dma_wait3A_202 = tpu.memref_squeeze %dma_wait3A_201 : memref<1x1x128xi32, #tpu.memory_space<vmem>> -> memref<128xi32, #tpu.memory_space<vmem>>
        %dma_wait3A_203 = arith.constant 0 : i32
        %dma_wait3A_204 = arith.constant 0 : i32
        %dma_wait3A_205 = tpu.memref_slice %arg10[%dma_wait3A_203, %dma_wait3A_204] : memref<10240x128xf32, #tpu.memory_space<vmem_shared>> -> memref<10240x128xf32, #tpu.memory_space<vmem_shared>>
        tpu.wait_indirect_dma semaphore(%run_scoped3A_193 : memref<!tpu.dma_semaphore, #tpu.memory_space<semaphore_mem>>) src(%arg8 : memref<128x128xf32, #tpu.memory_space<vmem>>) dst(%dma_wait3A_205 : memref<10240x128xf32, #tpu.memory_space<vmem_shared>>)
        tpu.yield
      }) : () -> ()
      %add3A_98 = arith.constant 2 : i32
      %add3A_99 = arith.addi %add3A_82, %add3A_98 : i32
      %dma_start3A_100 = arith.constant 0 : i32
      %dma_start3A_101 = tpu.memref_slice %arg6[%add3A_99, %dma_start3A_100] : memref<80x128xi32, #tpu.memory_space<vmem>> -> memref<1x128xi32, #tpu.memory_space<vmem>>
      %dma_start3A_102 = tpu.memref_squeeze %dma_start3A_101 : memref<1x128xi32, #tpu.memory_space<vmem>> -> memref<128xi32, #tpu.memory_space<vmem>>
      %dma_start3A_103 = arith.constant 0 : i32
      %dma_start3A_104 = arith.constant 0 : i32
      %dma_start3A_105 = tpu.memref_slice %arg2[%dma_start3A_103, %dma_start3A_104] : memref<10240x128xf32, #tpu.memory_space<hbm>> -> memref<10240x128xf32, #tpu.memory_space<hbm>>
      tpu.enqueue_indirect_dma source(%dma_start3A_105 : memref<10240x128xf32, #tpu.memory_space<hbm>>) target(%arg8 : memref<128x128xf32, #tpu.memory_space<vmem>>) offsets(%dma_start3A_102 : memref<128xi32, #tpu.memory_space<vmem>>) semaphore(%arg11 : memref<!tpu.dma_semaphore, #tpu.memory_space<semaphore_mem>>)
      %add3A_106 = arith.constant 1 : i32
      %add3A_107 = arith.addi %add3A_82, %add3A_106 : i32
      %dma_wait3A_108 = arith.constant 0 : i32
      %dma_wait3A_109 = tpu.memref_slice %arg6[%add3A_107, %dma_wait3A_108] : memref<80x128xi32, #tpu.memory_space<vmem>> -> memref<1x128xi32, #tpu.memory_space<vmem>>
      %dma_wait3A_110 = tpu.memref_squeeze %dma_wait3A_109 : memref<1x128xi32, #tpu.memory_space<vmem>> -> memref<128xi32, #tpu.memory_space<vmem>>
      %dma_wait3A_111 = arith.constant 0 : i32
      %dma_wait3A_112 = arith.constant 0 : i32
      %dma_wait3A_113 = tpu.memref_slice %arg2[%dma_wait3A_111, %dma_wait3A_112] : memref<10240x128xf32, #tpu.memory_space<hbm>> -> memref<10240x128xf32, #tpu.memory_space<hbm>>
      tpu.wait_indirect_dma semaphore(%arg12 : memref<!tpu.dma_semaphore, #tpu.memory_space<semaphore_mem>>) src(%dma_wait3A_113 : memref<10240x128xf32, #tpu.memory_space<hbm>>) dst(%arg9 : memref<128x128xf32, #tpu.memory_space<vmem>>)
      %run_scoped3A_114 = arith.constant 3 : i32
      "tpu.region"() ({
        %run_scoped3A_193 = tpu.sem_alloc : memref<!tpu.dma_semaphore, #tpu.memory_space<semaphore_mem>>
        %dma_start3A_194 = arith.constant 0 : i32
        %dma_start3A_195 = tpu.memref_slice %arg7[%rem3A_36, %run_scoped3A_114, %dma_start3A_194] : memref<2x8x128xi32, #tpu.memory_space<vmem>> -> memref<1x1x128xi32, #tpu.memory_space<vmem>>
        %dma_start3A_196 = tpu.memref_squeeze %dma_start3A_195 : memref<1x1x128xi32, #tpu.memory_space<vmem>> -> memref<128xi32, #tpu.memory_space<vmem>>
        %dma_start3A_197 = arith.constant 0 : i32
        %dma_start3A_198 = arith.constant 0 : i32
        %dma_start3A_199 = tpu.memref_slice %arg10[%dma_start3A_197, %dma_start3A_198] : memref<10240x128xf32, #tpu.memory_space<vmem_shared>> -> memref<10240x128xf32, #tpu.memory_space<vmem_shared>>
        tpu.enqueue_indirect_dma source(%arg9 : memref<128x128xf32, #tpu.memory_space<vmem>>) target(%dma_start3A_199 : memref<10240x128xf32, #tpu.memory_space<vmem_shared>>) offsets(%dma_start3A_196 : memref<128xi32, #tpu.memory_space<vmem>>) semaphore(%run_scoped3A_193 : memref<!tpu.dma_semaphore, #tpu.memory_space<semaphore_mem>>) {add = true}
        %dma_wait3A_200 = arith.constant 0 : i32
        %dma_wait3A_201 = tpu.memref_slice %arg7[%rem3A_36, %run_scoped3A_114, %dma_wait3A_200] : memref<2x8x128xi32, #tpu.memory_space<vmem>> -> memref<1x1x128xi32, #tpu.memory_space<vmem>>
        %dma_wait3A_202 = tpu.memref_squeeze %dma_wait3A_201 : memref<1x1x128xi32, #tpu.memory_space<vmem>> -> memref<128xi32, #tpu.memory_space<vmem>>
        %dma_wait3A_203 = arith.constant 0 : i32
        %dma_wait3A_204 = arith.constant 0 : i32
        %dma_wait3A_205 = tpu.memref_slice %arg10[%dma_wait3A_203, %dma_wait3A_204] : memref<10240x128xf32, #tpu.memory_space<vmem_shared>> -> memref<10240x128xf32, #tpu.memory_space<vmem_shared>>
        tpu.wait_indirect_dma semaphore(%run_scoped3A_193 : memref<!tpu.dma_semaphore, #tpu.memory_space<semaphore_mem>>) src(%arg9 : memref<128x128xf32, #tpu.memory_space<vmem>>) dst(%dma_wait3A_205 : memref<10240x128xf32, #tpu.memory_space<vmem_shared>>)
        tpu.yield
      }) : () -> ()
      %mul3A_115 = arith.constant 8 : i32
      %mul3A_116 = arith.muli %scan3A_35, %mul3A_115 : i32
      %add3A_117 = arith.constant 4 : i32
      %add3A_118 = arith.addi %mul3A_116, %add3A_117 : i32
      %add3A_119 = arith.constant 1 : i32
      %add3A_120 = arith.addi %add3A_118, %add3A_119 : i32
      %dma_start3A_121 = arith.constant 0 : i32
      %dma_start3A_122 = tpu.memref_slice %arg6[%add3A_120, %dma_start3A_121] : memref<80x128xi32, #tpu.memory_space<vmem>> -> memref<1x128xi32, #tpu.memory_space<vmem>>
      %dma_start3A_123 = tpu.memref_squeeze %dma_start3A_122 : memref<1x128xi32, #tpu.memory_space<vmem>> -> memref<128xi32, #tpu.memory_space<vmem>>
      %dma_start3A_124 = arith.constant 0 : i32
      %dma_start3A_125 = arith.constant 0 : i32
      %dma_start3A_126 = tpu.memref_slice %arg2[%dma_start3A_124, %dma_start3A_125] : memref<10240x128xf32, #tpu.memory_space<hbm>> -> memref<10240x128xf32, #tpu.memory_space<hbm>>
      tpu.enqueue_indirect_dma source(%dma_start3A_126 : memref<10240x128xf32, #tpu.memory_space<hbm>>) target(%arg9 : memref<128x128xf32, #tpu.memory_space<vmem>>) offsets(%dma_start3A_123 : memref<128xi32, #tpu.memory_space<vmem>>) semaphore(%arg12 : memref<!tpu.dma_semaphore, #tpu.memory_space<semaphore_mem>>)
      %dma_wait3A_127 = arith.constant 0 : i32
      %dma_wait3A_128 = tpu.memref_slice %arg6[%add3A_118, %dma_wait3A_127] : memref<80x128xi32, #tpu.memory_space<vmem>> -> memref<1x128xi32, #tpu.memory_space<vmem>>
      %dma_wait3A_129 = tpu.memref_squeeze %dma_wait3A_128 : memref<1x128xi32, #tpu.memory_space<vmem>> -> memref<128xi32, #tpu.memory_space<vmem>>
      %dma_wait3A_130 = arith.constant 0 : i32
      %dma_wait3A_131 = arith.constant 0 : i32
      %dma_wait3A_132 = tpu.memref_slice %arg2[%dma_wait3A_130, %dma_wait3A_131] : memref<10240x128xf32, #tpu.memory_space<hbm>> -> memref<10240x128xf32, #tpu.memory_space<hbm>>
      tpu.wait_indirect_dma semaphore(%arg11 : memref<!tpu.dma_semaphore, #tpu.memory_space<semaphore_mem>>) src(%dma_wait3A_132 : memref<10240x128xf32, #tpu.memory_space<hbm>>) dst(%arg8 : memref<128x128xf32, #tpu.memory_space<vmem>>)
      %run_scoped3A_133 = arith.constant 4 : i32
      "tpu.region"() ({
        %run_scoped3A_193 = tpu.sem_alloc : memref<!tpu.dma_semaphore, #tpu.memory_space<semaphore_mem>>
        %dma_start3A_194 = arith.constant 0 : i32
        %dma_start3A_195 = tpu.memref_slice %arg7[%rem3A_36, %run_scoped3A_133, %dma_start3A_194] : memref<2x8x128xi32, #tpu.memory_space<vmem>> -> memref<1x1x128xi32, #tpu.memory_space<vmem>>
        %dma_start3A_196 = tpu.memref_squeeze %dma_start3A_195 : memref<1x1x128xi32, #tpu.memory_space<vmem>> -> memref<128xi32, #tpu.memory_space<vmem>>
        %dma_start3A_197 = arith.constant 0 : i32
        %dma_start3A_198 = arith.constant 0 : i32
        %dma_start3A_199 = tpu.memref_slice %arg10[%dma_start3A_197, %dma_start3A_198] : memref<10240x128xf32, #tpu.memory_space<vmem_shared>> -> memref<10240x128xf32, #tpu.memory_space<vmem_shared>>
        tpu.enqueue_indirect_dma source(%arg8 : memref<128x128xf32, #tpu.memory_space<vmem>>) target(%dma_start3A_199 : memref<10240x128xf32, #tpu.memory_space<vmem_shared>>) offsets(%dma_start3A_196 : memref<128xi32, #tpu.memory_space<vmem>>) semaphore(%run_scoped3A_193 : memref<!tpu.dma_semaphore, #tpu.memory_space<semaphore_mem>>) {add = true}
        %dma_wait3A_200 = arith.constant 0 : i32
        %dma_wait3A_201 = tpu.memref_slice %arg7[%rem3A_36, %run_scoped3A_133, %dma_wait3A_200] : memref<2x8x128xi32, #tpu.memory_space<vmem>> -> memref<1x1x128xi32, #tpu.memory_space<vmem>>
        %dma_wait3A_202 = tpu.memref_squeeze %dma_wait3A_201 : memref<1x1x128xi32, #tpu.memory_space<vmem>> -> memref<128xi32, #tpu.memory_space<vmem>>
        %dma_wait3A_203 = arith.constant 0 : i32
        %dma_wait3A_204 = arith.constant 0 : i32
        %dma_wait3A_205 = tpu.memref_slice %arg10[%dma_wait3A_203, %dma_wait3A_204] : memref<10240x128xf32, #tpu.memory_space<vmem_shared>> -> memref<10240x128xf32, #tpu.memory_space<vmem_shared>>
        tpu.wait_indirect_dma semaphore(%run_scoped3A_193 : memref<!tpu.dma_semaphore, #tpu.memory_space<semaphore_mem>>) src(%arg8 : memref<128x128xf32, #tpu.memory_space<vmem>>) dst(%dma_wait3A_205 : memref<10240x128xf32, #tpu.memory_space<vmem_shared>>)
        tpu.yield
      }) : () -> ()
      %add3A_134 = arith.constant 2 : i32
      %add3A_135 = arith.addi %add3A_118, %add3A_134 : i32
      %dma_start3A_136 = arith.constant 0 : i32
      %dma_start3A_137 = tpu.memref_slice %arg6[%add3A_135, %dma_start3A_136] : memref<80x128xi32, #tpu.memory_space<vmem>> -> memref<1x128xi32, #tpu.memory_space<vmem>>
      %dma_start3A_138 = tpu.memref_squeeze %dma_start3A_137 : memref<1x128xi32, #tpu.memory_space<vmem>> -> memref<128xi32, #tpu.memory_space<vmem>>
      %dma_start3A_139 = arith.constant 0 : i32
      %dma_start3A_140 = arith.constant 0 : i32
      %dma_start3A_141 = tpu.memref_slice %arg2[%dma_start3A_139, %dma_start3A_140] : memref<10240x128xf32, #tpu.memory_space<hbm>> -> memref<10240x128xf32, #tpu.memory_space<hbm>>
      tpu.enqueue_indirect_dma source(%dma_start3A_141 : memref<10240x128xf32, #tpu.memory_space<hbm>>) target(%arg8 : memref<128x128xf32, #tpu.memory_space<vmem>>) offsets(%dma_start3A_138 : memref<128xi32, #tpu.memory_space<vmem>>) semaphore(%arg11 : memref<!tpu.dma_semaphore, #tpu.memory_space<semaphore_mem>>)
      %add3A_142 = arith.constant 1 : i32
      %add3A_143 = arith.addi %add3A_118, %add3A_142 : i32
      %dma_wait3A_144 = arith.constant 0 : i32
      %dma_wait3A_145 = tpu.memref_slice %arg6[%add3A_143, %dma_wait3A_144] : memref<80x128xi32, #tpu.memory_space<vmem>> -> memref<1x128xi32, #tpu.memory_space<vmem>>
      %dma_wait3A_146 = tpu.memref_squeeze %dma_wait3A_145 : memref<1x128xi32, #tpu.memory_space<vmem>> -> memref<128xi32, #tpu.memory_space<vmem>>
      %dma_wait3A_147 = arith.constant 0 : i32
      %dma_wait3A_148 = arith.constant 0 : i32
      %dma_wait3A_149 = tpu.memref_slice %arg2[%dma_wait3A_147, %dma_wait3A_148] : memref<10240x128xf32, #tpu.memory_space<hbm>> -> memref<10240x128xf32, #tpu.memory_space<hbm>>
      tpu.wait_indirect_dma semaphore(%arg12 : memref<!tpu.dma_semaphore, #tpu.memory_space<semaphore_mem>>) src(%dma_wait3A_149 : memref<10240x128xf32, #tpu.memory_space<hbm>>) dst(%arg9 : memref<128x128xf32, #tpu.memory_space<vmem>>)
      %run_scoped3A_150 = arith.constant 5 : i32
      "tpu.region"() ({
        %run_scoped3A_193 = tpu.sem_alloc : memref<!tpu.dma_semaphore, #tpu.memory_space<semaphore_mem>>
        %dma_start3A_194 = arith.constant 0 : i32
        %dma_start3A_195 = tpu.memref_slice %arg7[%rem3A_36, %run_scoped3A_150, %dma_start3A_194] : memref<2x8x128xi32, #tpu.memory_space<vmem>> -> memref<1x1x128xi32, #tpu.memory_space<vmem>>
        %dma_start3A_196 = tpu.memref_squeeze %dma_start3A_195 : memref<1x1x128xi32, #tpu.memory_space<vmem>> -> memref<128xi32, #tpu.memory_space<vmem>>
        %dma_start3A_197 = arith.constant 0 : i32
        %dma_start3A_198 = arith.constant 0 : i32
        %dma_start3A_199 = tpu.memref_slice %arg10[%dma_start3A_197, %dma_start3A_198] : memref<10240x128xf32, #tpu.memory_space<vmem_shared>> -> memref<10240x128xf32, #tpu.memory_space<vmem_shared>>
        tpu.enqueue_indirect_dma source(%arg9 : memref<128x128xf32, #tpu.memory_space<vmem>>) target(%dma_start3A_199 : memref<10240x128xf32, #tpu.memory_space<vmem_shared>>) offsets(%dma_start3A_196 : memref<128xi32, #tpu.memory_space<vmem>>) semaphore(%run_scoped3A_193 : memref<!tpu.dma_semaphore, #tpu.memory_space<semaphore_mem>>) {add = true}
        %dma_wait3A_200 = arith.constant 0 : i32
        %dma_wait3A_201 = tpu.memref_slice %arg7[%rem3A_36, %run_scoped3A_150, %dma_wait3A_200] : memref<2x8x128xi32, #tpu.memory_space<vmem>> -> memref<1x1x128xi32, #tpu.memory_space<vmem>>
        %dma_wait3A_202 = tpu.memref_squeeze %dma_wait3A_201 : memref<1x1x128xi32, #tpu.memory_space<vmem>> -> memref<128xi32, #tpu.memory_space<vmem>>
        %dma_wait3A_203 = arith.constant 0 : i32
        %dma_wait3A_204 = arith.constant 0 : i32
        %dma_wait3A_205 = tpu.memref_slice %arg10[%dma_wait3A_203, %dma_wait3A_204] : memref<10240x128xf32, #tpu.memory_space<vmem_shared>> -> memref<10240x128xf32, #tpu.memory_space<vmem_shared>>
        tpu.wait_indirect_dma semaphore(%run_scoped3A_193 : memref<!tpu.dma_semaphore, #tpu.memory_space<semaphore_mem>>) src(%arg9 : memref<128x128xf32, #tpu.memory_space<vmem>>) dst(%dma_wait3A_205 : memref<10240x128xf32, #tpu.memory_space<vmem_shared>>)
        tpu.yield
      }) : () -> ()
      %mul3A_151 = arith.constant 8 : i32
      %mul3A_152 = arith.muli %scan3A_35, %mul3A_151 : i32
      %add3A_153 = arith.constant 6 : i32
      %add3A_154 = arith.addi %mul3A_152, %add3A_153 : i32
      %add3A_155 = arith.constant 1 : i32
      %add3A_156 = arith.addi %add3A_154, %add3A_155 : i32
      %dma_start3A_157 = arith.constant 0 : i32
      %dma_start3A_158 = tpu.memref_slice %arg6[%add3A_156, %dma_start3A_157] : memref<80x128xi32, #tpu.memory_space<vmem>> -> memref<1x128xi32, #tpu.memory_space<vmem>>
      %dma_start3A_159 = tpu.memref_squeeze %dma_start3A_158 : memref<1x128xi32, #tpu.memory_space<vmem>> -> memref<128xi32, #tpu.memory_space<vmem>>
      %dma_start3A_160 = arith.constant 0 : i32
      %dma_start3A_161 = arith.constant 0 : i32
      %dma_start3A_162 = tpu.memref_slice %arg2[%dma_start3A_160, %dma_start3A_161] : memref<10240x128xf32, #tpu.memory_space<hbm>> -> memref<10240x128xf32, #tpu.memory_space<hbm>>
      tpu.enqueue_indirect_dma source(%dma_start3A_162 : memref<10240x128xf32, #tpu.memory_space<hbm>>) target(%arg9 : memref<128x128xf32, #tpu.memory_space<vmem>>) offsets(%dma_start3A_159 : memref<128xi32, #tpu.memory_space<vmem>>) semaphore(%arg12 : memref<!tpu.dma_semaphore, #tpu.memory_space<semaphore_mem>>)
      %dma_wait3A_163 = arith.constant 0 : i32
      %dma_wait3A_164 = tpu.memref_slice %arg6[%add3A_154, %dma_wait3A_163] : memref<80x128xi32, #tpu.memory_space<vmem>> -> memref<1x128xi32, #tpu.memory_space<vmem>>
      %dma_wait3A_165 = tpu.memref_squeeze %dma_wait3A_164 : memref<1x128xi32, #tpu.memory_space<vmem>> -> memref<128xi32, #tpu.memory_space<vmem>>
      %dma_wait3A_166 = arith.constant 0 : i32
      %dma_wait3A_167 = arith.constant 0 : i32
      %dma_wait3A_168 = tpu.memref_slice %arg2[%dma_wait3A_166, %dma_wait3A_167] : memref<10240x128xf32, #tpu.memory_space<hbm>> -> memref<10240x128xf32, #tpu.memory_space<hbm>>
      tpu.wait_indirect_dma semaphore(%arg11 : memref<!tpu.dma_semaphore, #tpu.memory_space<semaphore_mem>>) src(%dma_wait3A_168 : memref<10240x128xf32, #tpu.memory_space<hbm>>) dst(%arg8 : memref<128x128xf32, #tpu.memory_space<vmem>>)
      %run_scoped3A_169 = arith.constant 6 : i32
      "tpu.region"() ({
        %run_scoped3A_193 = tpu.sem_alloc : memref<!tpu.dma_semaphore, #tpu.memory_space<semaphore_mem>>
        %dma_start3A_194 = arith.constant 0 : i32
        %dma_start3A_195 = tpu.memref_slice %arg7[%rem3A_36, %run_scoped3A_169, %dma_start3A_194] : memref<2x8x128xi32, #tpu.memory_space<vmem>> -> memref<1x1x128xi32, #tpu.memory_space<vmem>>
        %dma_start3A_196 = tpu.memref_squeeze %dma_start3A_195 : memref<1x1x128xi32, #tpu.memory_space<vmem>> -> memref<128xi32, #tpu.memory_space<vmem>>
        %dma_start3A_197 = arith.constant 0 : i32
        %dma_start3A_198 = arith.constant 0 : i32
        %dma_start3A_199 = tpu.memref_slice %arg10[%dma_start3A_197, %dma_start3A_198] : memref<10240x128xf32, #tpu.memory_space<vmem_shared>> -> memref<10240x128xf32, #tpu.memory_space<vmem_shared>>
        tpu.enqueue_indirect_dma source(%arg8 : memref<128x128xf32, #tpu.memory_space<vmem>>) target(%dma_start3A_199 : memref<10240x128xf32, #tpu.memory_space<vmem_shared>>) offsets(%dma_start3A_196 : memref<128xi32, #tpu.memory_space<vmem>>) semaphore(%run_scoped3A_193 : memref<!tpu.dma_semaphore, #tpu.memory_space<semaphore_mem>>) {add = true}
        %dma_wait3A_200 = arith.constant 0 : i32
        %dma_wait3A_201 = tpu.memref_slice %arg7[%rem3A_36, %run_scoped3A_169, %dma_wait3A_200] : memref<2x8x128xi32, #tpu.memory_space<vmem>> -> memref<1x1x128xi32, #tpu.memory_space<vmem>>
        %dma_wait3A_202 = tpu.memref_squeeze %dma_wait3A_201 : memref<1x1x128xi32, #tpu.memory_space<vmem>> -> memref<128xi32, #tpu.memory_space<vmem>>
        %dma_wait3A_203 = arith.constant 0 : i32
        %dma_wait3A_204 = arith.constant 0 : i32
        %dma_wait3A_205 = tpu.memref_slice %arg10[%dma_wait3A_203, %dma_wait3A_204] : memref<10240x128xf32, #tpu.memory_space<vmem_shared>> -> memref<10240x128xf32, #tpu.memory_space<vmem_shared>>
        tpu.wait_indirect_dma semaphore(%run_scoped3A_193 : memref<!tpu.dma_semaphore, #tpu.memory_space<semaphore_mem>>) src(%arg8 : memref<128x128xf32, #tpu.memory_space<vmem>>) dst(%dma_wait3A_205 : memref<10240x128xf32, #tpu.memory_space<vmem_shared>>)
        tpu.yield
      }) : () -> ()
      %add3A_170 = arith.constant 1 : i32
      %add3A_171 = arith.addi %scan3A_35, %add3A_170 : i32
      %lt3A_172 = arith.constant 10 : i32
      %lt3A_173 = arith.cmpi slt, %add3A_171, %lt3A_172 : i32
      %convert_element_type3A_174 = arith.extui %lt3A_173 : i1 to i32
      %cond3A_175 = arith.constant 0 : i32
      %cond3A_176 = arith.cmpi ne, %convert_element_type3A_174, %cond3A_175 : i32
      scf.if %cond3A_176 {
        %add3A_193 = arith.constant 2 : i32
        %add3A_194 = arith.addi %add3A_154, %add3A_193 : i32
        %dma_start3A_195 = arith.constant 0 : i32
        %dma_start3A_196 = tpu.memref_slice %arg6[%add3A_194, %dma_start3A_195] : memref<80x128xi32, #tpu.memory_space<vmem>> -> memref<1x128xi32, #tpu.memory_space<vmem>>
        %dma_start3A_197 = tpu.memref_squeeze %dma_start3A_196 : memref<1x128xi32, #tpu.memory_space<vmem>> -> memref<128xi32, #tpu.memory_space<vmem>>
        %dma_start3A_198 = arith.constant 0 : i32
        %dma_start3A_199 = arith.constant 0 : i32
        %dma_start3A_200 = tpu.memref_slice %arg2[%dma_start3A_198, %dma_start3A_199] : memref<10240x128xf32, #tpu.memory_space<hbm>> -> memref<10240x128xf32, #tpu.memory_space<hbm>>
        tpu.enqueue_indirect_dma source(%dma_start3A_200 : memref<10240x128xf32, #tpu.memory_space<hbm>>) target(%arg8 : memref<128x128xf32, #tpu.memory_space<vmem>>) offsets(%dma_start3A_197 : memref<128xi32, #tpu.memory_space<vmem>>) semaphore(%arg11 : memref<!tpu.dma_semaphore, #tpu.memory_space<semaphore_mem>>)
      } else {
      }
      %add3A_177 = arith.constant 1 : i32
      %add3A_178 = arith.addi %add3A_154, %add3A_177 : i32
      %dma_wait3A_179 = arith.constant 0 : i32
      %dma_wait3A_180 = tpu.memref_slice %arg6[%add3A_178, %dma_wait3A_179] : memref<80x128xi32, #tpu.memory_space<vmem>> -> memref<1x128xi32, #tpu.memory_space<vmem>>
      %dma_wait3A_181 = tpu.memref_squeeze %dma_wait3A_180 : memref<1x128xi32, #tpu.memory_space<vmem>> -> memref<128xi32, #tpu.memory_space<vmem>>
      %dma_wait3A_182 = arith.constant 0 : i32
      %dma_wait3A_183 = arith.constant 0 : i32
      %dma_wait3A_184 = tpu.memref_slice %arg2[%dma_wait3A_182, %dma_wait3A_183] : memref<10240x128xf32, #tpu.memory_space<hbm>> -> memref<10240x128xf32, #tpu.memory_space<hbm>>
      tpu.wait_indirect_dma semaphore(%arg12 : memref<!tpu.dma_semaphore, #tpu.memory_space<semaphore_mem>>) src(%dma_wait3A_184 : memref<10240x128xf32, #tpu.memory_space<hbm>>) dst(%arg9 : memref<128x128xf32, #tpu.memory_space<vmem>>)
      %run_scoped3A_185 = arith.constant 7 : i32
      "tpu.region"() ({
        %run_scoped3A_193 = tpu.sem_alloc : memref<!tpu.dma_semaphore, #tpu.memory_space<semaphore_mem>>
        %dma_start3A_194 = arith.constant 0 : i32
        %dma_start3A_195 = tpu.memref_slice %arg7[%rem3A_36, %run_scoped3A_185, %dma_start3A_194] : memref<2x8x128xi32, #tpu.memory_space<vmem>> -> memref<1x1x128xi32, #tpu.memory_space<vmem>>
        %dma_start3A_196 = tpu.memref_squeeze %dma_start3A_195 : memref<1x1x128xi32, #tpu.memory_space<vmem>> -> memref<128xi32, #tpu.memory_space<vmem>>
        %dma_start3A_197 = arith.constant 0 : i32
        %dma_start3A_198 = arith.constant 0 : i32
        %dma_start3A_199 = tpu.memref_slice %arg10[%dma_start3A_197, %dma_start3A_198] : memref<10240x128xf32, #tpu.memory_space<vmem_shared>> -> memref<10240x128xf32, #tpu.memory_space<vmem_shared>>
        tpu.enqueue_indirect_dma source(%arg9 : memref<128x128xf32, #tpu.memory_space<vmem>>) target(%dma_start3A_199 : memref<10240x128xf32, #tpu.memory_space<vmem_shared>>) offsets(%dma_start3A_196 : memref<128xi32, #tpu.memory_space<vmem>>) semaphore(%run_scoped3A_193 : memref<!tpu.dma_semaphore, #tpu.memory_space<semaphore_mem>>) {add = true}
        %dma_wait3A_200 = arith.constant 0 : i32
        %dma_wait3A_201 = tpu.memref_slice %arg7[%rem3A_36, %run_scoped3A_185, %dma_wait3A_200] : memref<2x8x128xi32, #tpu.memory_space<vmem>> -> memref<1x1x128xi32, #tpu.memory_space<vmem>>
        %dma_wait3A_202 = tpu.memref_squeeze %dma_wait3A_201 : memref<1x1x128xi32, #tpu.memory_space<vmem>> -> memref<128xi32, #tpu.memory_space<vmem>>
        %dma_wait3A_203 = arith.constant 0 : i32
        %dma_wait3A_204 = arith.constant 0 : i32
        %dma_wait3A_205 = tpu.memref_slice %arg10[%dma_wait3A_203, %dma_wait3A_204] : memref<10240x128xf32, #tpu.memory_space<vmem_shared>> -> memref<10240x128xf32, #tpu.memory_space<vmem_shared>>
        tpu.wait_indirect_dma semaphore(%run_scoped3A_193 : memref<!tpu.dma_semaphore, #tpu.memory_space<semaphore_mem>>) src(%arg9 : memref<128x128xf32, #tpu.memory_space<vmem>>) dst(%dma_wait3A_205 : memref<10240x128xf32, #tpu.memory_space<vmem_shared>>)
        tpu.yield
      }) : () -> ()
      %add3A_186 = arith.constant 1 : i32
      %add3A_187 = arith.addi %scan3A_35, %add3A_186 : i32
      %lt3A_188 = arith.constant 10 : i32
      %lt3A_189 = arith.cmpi slt, %add3A_187, %lt3A_188 : i32
      %convert_element_type3A_190 = arith.extui %lt3A_189 : i1 to i32
      %cond3A_191 = arith.constant 0 : i32
      %cond3A_192 = arith.cmpi ne, %convert_element_type3A_190, %cond3A_191 : i32
      scf.if %cond3A_192 {
        %add3A_193 = arith.constant 1 : i32
        %add3A_194 = arith.addi %scan3A_35, %add3A_193 : i32
        %mul3A_195 = arith.constant 8 : i32
        %mul3A_196 = arith.muli %add3A_194, %mul3A_195 : i32
        %add3A_197 = arith.addi %mul3A_13, %mul3A_196 : i32
        %add3A_198 = arith.constant 1 : i32
        %add3A_199 = arith.addi %scan3A_35, %add3A_198 : i32
        %rem3A_200 = arith.constant 2 : i32
        %rem3A_201 = arith.remsi %add3A_199, %rem3A_200 : i32
        %dma_wait3A_202 = arith.constant 1 : i32
        %dma_wait3A_203 = arith.constant 0 : i32
        %dma_wait3A_204 = arith.constant 0 : i32
        %dma_wait3A_205 = tpu.memref_slice %arg7[%rem3A_201, %dma_wait3A_203, %dma_wait3A_204] : memref<2x8x128xi32, #tpu.memory_space<vmem>> -> memref<1x8x128xi32, #tpu.memory_space<vmem>>
        %dma_wait3A_206 = tpu.memref_squeeze %dma_wait3A_205 : memref<1x8x128xi32, #tpu.memory_space<vmem>> -> memref<8x128xi32, #tpu.memory_space<vmem>>
        %dma_wait3A_207 = arith.constant 0 : i32
        %dma_wait3A_208 = tpu.memref_slice %arg4[%dma_wait3A_202, %add3A_197, %dma_wait3A_207] : memref<2x2560x128xi32, #tpu.memory_space<hbm>> -> memref<1x8x128xi32, #tpu.memory_space<hbm>>
        %dma_wait3A_209 = tpu.memref_squeeze %dma_wait3A_208 : memref<1x8x128xi32, #tpu.memory_space<hbm>> -> memref<8x128xi32, #tpu.memory_space<hbm>>
        %dma_wait3A_210 = arith.constant 0 : i32
        %dma_wait3A_211 = arith.constant 0 : i32
        %dma_wait3A_212 = tpu.memref_slice %arg7[%rem3A_201, %dma_wait3A_210, %dma_wait3A_211] : memref<2x8x128xi32, #tpu.memory_space<vmem>> -> memref<1x8x128xi32, #tpu.memory_space<vmem>>
        %dma_wait3A_213 = tpu.memref_squeeze %dma_wait3A_212 : memref<1x8x128xi32, #tpu.memory_space<vmem>> -> memref<8x128xi32, #tpu.memory_space<vmem>>
        %dma_wait3A_214 = arith.constant 0 : i32
        %dma_wait3A_215 = tpu.memref_slice %arg4[%dma_wait3A_202, %add3A_197, %dma_wait3A_214] : memref<2x2560x128xi32, #tpu.memory_space<hbm>> -> memref<1x8x128xi32, #tpu.memory_space<hbm>>
        %dma_wait3A_216 = tpu.memref_squeeze %dma_wait3A_215 : memref<1x8x128xi32, #tpu.memory_space<hbm>> -> memref<8x128xi32, #tpu.memory_space<hbm>>
        tpu.wait_dma2 semaphore(%arg13 : memref<!tpu.dma_semaphore, #tpu.memory_space<semaphore_mem>>) src(%dma_wait3A_216 : memref<8x128xi32, #tpu.memory_space<hbm>>) dst(%dma_wait3A_213 : memref<8x128xi32, #tpu.memory_space<vmem>>)
      } else {
      }
    }
    %scan3A_29 = arith.constant 10 : i32
    %barrier3A_30 = arith.constant 0 : index
    tpu.barrier barrier_id(%barrier3A_30)
    %mul3A_31 = arith.constant 640 : i32
    %mul3A_32 = arith.muli %arg1, %mul3A_31 : i32
    %mul3A_33 = arith.constant 640 : i32
    %mul3A_34 = arith.muli %arg1, %mul3A_33 : i32
    "tpu.region"() ({
      %run_scoped3A_35 = tpu.sem_alloc : memref<!tpu.dma_semaphore, #tpu.memory_space<semaphore_mem>>
      %dma_start3A_36 = arith.constant 0 : i32
      %dma_start3A_37 = tpu.memref_slice %arg5[%arg0, %mul3A_34, %dma_start3A_36] : memref<2x10240x128xf32, #tpu.memory_space<hbm>> -> memref<1x640x128xf32, #tpu.memory_space<hbm>>
      %dma_start3A_38 = tpu.memref_squeeze %dma_start3A_37 : memref<1x640x128xf32, #tpu.memory_space<hbm>> -> memref<640x128xf32, #tpu.memory_space<hbm>>
      %dma_start3A_39 = arith.constant 0 : i32
      %dma_start3A_40 = tpu.memref_slice %arg10[%mul3A_32, %dma_start3A_39] : memref<10240x128xf32, #tpu.memory_space<vmem_shared>> -> memref<640x128xf32, #tpu.memory_space<vmem_shared>>
      tpu.enqueue_dma source(%dma_start3A_40 : memref<640x128xf32, #tpu.memory_space<vmem_shared>>) target(%dma_start3A_38 : memref<640x128xf32, #tpu.memory_space<hbm>>) target_semaphore(%run_scoped3A_35 : memref<!tpu.dma_semaphore, #tpu.memory_space<semaphore_mem>>)
      %dma_wait3A_41 = arith.constant 0 : i32
      %dma_wait3A_42 = tpu.memref_slice %arg5[%arg0, %mul3A_34, %dma_wait3A_41] : memref<2x10240x128xf32, #tpu.memory_space<hbm>> -> memref<1x640x128xf32, #tpu.memory_space<hbm>>
      %dma_wait3A_43 = tpu.memref_squeeze %dma_wait3A_42 : memref<1x640x128xf32, #tpu.memory_space<hbm>> -> memref<640x128xf32, #tpu.memory_space<hbm>>
      %dma_wait3A_44 = arith.constant 0 : i32
      %dma_wait3A_45 = tpu.memref_slice %arg10[%mul3A_32, %dma_wait3A_44] : memref<10240x128xf32, #tpu.memory_space<vmem_shared>> -> memref<640x128xf32, #tpu.memory_space<vmem_shared>>
      tpu.wait_dma2 semaphore(%run_scoped3A_35 : memref<!tpu.dma_semaphore, #tpu.memory_space<semaphore_mem>>) src(%dma_wait3A_45 : memref<640x128xf32, #tpu.memory_space<vmem_shared>>) dst(%dma_wait3A_43 : memref<640x128xf32, #tpu.memory_space<hbm>>)
      tpu.yield
    }) : () -> ()
    return
  }
}

#map = affine_map<(d0, d1) -> (0, 0)>
#map1 = affine_map<(d0, d1) -> (0, 0, 0)>
module attributes {stable_mosaic.version = 14 : i64} {
  func.func @agg(%arg0: i32, %arg1: i32, %arg2: memref<10240x128xf32, #tpu.memory_space<hbm>>, %arg3: memref<10240x128xf32, #tpu.memory_space<hbm>>, %arg4: memref<2x2560x128xi32, #tpu.memory_space<hbm>>, %arg5: memref<2x10240x128xf32, #tpu.memory_space<hbm>>, %arg6: memref<80x128xi32, #tpu.memory_space<vmem>>, %arg7: memref<2x8x128xi32, #tpu.memory_space<vmem>>, %arg8: memref<128x128xf32, #tpu.memory_space<vmem>>, %arg9: memref<128x128xf32, #tpu.memory_space<vmem>>, %arg10: memref<10240x128xf32, #tpu.memory_space<vmem_shared>>, %arg11: memref<!tpu.dma_semaphore, #tpu.memory_space<semaphore_mem>>, %arg12: memref<!tpu.dma_semaphore, #tpu.memory_space<semaphore_mem>>, %arg13: memref<!tpu.dma_semaphore, #tpu.memory_space<semaphore_mem>>) attributes {dimension_semantics = [#tpu.dimension_semantics<core_parallel>, #tpu.dimension_semantics<subcore_parallel>], iteration_bounds = array<i64: 2, 16>, scalar_prefetch = 0 : i64, scratch_operands = 8 : i64, tpu.core_type = #tpu.core_type<sc_vector_subcore>, window_params = [{transform_indices = #map}, {transform_indices = #map}, {transform_indices = #map1}, {transform_indices = #map1}]} {
    %mul3A = arith.constant 2 : i32
    %mul3A_0 = arith.muli %arg1, %mul3A : i32
    %add3A = arith.addi %mul3A_0, %arg0 : i32
    %eq3A = arith.constant 0 : i32
    %eq3A_1 = arith.cmpi eq, %arg0, %eq3A : i32
    %convert_element_type3A = arith.extui %eq3A_1 : i1 to i32
    %cond3A = arith.constant 0 : i32
    %cond3A_2 = arith.cmpi ne, %convert_element_type3A, %cond3A : i32
    scf.if %cond3A_2 {
      %mul3A_35 = arith.constant 640 : i32
      %mul3A_36 = arith.muli %arg1, %mul3A_35 : i32
      %mul3A_37 = arith.constant 640 : i32
      %mul3A_38 = arith.muli %arg1, %mul3A_37 : i32
      %dma_start3A_39 = arith.constant 0 : i32
      %dma_start3A_40 = tpu.memref_slice %arg10[%mul3A_38, %dma_start3A_39] : memref<10240x128xf32, #tpu.memory_space<vmem_shared>> -> memref<640x128xf32, #tpu.memory_space<vmem_shared>>
      %dma_start3A_41 = arith.constant 0 : i32
      %dma_start3A_42 = tpu.memref_slice %arg2[%mul3A_36, %dma_start3A_41] : memref<10240x128xf32, #tpu.memory_space<hbm>> -> memref<640x128xf32, #tpu.memory_space<hbm>>
      tpu.enqueue_dma source(%dma_start3A_42 : memref<640x128xf32, #tpu.memory_space<hbm>>) target(%dma_start3A_40 : memref<640x128xf32, #tpu.memory_space<vmem_shared>>) target_semaphore(%arg13 : memref<!tpu.dma_semaphore, #tpu.memory_space<semaphore_mem>>)
    } else {
    }
    %eq3A_3 = arith.constant 1 : i32
    %eq3A_4 = arith.cmpi eq, %arg0, %eq3A_3 : i32
    %convert_element_type3A_5 = arith.extui %eq3A_4 : i1 to i32
    %cond3A_6 = arith.constant 0 : i32
    %cond3A_7 = arith.cmpi ne, %convert_element_type3A_5, %cond3A_6 : i32
    scf.if %cond3A_7 {
      %mul3A_35 = arith.constant 640 : i32
      %mul3A_36 = arith.muli %arg1, %mul3A_35 : i32
      %mul3A_37 = arith.constant 640 : i32
      %mul3A_38 = arith.muli %arg1, %mul3A_37 : i32
      %dma_start3A_39 = arith.constant 0 : i32
      %dma_start3A_40 = tpu.memref_slice %arg10[%mul3A_38, %dma_start3A_39] : memref<10240x128xf32, #tpu.memory_space<vmem_shared>> -> memref<640x128xf32, #tpu.memory_space<vmem_shared>>
      %dma_start3A_41 = arith.constant 0 : i32
      %dma_start3A_42 = tpu.memref_slice %arg3[%mul3A_36, %dma_start3A_41] : memref<10240x128xf32, #tpu.memory_space<hbm>> -> memref<640x128xf32, #tpu.memory_space<hbm>>
      tpu.enqueue_dma source(%dma_start3A_42 : memref<640x128xf32, #tpu.memory_space<hbm>>) target(%dma_start3A_40 : memref<640x128xf32, #tpu.memory_space<vmem_shared>>) target_semaphore(%arg13 : memref<!tpu.dma_semaphore, #tpu.memory_space<semaphore_mem>>)
    } else {
    }
    %mul3A_8 = arith.constant 640 : i32
    %mul3A_9 = arith.muli %arg1, %mul3A_8 : i32
    %mul3A_10 = arith.constant 640 : i32
    %mul3A_11 = arith.muli %arg1, %mul3A_10 : i32
    %mul3A_12 = arith.constant 80 : i32
    %mul3A_13 = arith.muli %add3A, %mul3A_12 : i32
    %run_scoped3A = arith.constant 0 : i32
    "tpu.region"() ({
      %run_scoped3A_35 = tpu.sem_alloc : memref<!tpu.dma_semaphore, #tpu.memory_space<semaphore_mem>>
      %dma_start3A_36 = arith.constant 0 : i32
      %dma_start3A_37 = tpu.memref_slice %arg4[%run_scoped3A, %mul3A_13, %dma_start3A_36] : memref<2x2560x128xi32, #tpu.memory_space<hbm>> -> memref<1x80x128xi32, #tpu.memory_space<hbm>>
      %dma_start3A_38 = tpu.memref_squeeze %dma_start3A_37 : memref<1x80x128xi32, #tpu.memory_space<hbm>> -> memref<80x128xi32, #tpu.memory_space<hbm>>
      %dma_start3A_39 = arith.constant 0 : i32
      %dma_start3A_40 = tpu.memref_slice %arg4[%run_scoped3A, %mul3A_13, %dma_start3A_39] : memref<2x2560x128xi32, #tpu.memory_space<hbm>> -> memref<1x80x128xi32, #tpu.memory_space<hbm>>
      %dma_start3A_41 = tpu.memref_squeeze %dma_start3A_40 : memref<1x80x128xi32, #tpu.memory_space<hbm>> -> memref<80x128xi32, #tpu.memory_space<hbm>>
      tpu.enqueue_dma source(%dma_start3A_41 : memref<80x128xi32, #tpu.memory_space<hbm>>) target(%arg6 : memref<80x128xi32, #tpu.memory_space<vmem>>) target_semaphore(%run_scoped3A_35 : memref<!tpu.dma_semaphore, #tpu.memory_space<semaphore_mem>>)
      %dma_wait3A_42 = arith.constant 0 : i32
      %dma_wait3A_43 = tpu.memref_slice %arg4[%run_scoped3A, %mul3A_13, %dma_wait3A_42] : memref<2x2560x128xi32, #tpu.memory_space<hbm>> -> memref<1x80x128xi32, #tpu.memory_space<hbm>>
      %dma_wait3A_44 = tpu.memref_squeeze %dma_wait3A_43 : memref<1x80x128xi32, #tpu.memory_space<hbm>> -> memref<80x128xi32, #tpu.memory_space<hbm>>
      %dma_wait3A_45 = arith.constant 0 : i32
      %dma_wait3A_46 = tpu.memref_slice %arg4[%run_scoped3A, %mul3A_13, %dma_wait3A_45] : memref<2x2560x128xi32, #tpu.memory_space<hbm>> -> memref<1x80x128xi32, #tpu.memory_space<hbm>>
      %dma_wait3A_47 = tpu.memref_squeeze %dma_wait3A_46 : memref<1x80x128xi32, #tpu.memory_space<hbm>> -> memref<80x128xi32, #tpu.memory_space<hbm>>
      tpu.wait_dma2 semaphore(%run_scoped3A_35 : memref<!tpu.dma_semaphore, #tpu.memory_space<semaphore_mem>>) src(%dma_wait3A_47 : memref<80x128xi32, #tpu.memory_space<hbm>>) dst(%arg6 : memref<80x128xi32, #tpu.memory_space<vmem>>)
      tpu.yield
    }) : () -> ()
    %run_scoped3A_14 = arith.constant 1 : i32
    %run_scoped3A_15 = arith.constant 0 : i32
    "tpu.region"() ({
      %run_scoped3A_35 = tpu.sem_alloc : memref<!tpu.dma_semaphore, #tpu.memory_space<semaphore_mem>>
      %dma_start3A_36 = arith.constant 0 : i32
      %dma_start3A_37 = arith.constant 0 : i32
      %dma_start3A_38 = tpu.memref_slice %arg7[%run_scoped3A_15, %dma_start3A_36, %dma_start3A_37] : memref<2x8x128xi32, #tpu.memory_space<vmem>> -> memref<1x8x128xi32, #tpu.memory_space<vmem>>
      %dma_start3A_39 = tpu.memref_squeeze %dma_start3A_38 : memref<1x8x128xi32, #tpu.memory_space<vmem>> -> memref<8x128xi32, #tpu.memory_space<vmem>>
      %dma_start3A_40 = arith.constant 0 : i32
      %dma_start3A_41 = tpu.memref_slice %arg4[%run_scoped3A_14, %mul3A_13, %dma_start3A_40] : memref<2x2560x128xi32, #tpu.memory_space<hbm>> -> memref<1x8x128xi32, #tpu.memory_space<hbm>>
      %dma_start3A_42 = tpu.memref_squeeze %dma_start3A_41 : memref<1x8x128xi32, #tpu.memory_space<hbm>> -> memref<8x128xi32, #tpu.memory_space<hbm>>
      %dma_start3A_43 = arith.constant 0 : i32
      %dma_start3A_44 = arith.constant 0 : i32
      %dma_start3A_45 = tpu.memref_slice %arg7[%run_scoped3A_15, %dma_start3A_43, %dma_start3A_44] : memref<2x8x128xi32, #tpu.memory_space<vmem>> -> memref<1x8x128xi32, #tpu.memory_space<vmem>>
      %dma_start3A_46 = tpu.memref_squeeze %dma_start3A_45 : memref<1x8x128xi32, #tpu.memory_space<vmem>> -> memref<8x128xi32, #tpu.memory_space<vmem>>
      %dma_start3A_47 = arith.constant 0 : i32
      %dma_start3A_48 = tpu.memref_slice %arg4[%run_scoped3A_14, %mul3A_13, %dma_start3A_47] : memref<2x2560x128xi32, #tpu.memory_space<hbm>> -> memref<1x8x128xi32, #tpu.memory_space<hbm>>
      %dma_start3A_49 = tpu.memref_squeeze %dma_start3A_48 : memref<1x8x128xi32, #tpu.memory_space<hbm>> -> memref<8x128xi32, #tpu.memory_space<hbm>>
      tpu.enqueue_dma source(%dma_start3A_49 : memref<8x128xi32, #tpu.memory_space<hbm>>) target(%dma_start3A_46 : memref<8x128xi32, #tpu.memory_space<vmem>>) target_semaphore(%run_scoped3A_35 : memref<!tpu.dma_semaphore, #tpu.memory_space<semaphore_mem>>)
      %dma_wait3A_50 = arith.constant 0 : i32
      %dma_wait3A_51 = arith.constant 0 : i32
      %dma_wait3A_52 = tpu.memref_slice %arg7[%run_scoped3A_15, %dma_wait3A_50, %dma_wait3A_51] : memref<2x8x128xi32, #tpu.memory_space<vmem>> -> memref<1x8x128xi32, #tpu.memory_space<vmem>>
      %dma_wait3A_53 = tpu.memref_squeeze %dma_wait3A_52 : memref<1x8x128xi32, #tpu.memory_space<vmem>> -> memref<8x128xi32, #tpu.memory_space<vmem>>
      %dma_wait3A_54 = arith.constant 0 : i32
      %dma_wait3A_55 = tpu.memref_slice %arg4[%run_scoped3A_14, %mul3A_13, %dma_wait3A_54] : memref<2x2560x128xi32, #tpu.memory_space<hbm>> -> memref<1x8x128xi32, #tpu.memory_space<hbm>>
      %dma_wait3A_56 = tpu.memref_squeeze %dma_wait3A_55 : memref<1x8x128xi32, #tpu.memory_space<hbm>> -> memref<8x128xi32, #tpu.memory_space<hbm>>
      %dma_wait3A_57 = arith.constant 0 : i32
      %dma_wait3A_58 = arith.constant 0 : i32
      %dma_wait3A_59 = tpu.memref_slice %arg7[%run_scoped3A_15, %dma_wait3A_57, %dma_wait3A_58] : memref<2x8x128xi32, #tpu.memory_space<vmem>> -> memref<1x8x128xi32, #tpu.memory_space<vmem>>
      %dma_wait3A_60 = tpu.memref_squeeze %dma_wait3A_59 : memref<1x8x128xi32, #tpu.memory_space<vmem>> -> memref<8x128xi32, #tpu.memory_space<vmem>>
      %dma_wait3A_61 = arith.constant 0 : i32
      %dma_wait3A_62 = tpu.memref_slice %arg4[%run_scoped3A_14, %mul3A_13, %dma_wait3A_61] : memref<2x2560x128xi32, #tpu.memory_space<hbm>> -> memref<1x8x128xi32, #tpu.memory_space<hbm>>
      %dma_wait3A_63 = tpu.memref_squeeze %dma_wait3A_62 : memref<1x8x128xi32, #tpu.memory_space<hbm>> -> memref<8x128xi32, #tpu.memory_space<hbm>>
      tpu.wait_dma2 semaphore(%run_scoped3A_35 : memref<!tpu.dma_semaphore, #tpu.memory_space<semaphore_mem>>) src(%dma_wait3A_63 : memref<8x128xi32, #tpu.memory_space<hbm>>) dst(%dma_wait3A_60 : memref<8x128xi32, #tpu.memory_space<vmem>>)
      tpu.yield
    }) : () -> ()
    %dma_start3A = arith.constant 0 : i32
    %dma_start3A_16 = arith.constant 0 : i32
    %dma_start3A_17 = tpu.memref_slice %arg6[%dma_start3A, %dma_start3A_16] : memref<80x128xi32, #tpu.memory_space<vmem>> -> memref<1x128xi32, #tpu.memory_space<vmem>>
    %dma_start3A_18 = tpu.memref_squeeze %dma_start3A_17 : memref<1x128xi32, #tpu.memory_space<vmem>> -> memref<128xi32, #tpu.memory_space<vmem>>
    %dma_start3A_19 = arith.constant 0 : i32
    %dma_start3A_20 = arith.constant 0 : i32
    %dma_start3A_21 = tpu.memref_slice %arg2[%dma_start3A_19, %dma_start3A_20] : memref<10240x128xf32, #tpu.memory_space<hbm>> -> memref<10240x128xf32, #tpu.memory_space<hbm>>
    tpu.enqueue_indirect_dma source(%dma_start3A_21 : memref<10240x128xf32, #tpu.memory_space<hbm>>) target(%arg8 : memref<128x128xf32, #tpu.memory_space<vmem>>) offsets(%dma_start3A_18 : memref<128xi32, #tpu.memory_space<vmem>>) semaphore(%arg11 : memref<!tpu.dma_semaphore, #tpu.memory_space<semaphore_mem>>)
    %dma_wait3A = arith.constant 0 : i32
    %dma_wait3A_22 = tpu.memref_slice %arg10[%mul3A_11, %dma_wait3A] : memref<10240x128xf32, #tpu.memory_space<vmem_shared>> -> memref<640x128xf32, #tpu.memory_space<vmem_shared>>
    %dma_wait3A_23 = arith.constant 0 : i32
    %dma_wait3A_24 = tpu.memref_slice %arg2[%mul3A_9, %dma_wait3A_23] : memref<10240x128xf32, #tpu.memory_space<hbm>> -> memref<640x128xf32, #tpu.memory_space<hbm>>
    tpu.wait_dma2 semaphore(%arg13 : memref<!tpu.dma_semaphore, #tpu.memory_space<semaphore_mem>>) src(%dma_wait3A_24 : memref<640x128xf32, #tpu.memory_space<hbm>>) dst(%dma_wait3A_22 : memref<640x128xf32, #tpu.memory_space<vmem_shared>>)
    %barrier3A = arith.constant 0 : index
    tpu.barrier barrier_id(%barrier3A)
    %scan3A = arith.constant 0 : i32
    %scan3A_25 = arith.constant 0 : i32
    %scan3A_26 = arith.constant 10 : i32
    %scan3A_27 = arith.addi %scan3A_25, %scan3A_26 : i32
    %scan3A_28 = arith.constant 1 : i32
    scf.for %scan3A_35 = %scan3A_25 to %scan3A_27 step %scan3A_28  : i32 {
      %rem3A = arith.constant 2 : i32
      %rem3A_36 = arith.remsi %scan3A_35, %rem3A : i32
      %add3A_37 = arith.constant 1 : i32
      %add3A_38 = arith.addi %scan3A_35, %add3A_37 : i32
      %lt3A = arith.constant 10 : i32
      %lt3A_39 = arith.cmpi slt, %add3A_38, %lt3A : i32
      %convert_element_type3A_40 = arith.extui %lt3A_39 : i1 to i32
      %cond3A_41 = arith.constant 0 : i32
      %cond3A_42 = arith.cmpi ne, %convert_element_type3A_40, %cond3A_41 : i32
      scf.if %cond3A_42 {
        %add3A_193 = arith.constant 1 : i32
        %add3A_194 = arith.addi %scan3A_35, %add3A_193 : i32
        %mul3A_195 = arith.constant 8 : i32
        %mul3A_196 = arith.muli %add3A_194, %mul3A_195 : i32
        %add3A_197 = arith.addi %mul3A_13, %mul3A_196 : i32
        %add3A_198 = arith.constant 1 : i32
        %add3A_199 = arith.addi %scan3A_35, %add3A_198 : i32
        %rem3A_200 = arith.constant 2 : i32
        %rem3A_201 = arith.remsi %add3A_199, %rem3A_200 : i32
        %dma_start3A_202 = arith.constant 1 : i32
        %dma_start3A_203 = arith.constant 0 : i32
        %dma_start3A_204 = arith.constant 0 : i32
        %dma_start3A_205 = tpu.memref_slice %arg7[%rem3A_201, %dma_start3A_203, %dma_start3A_204] : memref<2x8x128xi32, #tpu.memory_space<vmem>> -> memref<1x8x128xi32, #tpu.memory_space<vmem>>
        %dma_start3A_206 = tpu.memref_squeeze %dma_start3A_205 : memref<1x8x128xi32, #tpu.memory_space<vmem>> -> memref<8x128xi32, #tpu.memory_space<vmem>>
        %dma_start3A_207 = arith.constant 0 : i32
        %dma_start3A_208 = tpu.memref_slice %arg4[%dma_start3A_202, %add3A_197, %dma_start3A_207] : memref<2x2560x128xi32, #tpu.memory_space<hbm>> -> memref<1x8x128xi32, #tpu.memory_space<hbm>>
        %dma_start3A_209 = tpu.memref_squeeze %dma_start3A_208 : memref<1x8x128xi32, #tpu.memory_space<hbm>> -> memref<8x128xi32, #tpu.memory_space<hbm>>
        %dma_start3A_210 = arith.constant 0 : i32
        %dma_start3A_211 = arith.constant 0 : i32
        %dma_start3A_212 = tpu.memref_slice %arg7[%rem3A_201, %dma_start3A_210, %dma_start3A_211] : memref<2x8x128xi32, #tpu.memory_space<vmem>> -> memref<1x8x128xi32, #tpu.memory_space<vmem>>
        %dma_start3A_213 = tpu.memref_squeeze %dma_start3A_212 : memref<1x8x128xi32, #tpu.memory_space<vmem>> -> memref<8x128xi32, #tpu.memory_space<vmem>>
        %dma_start3A_214 = arith.constant 0 : i32
        %dma_start3A_215 = tpu.memref_slice %arg4[%dma_start3A_202, %add3A_197, %dma_start3A_214] : memref<2x2560x128xi32, #tpu.memory_space<hbm>> -> memref<1x8x128xi32, #tpu.memory_space<hbm>>
        %dma_start3A_216 = tpu.memref_squeeze %dma_start3A_215 : memref<1x8x128xi32, #tpu.memory_space<hbm>> -> memref<8x128xi32, #tpu.memory_space<hbm>>
        tpu.enqueue_dma source(%dma_start3A_216 : memref<8x128xi32, #tpu.memory_space<hbm>>) target(%dma_start3A_213 : memref<8x128xi32, #tpu.memory_space<vmem>>) target_semaphore(%arg13 : memref<!tpu.dma_semaphore, #tpu.memory_space<semaphore_mem>>)
      } else {
      }
      %mul3A_43 = arith.constant 8 : i32
      %mul3A_44 = arith.muli %scan3A_35, %mul3A_43 : i32
      %add3A_45 = arith.constant 0 : i32
      %add3A_46 = arith.addi %mul3A_44, %add3A_45 : i32
      %add3A_47 = arith.constant 1 : i32
      %add3A_48 = arith.addi %add3A_46, %add3A_47 : i32
      %dma_start3A_49 = arith.constant 0 : i32
      %dma_start3A_50 = tpu.memref_slice %arg6[%add3A_48, %dma_start3A_49] : memref<80x128xi32, #tpu.memory_space<vmem>> -> memref<1x128xi32, #tpu.memory_space<vmem>>
      %dma_start3A_51 = tpu.memref_squeeze %dma_start3A_50 : memref<1x128xi32, #tpu.memory_space<vmem>> -> memref<128xi32, #tpu.memory_space<vmem>>
      %dma_start3A_52 = arith.constant 0 : i32
      %dma_start3A_53 = arith.constant 0 : i32
      %dma_start3A_54 = tpu.memref_slice %arg2[%dma_start3A_52, %dma_start3A_53] : memref<10240x128xf32, #tpu.memory_space<hbm>> -> memref<10240x128xf32, #tpu.memory_space<hbm>>
      tpu.enqueue_indirect_dma source(%dma_start3A_54 : memref<10240x128xf32, #tpu.memory_space<hbm>>) target(%arg9 : memref<128x128xf32, #tpu.memory_space<vmem>>) offsets(%dma_start3A_51 : memref<128xi32, #tpu.memory_space<vmem>>) semaphore(%arg12 : memref<!tpu.dma_semaphore, #tpu.memory_space<semaphore_mem>>)
      %dma_wait3A_55 = arith.constant 0 : i32
      %dma_wait3A_56 = tpu.memref_slice %arg6[%add3A_46, %dma_wait3A_55] : memref<80x128xi32, #tpu.memory_space<vmem>> -> memref<1x128xi32, #tpu.memory_space<vmem>>
      %dma_wait3A_57 = tpu.memref_squeeze %dma_wait3A_56 : memref<1x128xi32, #tpu.memory_space<vmem>> -> memref<128xi32, #tpu.memory_space<vmem>>
      %dma_wait3A_58 = arith.constant 0 : i32
      %dma_wait3A_59 = arith.constant 0 : i32
      %dma_wait3A_60 = tpu.memref_slice %arg2[%dma_wait3A_58, %dma_wait3A_59] : memref<10240x128xf32, #tpu.memory_space<hbm>> -> memref<10240x128xf32, #tpu.memory_space<hbm>>
      tpu.wait_indirect_dma semaphore(%arg11 : memref<!tpu.dma_semaphore, #tpu.memory_space<semaphore_mem>>) src(%dma_wait3A_60 : memref<10240x128xf32, #tpu.memory_space<hbm>>) dst(%arg8 : memref<128x128xf32, #tpu.memory_space<vmem>>)
      %run_scoped3A_61 = arith.constant 0 : i32
      "tpu.region"() ({
        %run_scoped3A_193 = tpu.sem_alloc : memref<!tpu.dma_semaphore, #tpu.memory_space<semaphore_mem>>
        %dma_start3A_194 = arith.constant 0 : i32
        %dma_start3A_195 = tpu.memref_slice %arg7[%rem3A_36, %run_scoped3A_61, %dma_start3A_194] : memref<2x8x128xi32, #tpu.memory_space<vmem>> -> memref<1x1x128xi32, #tpu.memory_space<vmem>>
        %dma_start3A_196 = tpu.memref_squeeze %dma_start3A_195 : memref<1x1x128xi32, #tpu.memory_space<vmem>> -> memref<128xi32, #tpu.memory_space<vmem>>
        %dma_start3A_197 = arith.constant 0 : i32
        %dma_start3A_198 = arith.constant 0 : i32
        %dma_start3A_199 = tpu.memref_slice %arg10[%dma_start3A_197, %dma_start3A_198] : memref<10240x128xf32, #tpu.memory_space<vmem_shared>> -> memref<10240x128xf32, #tpu.memory_space<vmem_shared>>
        tpu.enqueue_indirect_dma source(%arg8 : memref<128x128xf32, #tpu.memory_space<vmem>>) target(%dma_start3A_199 : memref<10240x128xf32, #tpu.memory_space<vmem_shared>>) offsets(%dma_start3A_196 : memref<128xi32, #tpu.memory_space<vmem>>) semaphore(%run_scoped3A_193 : memref<!tpu.dma_semaphore, #tpu.memory_space<semaphore_mem>>) {add = true}
        %dma_wait3A_200 = arith.constant 0 : i32
        %dma_wait3A_201 = tpu.memref_slice %arg7[%rem3A_36, %run_scoped3A_61, %dma_wait3A_200] : memref<2x8x128xi32, #tpu.memory_space<vmem>> -> memref<1x1x128xi32, #tpu.memory_space<vmem>>
        %dma_wait3A_202 = tpu.memref_squeeze %dma_wait3A_201 : memref<1x1x128xi32, #tpu.memory_space<vmem>> -> memref<128xi32, #tpu.memory_space<vmem>>
        %dma_wait3A_203 = arith.constant 0 : i32
        %dma_wait3A_204 = arith.constant 0 : i32
        %dma_wait3A_205 = tpu.memref_slice %arg10[%dma_wait3A_203, %dma_wait3A_204] : memref<10240x128xf32, #tpu.memory_space<vmem_shared>> -> memref<10240x128xf32, #tpu.memory_space<vmem_shared>>
        tpu.wait_indirect_dma semaphore(%run_scoped3A_193 : memref<!tpu.dma_semaphore, #tpu.memory_space<semaphore_mem>>) src(%arg8 : memref<128x128xf32, #tpu.memory_space<vmem>>) dst(%dma_wait3A_205 : memref<10240x128xf32, #tpu.memory_space<vmem_shared>>)
        tpu.yield
      }) : () -> ()
      %add3A_62 = arith.constant 2 : i32
      %add3A_63 = arith.addi %add3A_46, %add3A_62 : i32
      %dma_start3A_64 = arith.constant 0 : i32
      %dma_start3A_65 = tpu.memref_slice %arg6[%add3A_63, %dma_start3A_64] : memref<80x128xi32, #tpu.memory_space<vmem>> -> memref<1x128xi32, #tpu.memory_space<vmem>>
      %dma_start3A_66 = tpu.memref_squeeze %dma_start3A_65 : memref<1x128xi32, #tpu.memory_space<vmem>> -> memref<128xi32, #tpu.memory_space<vmem>>
      %dma_start3A_67 = arith.constant 0 : i32
      %dma_start3A_68 = arith.constant 0 : i32
      %dma_start3A_69 = tpu.memref_slice %arg2[%dma_start3A_67, %dma_start3A_68] : memref<10240x128xf32, #tpu.memory_space<hbm>> -> memref<10240x128xf32, #tpu.memory_space<hbm>>
      tpu.enqueue_indirect_dma source(%dma_start3A_69 : memref<10240x128xf32, #tpu.memory_space<hbm>>) target(%arg8 : memref<128x128xf32, #tpu.memory_space<vmem>>) offsets(%dma_start3A_66 : memref<128xi32, #tpu.memory_space<vmem>>) semaphore(%arg11 : memref<!tpu.dma_semaphore, #tpu.memory_space<semaphore_mem>>)
      %add3A_70 = arith.constant 1 : i32
      %add3A_71 = arith.addi %add3A_46, %add3A_70 : i32
      %dma_wait3A_72 = arith.constant 0 : i32
      %dma_wait3A_73 = tpu.memref_slice %arg6[%add3A_71, %dma_wait3A_72] : memref<80x128xi32, #tpu.memory_space<vmem>> -> memref<1x128xi32, #tpu.memory_space<vmem>>
      %dma_wait3A_74 = tpu.memref_squeeze %dma_wait3A_73 : memref<1x128xi32, #tpu.memory_space<vmem>> -> memref<128xi32, #tpu.memory_space<vmem>>
      %dma_wait3A_75 = arith.constant 0 : i32
      %dma_wait3A_76 = arith.constant 0 : i32
      %dma_wait3A_77 = tpu.memref_slice %arg2[%dma_wait3A_75, %dma_wait3A_76] : memref<10240x128xf32, #tpu.memory_space<hbm>> -> memref<10240x128xf32, #tpu.memory_space<hbm>>
      tpu.wait_indirect_dma semaphore(%arg12 : memref<!tpu.dma_semaphore, #tpu.memory_space<semaphore_mem>>) src(%dma_wait3A_77 : memref<10240x128xf32, #tpu.memory_space<hbm>>) dst(%arg9 : memref<128x128xf32, #tpu.memory_space<vmem>>)
      %run_scoped3A_78 = arith.constant 1 : i32
      "tpu.region"() ({
        %run_scoped3A_193 = tpu.sem_alloc : memref<!tpu.dma_semaphore, #tpu.memory_space<semaphore_mem>>
        %dma_start3A_194 = arith.constant 0 : i32
        %dma_start3A_195 = tpu.memref_slice %arg7[%rem3A_36, %run_scoped3A_78, %dma_start3A_194] : memref<2x8x128xi32, #tpu.memory_space<vmem>> -> memref<1x1x128xi32, #tpu.memory_space<vmem>>
        %dma_start3A_196 = tpu.memref_squeeze %dma_start3A_195 : memref<1x1x128xi32, #tpu.memory_space<vmem>> -> memref<128xi32, #tpu.memory_space<vmem>>
        %dma_start3A_197 = arith.constant 0 : i32
        %dma_start3A_198 = arith.constant 0 : i32
        %dma_start3A_199 = tpu.memref_slice %arg10[%dma_start3A_197, %dma_start3A_198] : memref<10240x128xf32, #tpu.memory_space<vmem_shared>> -> memref<10240x128xf32, #tpu.memory_space<vmem_shared>>
        tpu.enqueue_indirect_dma source(%arg9 : memref<128x128xf32, #tpu.memory_space<vmem>>) target(%dma_start3A_199 : memref<10240x128xf32, #tpu.memory_space<vmem_shared>>) offsets(%dma_start3A_196 : memref<128xi32, #tpu.memory_space<vmem>>) semaphore(%run_scoped3A_193 : memref<!tpu.dma_semaphore, #tpu.memory_space<semaphore_mem>>) {add = true}
        %dma_wait3A_200 = arith.constant 0 : i32
        %dma_wait3A_201 = tpu.memref_slice %arg7[%rem3A_36, %run_scoped3A_78, %dma_wait3A_200] : memref<2x8x128xi32, #tpu.memory_space<vmem>> -> memref<1x1x128xi32, #tpu.memory_space<vmem>>
        %dma_wait3A_202 = tpu.memref_squeeze %dma_wait3A_201 : memref<1x1x128xi32, #tpu.memory_space<vmem>> -> memref<128xi32, #tpu.memory_space<vmem>>
        %dma_wait3A_203 = arith.constant 0 : i32
        %dma_wait3A_204 = arith.constant 0 : i32
        %dma_wait3A_205 = tpu.memref_slice %arg10[%dma_wait3A_203, %dma_wait3A_204] : memref<10240x128xf32, #tpu.memory_space<vmem_shared>> -> memref<10240x128xf32, #tpu.memory_space<vmem_shared>>
        tpu.wait_indirect_dma semaphore(%run_scoped3A_193 : memref<!tpu.dma_semaphore, #tpu.memory_space<semaphore_mem>>) src(%arg9 : memref<128x128xf32, #tpu.memory_space<vmem>>) dst(%dma_wait3A_205 : memref<10240x128xf32, #tpu.memory_space<vmem_shared>>)
        tpu.yield
      }) : () -> ()
      %mul3A_79 = arith.constant 8 : i32
      %mul3A_80 = arith.muli %scan3A_35, %mul3A_79 : i32
      %add3A_81 = arith.constant 2 : i32
      %add3A_82 = arith.addi %mul3A_80, %add3A_81 : i32
      %add3A_83 = arith.constant 1 : i32
      %add3A_84 = arith.addi %add3A_82, %add3A_83 : i32
      %dma_start3A_85 = arith.constant 0 : i32
      %dma_start3A_86 = tpu.memref_slice %arg6[%add3A_84, %dma_start3A_85] : memref<80x128xi32, #tpu.memory_space<vmem>> -> memref<1x128xi32, #tpu.memory_space<vmem>>
      %dma_start3A_87 = tpu.memref_squeeze %dma_start3A_86 : memref<1x128xi32, #tpu.memory_space<vmem>> -> memref<128xi32, #tpu.memory_space<vmem>>
      %dma_start3A_88 = arith.constant 0 : i32
      %dma_start3A_89 = arith.constant 0 : i32
      %dma_start3A_90 = tpu.memref_slice %arg2[%dma_start3A_88, %dma_start3A_89] : memref<10240x128xf32, #tpu.memory_space<hbm>> -> memref<10240x128xf32, #tpu.memory_space<hbm>>
      tpu.enqueue_indirect_dma source(%dma_start3A_90 : memref<10240x128xf32, #tpu.memory_space<hbm>>) target(%arg9 : memref<128x128xf32, #tpu.memory_space<vmem>>) offsets(%dma_start3A_87 : memref<128xi32, #tpu.memory_space<vmem>>) semaphore(%arg12 : memref<!tpu.dma_semaphore, #tpu.memory_space<semaphore_mem>>)
      %dma_wait3A_91 = arith.constant 0 : i32
      %dma_wait3A_92 = tpu.memref_slice %arg6[%add3A_82, %dma_wait3A_91] : memref<80x128xi32, #tpu.memory_space<vmem>> -> memref<1x128xi32, #tpu.memory_space<vmem>>
      %dma_wait3A_93 = tpu.memref_squeeze %dma_wait3A_92 : memref<1x128xi32, #tpu.memory_space<vmem>> -> memref<128xi32, #tpu.memory_space<vmem>>
      %dma_wait3A_94 = arith.constant 0 : i32
      %dma_wait3A_95 = arith.constant 0 : i32
      %dma_wait3A_96 = tpu.memref_slice %arg2[%dma_wait3A_94, %dma_wait3A_95] : memref<10240x128xf32, #tpu.memory_space<hbm>> -> memref<10240x128xf32, #tpu.memory_space<hbm>>
      tpu.wait_indirect_dma semaphore(%arg11 : memref<!tpu.dma_semaphore, #tpu.memory_space<semaphore_mem>>) src(%dma_wait3A_96 : memref<10240x128xf32, #tpu.memory_space<hbm>>) dst(%arg8 : memref<128x128xf32, #tpu.memory_space<vmem>>)
      %run_scoped3A_97 = arith.constant 2 : i32
      "tpu.region"() ({
        %run_scoped3A_193 = tpu.sem_alloc : memref<!tpu.dma_semaphore, #tpu.memory_space<semaphore_mem>>
        %dma_start3A_194 = arith.constant 0 : i32
        %dma_start3A_195 = tpu.memref_slice %arg7[%rem3A_36, %run_scoped3A_97, %dma_start3A_194] : memref<2x8x128xi32, #tpu.memory_space<vmem>> -> memref<1x1x128xi32, #tpu.memory_space<vmem>>
        %dma_start3A_196 = tpu.memref_squeeze %dma_start3A_195 : memref<1x1x128xi32, #tpu.memory_space<vmem>> -> memref<128xi32, #tpu.memory_space<vmem>>
        %dma_start3A_197 = arith.constant 0 : i32
        %dma_start3A_198 = arith.constant 0 : i32
        %dma_start3A_199 = tpu.memref_slice %arg10[%dma_start3A_197, %dma_start3A_198] : memref<10240x128xf32, #tpu.memory_space<vmem_shared>> -> memref<10240x128xf32, #tpu.memory_space<vmem_shared>>
        tpu.enqueue_indirect_dma source(%arg8 : memref<128x128xf32, #tpu.memory_space<vmem>>) target(%dma_start3A_199 : memref<10240x128xf32, #tpu.memory_space<vmem_shared>>) offsets(%dma_start3A_196 : memref<128xi32, #tpu.memory_space<vmem>>) semaphore(%run_scoped3A_193 : memref<!tpu.dma_semaphore, #tpu.memory_space<semaphore_mem>>) {add = true}
        %dma_wait3A_200 = arith.constant 0 : i32
        %dma_wait3A_201 = tpu.memref_slice %arg7[%rem3A_36, %run_scoped3A_97, %dma_wait3A_200] : memref<2x8x128xi32, #tpu.memory_space<vmem>> -> memref<1x1x128xi32, #tpu.memory_space<vmem>>
        %dma_wait3A_202 = tpu.memref_squeeze %dma_wait3A_201 : memref<1x1x128xi32, #tpu.memory_space<vmem>> -> memref<128xi32, #tpu.memory_space<vmem>>
        %dma_wait3A_203 = arith.constant 0 : i32
        %dma_wait3A_204 = arith.constant 0 : i32
        %dma_wait3A_205 = tpu.memref_slice %arg10[%dma_wait3A_203, %dma_wait3A_204] : memref<10240x128xf32, #tpu.memory_space<vmem_shared>> -> memref<10240x128xf32, #tpu.memory_space<vmem_shared>>
        tpu.wait_indirect_dma semaphore(%run_scoped3A_193 : memref<!tpu.dma_semaphore, #tpu.memory_space<semaphore_mem>>) src(%arg8 : memref<128x128xf32, #tpu.memory_space<vmem>>) dst(%dma_wait3A_205 : memref<10240x128xf32, #tpu.memory_space<vmem_shared>>)
        tpu.yield
      }) : () -> ()
      %add3A_98 = arith.constant 2 : i32
      %add3A_99 = arith.addi %add3A_82, %add3A_98 : i32
      %dma_start3A_100 = arith.constant 0 : i32
      %dma_start3A_101 = tpu.memref_slice %arg6[%add3A_99, %dma_start3A_100] : memref<80x128xi32, #tpu.memory_space<vmem>> -> memref<1x128xi32, #tpu.memory_space<vmem>>
      %dma_start3A_102 = tpu.memref_squeeze %dma_start3A_101 : memref<1x128xi32, #tpu.memory_space<vmem>> -> memref<128xi32, #tpu.memory_space<vmem>>
      %dma_start3A_103 = arith.constant 0 : i32
      %dma_start3A_104 = arith.constant 0 : i32
      %dma_start3A_105 = tpu.memref_slice %arg2[%dma_start3A_103, %dma_start3A_104] : memref<10240x128xf32, #tpu.memory_space<hbm>> -> memref<10240x128xf32, #tpu.memory_space<hbm>>
      tpu.enqueue_indirect_dma source(%dma_start3A_105 : memref<10240x128xf32, #tpu.memory_space<hbm>>) target(%arg8 : memref<128x128xf32, #tpu.memory_space<vmem>>) offsets(%dma_start3A_102 : memref<128xi32, #tpu.memory_space<vmem>>) semaphore(%arg11 : memref<!tpu.dma_semaphore, #tpu.memory_space<semaphore_mem>>)
      %add3A_106 = arith.constant 1 : i32
      %add3A_107 = arith.addi %add3A_82, %add3A_106 : i32
      %dma_wait3A_108 = arith.constant 0 : i32
      %dma_wait3A_109 = tpu.memref_slice %arg6[%add3A_107, %dma_wait3A_108] : memref<80x128xi32, #tpu.memory_space<vmem>> -> memref<1x128xi32, #tpu.memory_space<vmem>>
      %dma_wait3A_110 = tpu.memref_squeeze %dma_wait3A_109 : memref<1x128xi32, #tpu.memory_space<vmem>> -> memref<128xi32, #tpu.memory_space<vmem>>
      %dma_wait3A_111 = arith.constant 0 : i32
      %dma_wait3A_112 = arith.constant 0 : i32
      %dma_wait3A_113 = tpu.memref_slice %arg2[%dma_wait3A_111, %dma_wait3A_112] : memref<10240x128xf32, #tpu.memory_space<hbm>> -> memref<10240x128xf32, #tpu.memory_space<hbm>>
      tpu.wait_indirect_dma semaphore(%arg12 : memref<!tpu.dma_semaphore, #tpu.memory_space<semaphore_mem>>) src(%dma_wait3A_113 : memref<10240x128xf32, #tpu.memory_space<hbm>>) dst(%arg9 : memref<128x128xf32, #tpu.memory_space<vmem>>)
      %run_scoped3A_114 = arith.constant 3 : i32
      "tpu.region"() ({
        %run_scoped3A_193 = tpu.sem_alloc : memref<!tpu.dma_semaphore, #tpu.memory_space<semaphore_mem>>
        %dma_start3A_194 = arith.constant 0 : i32
        %dma_start3A_195 = tpu.memref_slice %arg7[%rem3A_36, %run_scoped3A_114, %dma_start3A_194] : memref<2x8x128xi32, #tpu.memory_space<vmem>> -> memref<1x1x128xi32, #tpu.memory_space<vmem>>
        %dma_start3A_196 = tpu.memref_squeeze %dma_start3A_195 : memref<1x1x128xi32, #tpu.memory_space<vmem>> -> memref<128xi32, #tpu.memory_space<vmem>>
        %dma_start3A_197 = arith.constant 0 : i32
        %dma_start3A_198 = arith.constant 0 : i32
        %dma_start3A_199 = tpu.memref_slice %arg10[%dma_start3A_197, %dma_start3A_198] : memref<10240x128xf32, #tpu.memory_space<vmem_shared>> -> memref<10240x128xf32, #tpu.memory_space<vmem_shared>>
        tpu.enqueue_indirect_dma source(%arg9 : memref<128x128xf32, #tpu.memory_space<vmem>>) target(%dma_start3A_199 : memref<10240x128xf32, #tpu.memory_space<vmem_shared>>) offsets(%dma_start3A_196 : memref<128xi32, #tpu.memory_space<vmem>>) semaphore(%run_scoped3A_193 : memref<!tpu.dma_semaphore, #tpu.memory_space<semaphore_mem>>) {add = true}
        %dma_wait3A_200 = arith.constant 0 : i32
        %dma_wait3A_201 = tpu.memref_slice %arg7[%rem3A_36, %run_scoped3A_114, %dma_wait3A_200] : memref<2x8x128xi32, #tpu.memory_space<vmem>> -> memref<1x1x128xi32, #tpu.memory_space<vmem>>
        %dma_wait3A_202 = tpu.memref_squeeze %dma_wait3A_201 : memref<1x1x128xi32, #tpu.memory_space<vmem>> -> memref<128xi32, #tpu.memory_space<vmem>>
        %dma_wait3A_203 = arith.constant 0 : i32
        %dma_wait3A_204 = arith.constant 0 : i32
        %dma_wait3A_205 = tpu.memref_slice %arg10[%dma_wait3A_203, %dma_wait3A_204] : memref<10240x128xf32, #tpu.memory_space<vmem_shared>> -> memref<10240x128xf32, #tpu.memory_space<vmem_shared>>
        tpu.wait_indirect_dma semaphore(%run_scoped3A_193 : memref<!tpu.dma_semaphore, #tpu.memory_space<semaphore_mem>>) src(%arg9 : memref<128x128xf32, #tpu.memory_space<vmem>>) dst(%dma_wait3A_205 : memref<10240x128xf32, #tpu.memory_space<vmem_shared>>)
        tpu.yield
      }) : () -> ()
      %mul3A_115 = arith.constant 8 : i32
      %mul3A_116 = arith.muli %scan3A_35, %mul3A_115 : i32
      %add3A_117 = arith.constant 4 : i32
      %add3A_118 = arith.addi %mul3A_116, %add3A_117 : i32
      %add3A_119 = arith.constant 1 : i32
      %add3A_120 = arith.addi %add3A_118, %add3A_119 : i32
      %dma_start3A_121 = arith.constant 0 : i32
      %dma_start3A_122 = tpu.memref_slice %arg6[%add3A_120, %dma_start3A_121] : memref<80x128xi32, #tpu.memory_space<vmem>> -> memref<1x128xi32, #tpu.memory_space<vmem>>
      %dma_start3A_123 = tpu.memref_squeeze %dma_start3A_122 : memref<1x128xi32, #tpu.memory_space<vmem>> -> memref<128xi32, #tpu.memory_space<vmem>>
      %dma_start3A_124 = arith.constant 0 : i32
      %dma_start3A_125 = arith.constant 0 : i32
      %dma_start3A_126 = tpu.memref_slice %arg2[%dma_start3A_124, %dma_start3A_125] : memref<10240x128xf32, #tpu.memory_space<hbm>> -> memref<10240x128xf32, #tpu.memory_space<hbm>>
      tpu.enqueue_indirect_dma source(%dma_start3A_126 : memref<10240x128xf32, #tpu.memory_space<hbm>>) target(%arg9 : memref<128x128xf32, #tpu.memory_space<vmem>>) offsets(%dma_start3A_123 : memref<128xi32, #tpu.memory_space<vmem>>) semaphore(%arg12 : memref<!tpu.dma_semaphore, #tpu.memory_space<semaphore_mem>>)
      %dma_wait3A_127 = arith.constant 0 : i32
      %dma_wait3A_128 = tpu.memref_slice %arg6[%add3A_118, %dma_wait3A_127] : memref<80x128xi32, #tpu.memory_space<vmem>> -> memref<1x128xi32, #tpu.memory_space<vmem>>
      %dma_wait3A_129 = tpu.memref_squeeze %dma_wait3A_128 : memref<1x128xi32, #tpu.memory_space<vmem>> -> memref<128xi32, #tpu.memory_space<vmem>>
      %dma_wait3A_130 = arith.constant 0 : i32
      %dma_wait3A_131 = arith.constant 0 : i32
      %dma_wait3A_132 = tpu.memref_slice %arg2[%dma_wait3A_130, %dma_wait3A_131] : memref<10240x128xf32, #tpu.memory_space<hbm>> -> memref<10240x128xf32, #tpu.memory_space<hbm>>
      tpu.wait_indirect_dma semaphore(%arg11 : memref<!tpu.dma_semaphore, #tpu.memory_space<semaphore_mem>>) src(%dma_wait3A_132 : memref<10240x128xf32, #tpu.memory_space<hbm>>) dst(%arg8 : memref<128x128xf32, #tpu.memory_space<vmem>>)
      %run_scoped3A_133 = arith.constant 4 : i32
      "tpu.region"() ({
        %run_scoped3A_193 = tpu.sem_alloc : memref<!tpu.dma_semaphore, #tpu.memory_space<semaphore_mem>>
        %dma_start3A_194 = arith.constant 0 : i32
        %dma_start3A_195 = tpu.memref_slice %arg7[%rem3A_36, %run_scoped3A_133, %dma_start3A_194] : memref<2x8x128xi32, #tpu.memory_space<vmem>> -> memref<1x1x128xi32, #tpu.memory_space<vmem>>
        %dma_start3A_196 = tpu.memref_squeeze %dma_start3A_195 : memref<1x1x128xi32, #tpu.memory_space<vmem>> -> memref<128xi32, #tpu.memory_space<vmem>>
        %dma_start3A_197 = arith.constant 0 : i32
        %dma_start3A_198 = arith.constant 0 : i32
        %dma_start3A_199 = tpu.memref_slice %arg10[%dma_start3A_197, %dma_start3A_198] : memref<10240x128xf32, #tpu.memory_space<vmem_shared>> -> memref<10240x128xf32, #tpu.memory_space<vmem_shared>>
        tpu.enqueue_indirect_dma source(%arg8 : memref<128x128xf32, #tpu.memory_space<vmem>>) target(%dma_start3A_199 : memref<10240x128xf32, #tpu.memory_space<vmem_shared>>) offsets(%dma_start3A_196 : memref<128xi32, #tpu.memory_space<vmem>>) semaphore(%run_scoped3A_193 : memref<!tpu.dma_semaphore, #tpu.memory_space<semaphore_mem>>) {add = true}
        %dma_wait3A_200 = arith.constant 0 : i32
        %dma_wait3A_201 = tpu.memref_slice %arg7[%rem3A_36, %run_scoped3A_133, %dma_wait3A_200] : memref<2x8x128xi32, #tpu.memory_space<vmem>> -> memref<1x1x128xi32, #tpu.memory_space<vmem>>
        %dma_wait3A_202 = tpu.memref_squeeze %dma_wait3A_201 : memref<1x1x128xi32, #tpu.memory_space<vmem>> -> memref<128xi32, #tpu.memory_space<vmem>>
        %dma_wait3A_203 = arith.constant 0 : i32
        %dma_wait3A_204 = arith.constant 0 : i32
        %dma_wait3A_205 = tpu.memref_slice %arg10[%dma_wait3A_203, %dma_wait3A_204] : memref<10240x128xf32, #tpu.memory_space<vmem_shared>> -> memref<10240x128xf32, #tpu.memory_space<vmem_shared>>
        tpu.wait_indirect_dma semaphore(%run_scoped3A_193 : memref<!tpu.dma_semaphore, #tpu.memory_space<semaphore_mem>>) src(%arg8 : memref<128x128xf32, #tpu.memory_space<vmem>>) dst(%dma_wait3A_205 : memref<10240x128xf32, #tpu.memory_space<vmem_shared>>)
        tpu.yield
      }) : () -> ()
      %add3A_134 = arith.constant 2 : i32
      %add3A_135 = arith.addi %add3A_118, %add3A_134 : i32
      %dma_start3A_136 = arith.constant 0 : i32
      %dma_start3A_137 = tpu.memref_slice %arg6[%add3A_135, %dma_start3A_136] : memref<80x128xi32, #tpu.memory_space<vmem>> -> memref<1x128xi32, #tpu.memory_space<vmem>>
      %dma_start3A_138 = tpu.memref_squeeze %dma_start3A_137 : memref<1x128xi32, #tpu.memory_space<vmem>> -> memref<128xi32, #tpu.memory_space<vmem>>
      %dma_start3A_139 = arith.constant 0 : i32
      %dma_start3A_140 = arith.constant 0 : i32
      %dma_start3A_141 = tpu.memref_slice %arg2[%dma_start3A_139, %dma_start3A_140] : memref<10240x128xf32, #tpu.memory_space<hbm>> -> memref<10240x128xf32, #tpu.memory_space<hbm>>
      tpu.enqueue_indirect_dma source(%dma_start3A_141 : memref<10240x128xf32, #tpu.memory_space<hbm>>) target(%arg8 : memref<128x128xf32, #tpu.memory_space<vmem>>) offsets(%dma_start3A_138 : memref<128xi32, #tpu.memory_space<vmem>>) semaphore(%arg11 : memref<!tpu.dma_semaphore, #tpu.memory_space<semaphore_mem>>)
      %add3A_142 = arith.constant 1 : i32
      %add3A_143 = arith.addi %add3A_118, %add3A_142 : i32
      %dma_wait3A_144 = arith.constant 0 : i32
      %dma_wait3A_145 = tpu.memref_slice %arg6[%add3A_143, %dma_wait3A_144] : memref<80x128xi32, #tpu.memory_space<vmem>> -> memref<1x128xi32, #tpu.memory_space<vmem>>
      %dma_wait3A_146 = tpu.memref_squeeze %dma_wait3A_145 : memref<1x128xi32, #tpu.memory_space<vmem>> -> memref<128xi32, #tpu.memory_space<vmem>>
      %dma_wait3A_147 = arith.constant 0 : i32
      %dma_wait3A_148 = arith.constant 0 : i32
      %dma_wait3A_149 = tpu.memref_slice %arg2[%dma_wait3A_147, %dma_wait3A_148] : memref<10240x128xf32, #tpu.memory_space<hbm>> -> memref<10240x128xf32, #tpu.memory_space<hbm>>
      tpu.wait_indirect_dma semaphore(%arg12 : memref<!tpu.dma_semaphore, #tpu.memory_space<semaphore_mem>>) src(%dma_wait3A_149 : memref<10240x128xf32, #tpu.memory_space<hbm>>) dst(%arg9 : memref<128x128xf32, #tpu.memory_space<vmem>>)
      %run_scoped3A_150 = arith.constant 5 : i32
      "tpu.region"() ({
        %run_scoped3A_193 = tpu.sem_alloc : memref<!tpu.dma_semaphore, #tpu.memory_space<semaphore_mem>>
        %dma_start3A_194 = arith.constant 0 : i32
        %dma_start3A_195 = tpu.memref_slice %arg7[%rem3A_36, %run_scoped3A_150, %dma_start3A_194] : memref<2x8x128xi32, #tpu.memory_space<vmem>> -> memref<1x1x128xi32, #tpu.memory_space<vmem>>
        %dma_start3A_196 = tpu.memref_squeeze %dma_start3A_195 : memref<1x1x128xi32, #tpu.memory_space<vmem>> -> memref<128xi32, #tpu.memory_space<vmem>>
        %dma_start3A_197 = arith.constant 0 : i32
        %dma_start3A_198 = arith.constant 0 : i32
        %dma_start3A_199 = tpu.memref_slice %arg10[%dma_start3A_197, %dma_start3A_198] : memref<10240x128xf32, #tpu.memory_space<vmem_shared>> -> memref<10240x128xf32, #tpu.memory_space<vmem_shared>>
        tpu.enqueue_indirect_dma source(%arg9 : memref<128x128xf32, #tpu.memory_space<vmem>>) target(%dma_start3A_199 : memref<10240x128xf32, #tpu.memory_space<vmem_shared>>) offsets(%dma_start3A_196 : memref<128xi32, #tpu.memory_space<vmem>>) semaphore(%run_scoped3A_193 : memref<!tpu.dma_semaphore, #tpu.memory_space<semaphore_mem>>) {add = true}
        %dma_wait3A_200 = arith.constant 0 : i32
        %dma_wait3A_201 = tpu.memref_slice %arg7[%rem3A_36, %run_scoped3A_150, %dma_wait3A_200] : memref<2x8x128xi32, #tpu.memory_space<vmem>> -> memref<1x1x128xi32, #tpu.memory_space<vmem>>
        %dma_wait3A_202 = tpu.memref_squeeze %dma_wait3A_201 : memref<1x1x128xi32, #tpu.memory_space<vmem>> -> memref<128xi32, #tpu.memory_space<vmem>>
        %dma_wait3A_203 = arith.constant 0 : i32
        %dma_wait3A_204 = arith.constant 0 : i32
        %dma_wait3A_205 = tpu.memref_slice %arg10[%dma_wait3A_203, %dma_wait3A_204] : memref<10240x128xf32, #tpu.memory_space<vmem_shared>> -> memref<10240x128xf32, #tpu.memory_space<vmem_shared>>
        tpu.wait_indirect_dma semaphore(%run_scoped3A_193 : memref<!tpu.dma_semaphore, #tpu.memory_space<semaphore_mem>>) src(%arg9 : memref<128x128xf32, #tpu.memory_space<vmem>>) dst(%dma_wait3A_205 : memref<10240x128xf32, #tpu.memory_space<vmem_shared>>)
        tpu.yield
      }) : () -> ()
      %mul3A_151 = arith.constant 8 : i32
      %mul3A_152 = arith.muli %scan3A_35, %mul3A_151 : i32
      %add3A_153 = arith.constant 6 : i32
      %add3A_154 = arith.addi %mul3A_152, %add3A_153 : i32
      %add3A_155 = arith.constant 1 : i32
      %add3A_156 = arith.addi %add3A_154, %add3A_155 : i32
      %dma_start3A_157 = arith.constant 0 : i32
      %dma_start3A_158 = tpu.memref_slice %arg6[%add3A_156, %dma_start3A_157] : memref<80x128xi32, #tpu.memory_space<vmem>> -> memref<1x128xi32, #tpu.memory_space<vmem>>
      %dma_start3A_159 = tpu.memref_squeeze %dma_start3A_158 : memref<1x128xi32, #tpu.memory_space<vmem>> -> memref<128xi32, #tpu.memory_space<vmem>>
      %dma_start3A_160 = arith.constant 0 : i32
      %dma_start3A_161 = arith.constant 0 : i32
      %dma_start3A_162 = tpu.memref_slice %arg2[%dma_start3A_160, %dma_start3A_161] : memref<10240x128xf32, #tpu.memory_space<hbm>> -> memref<10240x128xf32, #tpu.memory_space<hbm>>
      tpu.enqueue_indirect_dma source(%dma_start3A_162 : memref<10240x128xf32, #tpu.memory_space<hbm>>) target(%arg9 : memref<128x128xf32, #tpu.memory_space<vmem>>) offsets(%dma_start3A_159 : memref<128xi32, #tpu.memory_space<vmem>>) semaphore(%arg12 : memref<!tpu.dma_semaphore, #tpu.memory_space<semaphore_mem>>)
      %dma_wait3A_163 = arith.constant 0 : i32
      %dma_wait3A_164 = tpu.memref_slice %arg6[%add3A_154, %dma_wait3A_163] : memref<80x128xi32, #tpu.memory_space<vmem>> -> memref<1x128xi32, #tpu.memory_space<vmem>>
      %dma_wait3A_165 = tpu.memref_squeeze %dma_wait3A_164 : memref<1x128xi32, #tpu.memory_space<vmem>> -> memref<128xi32, #tpu.memory_space<vmem>>
      %dma_wait3A_166 = arith.constant 0 : i32
      %dma_wait3A_167 = arith.constant 0 : i32
      %dma_wait3A_168 = tpu.memref_slice %arg2[%dma_wait3A_166, %dma_wait3A_167] : memref<10240x128xf32, #tpu.memory_space<hbm>> -> memref<10240x128xf32, #tpu.memory_space<hbm>>
      tpu.wait_indirect_dma semaphore(%arg11 : memref<!tpu.dma_semaphore, #tpu.memory_space<semaphore_mem>>) src(%dma_wait3A_168 : memref<10240x128xf32, #tpu.memory_space<hbm>>) dst(%arg8 : memref<128x128xf32, #tpu.memory_space<vmem>>)
      %run_scoped3A_169 = arith.constant 6 : i32
      "tpu.region"() ({
        %run_scoped3A_193 = tpu.sem_alloc : memref<!tpu.dma_semaphore, #tpu.memory_space<semaphore_mem>>
        %dma_start3A_194 = arith.constant 0 : i32
        %dma_start3A_195 = tpu.memref_slice %arg7[%rem3A_36, %run_scoped3A_169, %dma_start3A_194] : memref<2x8x128xi32, #tpu.memory_space<vmem>> -> memref<1x1x128xi32, #tpu.memory_space<vmem>>
        %dma_start3A_196 = tpu.memref_squeeze %dma_start3A_195 : memref<1x1x128xi32, #tpu.memory_space<vmem>> -> memref<128xi32, #tpu.memory_space<vmem>>
        %dma_start3A_197 = arith.constant 0 : i32
        %dma_start3A_198 = arith.constant 0 : i32
        %dma_start3A_199 = tpu.memref_slice %arg10[%dma_start3A_197, %dma_start3A_198] : memref<10240x128xf32, #tpu.memory_space<vmem_shared>> -> memref<10240x128xf32, #tpu.memory_space<vmem_shared>>
        tpu.enqueue_indirect_dma source(%arg8 : memref<128x128xf32, #tpu.memory_space<vmem>>) target(%dma_start3A_199 : memref<10240x128xf32, #tpu.memory_space<vmem_shared>>) offsets(%dma_start3A_196 : memref<128xi32, #tpu.memory_space<vmem>>) semaphore(%run_scoped3A_193 : memref<!tpu.dma_semaphore, #tpu.memory_space<semaphore_mem>>) {add = true}
        %dma_wait3A_200 = arith.constant 0 : i32
        %dma_wait3A_201 = tpu.memref_slice %arg7[%rem3A_36, %run_scoped3A_169, %dma_wait3A_200] : memref<2x8x128xi32, #tpu.memory_space<vmem>> -> memref<1x1x128xi32, #tpu.memory_space<vmem>>
        %dma_wait3A_202 = tpu.memref_squeeze %dma_wait3A_201 : memref<1x1x128xi32, #tpu.memory_space<vmem>> -> memref<128xi32, #tpu.memory_space<vmem>>
        %dma_wait3A_203 = arith.constant 0 : i32
        %dma_wait3A_204 = arith.constant 0 : i32
        %dma_wait3A_205 = tpu.memref_slice %arg10[%dma_wait3A_203, %dma_wait3A_204] : memref<10240x128xf32, #tpu.memory_space<vmem_shared>> -> memref<10240x128xf32, #tpu.memory_space<vmem_shared>>
        tpu.wait_indirect_dma semaphore(%run_scoped3A_193 : memref<!tpu.dma_semaphore, #tpu.memory_space<semaphore_mem>>) src(%arg8 : memref<128x128xf32, #tpu.memory_space<vmem>>) dst(%dma_wait3A_205 : memref<10240x128xf32, #tpu.memory_space<vmem_shared>>)
        tpu.yield
      }) : () -> ()
      %add3A_170 = arith.constant 1 : i32
      %add3A_171 = arith.addi %scan3A_35, %add3A_170 : i32
      %lt3A_172 = arith.constant 10 : i32
      %lt3A_173 = arith.cmpi slt, %add3A_171, %lt3A_172 : i32
      %convert_element_type3A_174 = arith.extui %lt3A_173 : i1 to i32
      %cond3A_175 = arith.constant 0 : i32
      %cond3A_176 = arith.cmpi ne, %convert_element_type3A_174, %cond3A_175 : i32
      scf.if %cond3A_176 {
        %add3A_193 = arith.constant 2 : i32
        %add3A_194 = arith.addi %add3A_154, %add3A_193 : i32
        %dma_start3A_195 = arith.constant 0 : i32
        %dma_start3A_196 = tpu.memref_slice %arg6[%add3A_194, %dma_start3A_195] : memref<80x128xi32, #tpu.memory_space<vmem>> -> memref<1x128xi32, #tpu.memory_space<vmem>>
        %dma_start3A_197 = tpu.memref_squeeze %dma_start3A_196 : memref<1x128xi32, #tpu.memory_space<vmem>> -> memref<128xi32, #tpu.memory_space<vmem>>
        %dma_start3A_198 = arith.constant 0 : i32
        %dma_start3A_199 = arith.constant 0 : i32
        %dma_start3A_200 = tpu.memref_slice %arg2[%dma_start3A_198, %dma_start3A_199] : memref<10240x128xf32, #tpu.memory_space<hbm>> -> memref<10240x128xf32, #tpu.memory_space<hbm>>
        tpu.enqueue_indirect_dma source(%dma_start3A_200 : memref<10240x128xf32, #tpu.memory_space<hbm>>) target(%arg8 : memref<128x128xf32, #tpu.memory_space<vmem>>) offsets(%dma_start3A_197 : memref<128xi32, #tpu.memory_space<vmem>>) semaphore(%arg11 : memref<!tpu.dma_semaphore, #tpu.memory_space<semaphore_mem>>)
      } else {
      }
      %add3A_177 = arith.constant 1 : i32
      %add3A_178 = arith.addi %add3A_154, %add3A_177 : i32
      %dma_wait3A_179 = arith.constant 0 : i32
      %dma_wait3A_180 = tpu.memref_slice %arg6[%add3A_178, %dma_wait3A_179] : memref<80x128xi32, #tpu.memory_space<vmem>> -> memref<1x128xi32, #tpu.memory_space<vmem>>
      %dma_wait3A_181 = tpu.memref_squeeze %dma_wait3A_180 : memref<1x128xi32, #tpu.memory_space<vmem>> -> memref<128xi32, #tpu.memory_space<vmem>>
      %dma_wait3A_182 = arith.constant 0 : i32
      %dma_wait3A_183 = arith.constant 0 : i32
      %dma_wait3A_184 = tpu.memref_slice %arg2[%dma_wait3A_182, %dma_wait3A_183] : memref<10240x128xf32, #tpu.memory_space<hbm>> -> memref<10240x128xf32, #tpu.memory_space<hbm>>
      tpu.wait_indirect_dma semaphore(%arg12 : memref<!tpu.dma_semaphore, #tpu.memory_space<semaphore_mem>>) src(%dma_wait3A_184 : memref<10240x128xf32, #tpu.memory_space<hbm>>) dst(%arg9 : memref<128x128xf32, #tpu.memory_space<vmem>>)
      %run_scoped3A_185 = arith.constant 7 : i32
      "tpu.region"() ({
        %run_scoped3A_193 = tpu.sem_alloc : memref<!tpu.dma_semaphore, #tpu.memory_space<semaphore_mem>>
        %dma_start3A_194 = arith.constant 0 : i32
        %dma_start3A_195 = tpu.memref_slice %arg7[%rem3A_36, %run_scoped3A_185, %dma_start3A_194] : memref<2x8x128xi32, #tpu.memory_space<vmem>> -> memref<1x1x128xi32, #tpu.memory_space<vmem>>
        %dma_start3A_196 = tpu.memref_squeeze %dma_start3A_195 : memref<1x1x128xi32, #tpu.memory_space<vmem>> -> memref<128xi32, #tpu.memory_space<vmem>>
        %dma_start3A_197 = arith.constant 0 : i32
        %dma_start3A_198 = arith.constant 0 : i32
        %dma_start3A_199 = tpu.memref_slice %arg10[%dma_start3A_197, %dma_start3A_198] : memref<10240x128xf32, #tpu.memory_space<vmem_shared>> -> memref<10240x128xf32, #tpu.memory_space<vmem_shared>>
        tpu.enqueue_indirect_dma source(%arg9 : memref<128x128xf32, #tpu.memory_space<vmem>>) target(%dma_start3A_199 : memref<10240x128xf32, #tpu.memory_space<vmem_shared>>) offsets(%dma_start3A_196 : memref<128xi32, #tpu.memory_space<vmem>>) semaphore(%run_scoped3A_193 : memref<!tpu.dma_semaphore, #tpu.memory_space<semaphore_mem>>) {add = true}
        %dma_wait3A_200 = arith.constant 0 : i32
        %dma_wait3A_201 = tpu.memref_slice %arg7[%rem3A_36, %run_scoped3A_185, %dma_wait3A_200] : memref<2x8x128xi32, #tpu.memory_space<vmem>> -> memref<1x1x128xi32, #tpu.memory_space<vmem>>
        %dma_wait3A_202 = tpu.memref_squeeze %dma_wait3A_201 : memref<1x1x128xi32, #tpu.memory_space<vmem>> -> memref<128xi32, #tpu.memory_space<vmem>>
        %dma_wait3A_203 = arith.constant 0 : i32
        %dma_wait3A_204 = arith.constant 0 : i32
        %dma_wait3A_205 = tpu.memref_slice %arg10[%dma_wait3A_203, %dma_wait3A_204] : memref<10240x128xf32, #tpu.memory_space<vmem_shared>> -> memref<10240x128xf32, #tpu.memory_space<vmem_shared>>
        tpu.wait_indirect_dma semaphore(%run_scoped3A_193 : memref<!tpu.dma_semaphore, #tpu.memory_space<semaphore_mem>>) src(%arg9 : memref<128x128xf32, #tpu.memory_space<vmem>>) dst(%dma_wait3A_205 : memref<10240x128xf32, #tpu.memory_space<vmem_shared>>)
        tpu.yield
      }) : () -> ()
      %add3A_186 = arith.constant 1 : i32
      %add3A_187 = arith.addi %scan3A_35, %add3A_186 : i32
      %lt3A_188 = arith.constant 10 : i32
      %lt3A_189 = arith.cmpi slt, %add3A_187, %lt3A_188 : i32
      %convert_element_type3A_190 = arith.extui %lt3A_189 : i1 to i32
      %cond3A_191 = arith.constant 0 : i32
      %cond3A_192 = arith.cmpi ne, %convert_element_type3A_190, %cond3A_191 : i32
      scf.if %cond3A_192 {
        %add3A_193 = arith.constant 1 : i32
        %add3A_194 = arith.addi %scan3A_35, %add3A_193 : i32
        %mul3A_195 = arith.constant 8 : i32
        %mul3A_196 = arith.muli %add3A_194, %mul3A_195 : i32
        %add3A_197 = arith.addi %mul3A_13, %mul3A_196 : i32
        %add3A_198 = arith.constant 1 : i32
        %add3A_199 = arith.addi %scan3A_35, %add3A_198 : i32
        %rem3A_200 = arith.constant 2 : i32
        %rem3A_201 = arith.remsi %add3A_199, %rem3A_200 : i32
        %dma_wait3A_202 = arith.constant 1 : i32
        %dma_wait3A_203 = arith.constant 0 : i32
        %dma_wait3A_204 = arith.constant 0 : i32
        %dma_wait3A_205 = tpu.memref_slice %arg7[%rem3A_201, %dma_wait3A_203, %dma_wait3A_204] : memref<2x8x128xi32, #tpu.memory_space<vmem>> -> memref<1x8x128xi32, #tpu.memory_space<vmem>>
        %dma_wait3A_206 = tpu.memref_squeeze %dma_wait3A_205 : memref<1x8x128xi32, #tpu.memory_space<vmem>> -> memref<8x128xi32, #tpu.memory_space<vmem>>
        %dma_wait3A_207 = arith.constant 0 : i32
        %dma_wait3A_208 = tpu.memref_slice %arg4[%dma_wait3A_202, %add3A_197, %dma_wait3A_207] : memref<2x2560x128xi32, #tpu.memory_space<hbm>> -> memref<1x8x128xi32, #tpu.memory_space<hbm>>
        %dma_wait3A_209 = tpu.memref_squeeze %dma_wait3A_208 : memref<1x8x128xi32, #tpu.memory_space<hbm>> -> memref<8x128xi32, #tpu.memory_space<hbm>>
        %dma_wait3A_210 = arith.constant 0 : i32
        %dma_wait3A_211 = arith.constant 0 : i32
        %dma_wait3A_212 = tpu.memref_slice %arg7[%rem3A_201, %dma_wait3A_210, %dma_wait3A_211] : memref<2x8x128xi32, #tpu.memory_space<vmem>> -> memref<1x8x128xi32, #tpu.memory_space<vmem>>
        %dma_wait3A_213 = tpu.memref_squeeze %dma_wait3A_212 : memref<1x8x128xi32, #tpu.memory_space<vmem>> -> memref<8x128xi32, #tpu.memory_space<vmem>>
        %dma_wait3A_214 = arith.constant 0 : i32
        %dma_wait3A_215 = tpu.memref_slice %arg4[%dma_wait3A_202, %add3A_197, %dma_wait3A_214] : memref<2x2560x128xi32, #tpu.memory_space<hbm>> -> memref<1x8x128xi32, #tpu.memory_space<hbm>>
        %dma_wait3A_216 = tpu.memref_squeeze %dma_wait3A_215 : memref<1x8x128xi32, #tpu.memory_space<hbm>> -> memref<8x128xi32, #tpu.memory_space<hbm>>
        tpu.wait_dma2 semaphore(%arg13 : memref<!tpu.dma_semaphore, #tpu.memory_space<semaphore_mem>>) src(%dma_wait3A_216 : memref<8x128xi32, #tpu.memory_space<hbm>>) dst(%dma_wait3A_213 : memref<8x128xi32, #tpu.memory_space<vmem>>)
      } else {
      }
    }
    %scan3A_29 = arith.constant 10 : i32
    %barrier3A_30 = arith.constant 0 : index
    tpu.barrier barrier_id(%barrier3A_30)
    %mul3A_31 = arith.constant 640 : i32
    %mul3A_32 = arith.muli %arg1, %mul3A_31 : i32
    %mul3A_33 = arith.constant 640 : i32
    %mul3A_34 = arith.muli %arg1, %mul3A_33 : i32
    "tpu.region"() ({
      %run_scoped3A_35 = tpu.sem_alloc : memref<!tpu.dma_semaphore, #tpu.memory_space<semaphore_mem>>
      %dma_start3A_36 = arith.constant 0 : i32
      %dma_start3A_37 = tpu.memref_slice %arg5[%arg0, %mul3A_34, %dma_start3A_36] : memref<2x10240x128xf32, #tpu.memory_space<hbm>> -> memref<1x640x128xf32, #tpu.memory_space<hbm>>
      %dma_start3A_38 = tpu.memref_squeeze %dma_start3A_37 : memref<1x640x128xf32, #tpu.memory_space<hbm>> -> memref<640x128xf32, #tpu.memory_space<hbm>>
      %dma_start3A_39 = arith.constant 0 : i32
      %dma_start3A_40 = tpu.memref_slice %arg10[%mul3A_32, %dma_start3A_39] : memref<10240x128xf32, #tpu.memory_space<vmem_shared>> -> memref<640x128xf32, #tpu.memory_space<vmem_shared>>
      tpu.enqueue_dma source(%dma_start3A_40 : memref<640x128xf32, #tpu.memory_space<vmem_shared>>) target(%dma_start3A_38 : memref<640x128xf32, #tpu.memory_space<hbm>>) target_semaphore(%run_scoped3A_35 : memref<!tpu.dma_semaphore, #tpu.memory_space<semaphore_mem>>)
      %dma_wait3A_41 = arith.constant 0 : i32
      %dma_wait3A_42 = tpu.memref_slice %arg5[%arg0, %mul3A_34, %dma_wait3A_41] : memref<2x10240x128xf32, #tpu.memory_space<hbm>> -> memref<1x640x128xf32, #tpu.memory_space<hbm>>
      %dma_wait3A_43 = tpu.memref_squeeze %dma_wait3A_42 : memref<1x640x128xf32, #tpu.memory_space<hbm>> -> memref<640x128xf32, #tpu.memory_space<hbm>>
      %dma_wait3A_44 = arith.constant 0 : i32
      %dma_wait3A_45 = tpu.memref_slice %arg10[%mul3A_32, %dma_wait3A_44] : memref<10240x128xf32, #tpu.memory_space<vmem_shared>> -> memref<640x128xf32, #tpu.memory_space<vmem_shared>>
      tpu.wait_dma2 semaphore(%run_scoped3A_35 : memref<!tpu.dma_semaphore, #tpu.memory_space<semaphore_mem>>) src(%dma_wait3A_45 : memref<640x128xf32, #tpu.memory_space<vmem_shared>>) dst(%dma_wait3A_43 : memref<640x128xf32, #tpu.memory_space<hbm>>)
      tpu.yield
    }) : () -> ()
    return
  }
}

#map = affine_map<(d0, d1) -> (0, 0)>
#map1 = affine_map<(d0, d1) -> (0, 0, 0)>
module attributes {stable_mosaic.version = 14 : i64} {
  func.func @agg(%arg0: i32, %arg1: i32, %arg2: memref<10240x128xf32, #tpu.memory_space<hbm>>, %arg3: memref<10240x128xf32, #tpu.memory_space<hbm>>, %arg4: memref<2x2560x128xi32, #tpu.memory_space<hbm>>, %arg5: memref<2x10240x128xf32, #tpu.memory_space<hbm>>, %arg6: memref<80x128xi32, #tpu.memory_space<vmem>>, %arg7: memref<2x8x128xi32, #tpu.memory_space<vmem>>, %arg8: memref<128x128xf32, #tpu.memory_space<vmem>>, %arg9: memref<128x128xf32, #tpu.memory_space<vmem>>, %arg10: memref<10240x128xf32, #tpu.memory_space<vmem_shared>>, %arg11: memref<!tpu.dma_semaphore, #tpu.memory_space<semaphore_mem>>, %arg12: memref<!tpu.dma_semaphore, #tpu.memory_space<semaphore_mem>>, %arg13: memref<!tpu.dma_semaphore, #tpu.memory_space<semaphore_mem>>) attributes {dimension_semantics = [#tpu.dimension_semantics<core_parallel>, #tpu.dimension_semantics<subcore_parallel>], iteration_bounds = array<i64: 2, 16>, scalar_prefetch = 0 : i64, scratch_operands = 8 : i64, tpu.core_type = #tpu.core_type<sc_vector_subcore>, window_params = [{transform_indices = #map}, {transform_indices = #map}, {transform_indices = #map1}, {transform_indices = #map1}]} {
    %mul3A = arith.constant 2 : i32
    %mul3A_0 = arith.muli %arg1, %mul3A : i32
    %add3A = arith.addi %mul3A_0, %arg0 : i32
    %eq3A = arith.constant 0 : i32
    %eq3A_1 = arith.cmpi eq, %arg0, %eq3A : i32
    %convert_element_type3A = arith.extui %eq3A_1 : i1 to i32
    %cond3A = arith.constant 0 : i32
    %cond3A_2 = arith.cmpi ne, %convert_element_type3A, %cond3A : i32
    scf.if %cond3A_2 {
      %mul3A_35 = arith.constant 640 : i32
      %mul3A_36 = arith.muli %arg1, %mul3A_35 : i32
      %mul3A_37 = arith.constant 640 : i32
      %mul3A_38 = arith.muli %arg1, %mul3A_37 : i32
      %dma_start3A_39 = arith.constant 0 : i32
      %dma_start3A_40 = tpu.memref_slice %arg10[%mul3A_38, %dma_start3A_39] : memref<10240x128xf32, #tpu.memory_space<vmem_shared>> -> memref<640x128xf32, #tpu.memory_space<vmem_shared>>
      %dma_start3A_41 = arith.constant 0 : i32
      %dma_start3A_42 = tpu.memref_slice %arg2[%mul3A_36, %dma_start3A_41] : memref<10240x128xf32, #tpu.memory_space<hbm>> -> memref<640x128xf32, #tpu.memory_space<hbm>>
      tpu.enqueue_dma source(%dma_start3A_42 : memref<640x128xf32, #tpu.memory_space<hbm>>) target(%dma_start3A_40 : memref<640x128xf32, #tpu.memory_space<vmem_shared>>) target_semaphore(%arg13 : memref<!tpu.dma_semaphore, #tpu.memory_space<semaphore_mem>>)
    } else {
    }
    %eq3A_3 = arith.constant 1 : i32
    %eq3A_4 = arith.cmpi eq, %arg0, %eq3A_3 : i32
    %convert_element_type3A_5 = arith.extui %eq3A_4 : i1 to i32
    %cond3A_6 = arith.constant 0 : i32
    %cond3A_7 = arith.cmpi ne, %convert_element_type3A_5, %cond3A_6 : i32
    scf.if %cond3A_7 {
      %mul3A_35 = arith.constant 640 : i32
      %mul3A_36 = arith.muli %arg1, %mul3A_35 : i32
      %mul3A_37 = arith.constant 640 : i32
      %mul3A_38 = arith.muli %arg1, %mul3A_37 : i32
      %dma_start3A_39 = arith.constant 0 : i32
      %dma_start3A_40 = tpu.memref_slice %arg10[%mul3A_38, %dma_start3A_39] : memref<10240x128xf32, #tpu.memory_space<vmem_shared>> -> memref<640x128xf32, #tpu.memory_space<vmem_shared>>
      %dma_start3A_41 = arith.constant 0 : i32
      %dma_start3A_42 = tpu.memref_slice %arg3[%mul3A_36, %dma_start3A_41] : memref<10240x128xf32, #tpu.memory_space<hbm>> -> memref<640x128xf32, #tpu.memory_space<hbm>>
      tpu.enqueue_dma source(%dma_start3A_42 : memref<640x128xf32, #tpu.memory_space<hbm>>) target(%dma_start3A_40 : memref<640x128xf32, #tpu.memory_space<vmem_shared>>) target_semaphore(%arg13 : memref<!tpu.dma_semaphore, #tpu.memory_space<semaphore_mem>>)
    } else {
    }
    %mul3A_8 = arith.constant 640 : i32
    %mul3A_9 = arith.muli %arg1, %mul3A_8 : i32
    %mul3A_10 = arith.constant 640 : i32
    %mul3A_11 = arith.muli %arg1, %mul3A_10 : i32
    %mul3A_12 = arith.constant 80 : i32
    %mul3A_13 = arith.muli %add3A, %mul3A_12 : i32
    %run_scoped3A = arith.constant 0 : i32
    "tpu.region"() ({
      %run_scoped3A_35 = tpu.sem_alloc : memref<!tpu.dma_semaphore, #tpu.memory_space<semaphore_mem>>
      %dma_start3A_36 = arith.constant 0 : i32
      %dma_start3A_37 = tpu.memref_slice %arg4[%run_scoped3A, %mul3A_13, %dma_start3A_36] : memref<2x2560x128xi32, #tpu.memory_space<hbm>> -> memref<1x80x128xi32, #tpu.memory_space<hbm>>
      %dma_start3A_38 = tpu.memref_squeeze %dma_start3A_37 : memref<1x80x128xi32, #tpu.memory_space<hbm>> -> memref<80x128xi32, #tpu.memory_space<hbm>>
      %dma_start3A_39 = arith.constant 0 : i32
      %dma_start3A_40 = tpu.memref_slice %arg4[%run_scoped3A, %mul3A_13, %dma_start3A_39] : memref<2x2560x128xi32, #tpu.memory_space<hbm>> -> memref<1x80x128xi32, #tpu.memory_space<hbm>>
      %dma_start3A_41 = tpu.memref_squeeze %dma_start3A_40 : memref<1x80x128xi32, #tpu.memory_space<hbm>> -> memref<80x128xi32, #tpu.memory_space<hbm>>
      tpu.enqueue_dma source(%dma_start3A_41 : memref<80x128xi32, #tpu.memory_space<hbm>>) target(%arg6 : memref<80x128xi32, #tpu.memory_space<vmem>>) target_semaphore(%run_scoped3A_35 : memref<!tpu.dma_semaphore, #tpu.memory_space<semaphore_mem>>)
      %dma_wait3A_42 = arith.constant 0 : i32
      %dma_wait3A_43 = tpu.memref_slice %arg4[%run_scoped3A, %mul3A_13, %dma_wait3A_42] : memref<2x2560x128xi32, #tpu.memory_space<hbm>> -> memref<1x80x128xi32, #tpu.memory_space<hbm>>
      %dma_wait3A_44 = tpu.memref_squeeze %dma_wait3A_43 : memref<1x80x128xi32, #tpu.memory_space<hbm>> -> memref<80x128xi32, #tpu.memory_space<hbm>>
      %dma_wait3A_45 = arith.constant 0 : i32
      %dma_wait3A_46 = tpu.memref_slice %arg4[%run_scoped3A, %mul3A_13, %dma_wait3A_45] : memref<2x2560x128xi32, #tpu.memory_space<hbm>> -> memref<1x80x128xi32, #tpu.memory_space<hbm>>
      %dma_wait3A_47 = tpu.memref_squeeze %dma_wait3A_46 : memref<1x80x128xi32, #tpu.memory_space<hbm>> -> memref<80x128xi32, #tpu.memory_space<hbm>>
      tpu.wait_dma2 semaphore(%run_scoped3A_35 : memref<!tpu.dma_semaphore, #tpu.memory_space<semaphore_mem>>) src(%dma_wait3A_47 : memref<80x128xi32, #tpu.memory_space<hbm>>) dst(%arg6 : memref<80x128xi32, #tpu.memory_space<vmem>>)
      tpu.yield
    }) : () -> ()
    %run_scoped3A_14 = arith.constant 1 : i32
    %run_scoped3A_15 = arith.constant 0 : i32
    "tpu.region"() ({
      %run_scoped3A_35 = tpu.sem_alloc : memref<!tpu.dma_semaphore, #tpu.memory_space<semaphore_mem>>
      %dma_start3A_36 = arith.constant 0 : i32
      %dma_start3A_37 = arith.constant 0 : i32
      %dma_start3A_38 = tpu.memref_slice %arg7[%run_scoped3A_15, %dma_start3A_36, %dma_start3A_37] : memref<2x8x128xi32, #tpu.memory_space<vmem>> -> memref<1x8x128xi32, #tpu.memory_space<vmem>>
      %dma_start3A_39 = tpu.memref_squeeze %dma_start3A_38 : memref<1x8x128xi32, #tpu.memory_space<vmem>> -> memref<8x128xi32, #tpu.memory_space<vmem>>
      %dma_start3A_40 = arith.constant 0 : i32
      %dma_start3A_41 = tpu.memref_slice %arg4[%run_scoped3A_14, %mul3A_13, %dma_start3A_40] : memref<2x2560x128xi32, #tpu.memory_space<hbm>> -> memref<1x8x128xi32, #tpu.memory_space<hbm>>
      %dma_start3A_42 = tpu.memref_squeeze %dma_start3A_41 : memref<1x8x128xi32, #tpu.memory_space<hbm>> -> memref<8x128xi32, #tpu.memory_space<hbm>>
      %dma_start3A_43 = arith.constant 0 : i32
      %dma_start3A_44 = arith.constant 0 : i32
      %dma_start3A_45 = tpu.memref_slice %arg7[%run_scoped3A_15, %dma_start3A_43, %dma_start3A_44] : memref<2x8x128xi32, #tpu.memory_space<vmem>> -> memref<1x8x128xi32, #tpu.memory_space<vmem>>
      %dma_start3A_46 = tpu.memref_squeeze %dma_start3A_45 : memref<1x8x128xi32, #tpu.memory_space<vmem>> -> memref<8x128xi32, #tpu.memory_space<vmem>>
      %dma_start3A_47 = arith.constant 0 : i32
      %dma_start3A_48 = tpu.memref_slice %arg4[%run_scoped3A_14, %mul3A_13, %dma_start3A_47] : memref<2x2560x128xi32, #tpu.memory_space<hbm>> -> memref<1x8x128xi32, #tpu.memory_space<hbm>>
      %dma_start3A_49 = tpu.memref_squeeze %dma_start3A_48 : memref<1x8x128xi32, #tpu.memory_space<hbm>> -> memref<8x128xi32, #tpu.memory_space<hbm>>
      tpu.enqueue_dma source(%dma_start3A_49 : memref<8x128xi32, #tpu.memory_space<hbm>>) target(%dma_start3A_46 : memref<8x128xi32, #tpu.memory_space<vmem>>) target_semaphore(%run_scoped3A_35 : memref<!tpu.dma_semaphore, #tpu.memory_space<semaphore_mem>>)
      %dma_wait3A_50 = arith.constant 0 : i32
      %dma_wait3A_51 = arith.constant 0 : i32
      %dma_wait3A_52 = tpu.memref_slice %arg7[%run_scoped3A_15, %dma_wait3A_50, %dma_wait3A_51] : memref<2x8x128xi32, #tpu.memory_space<vmem>> -> memref<1x8x128xi32, #tpu.memory_space<vmem>>
      %dma_wait3A_53 = tpu.memref_squeeze %dma_wait3A_52 : memref<1x8x128xi32, #tpu.memory_space<vmem>> -> memref<8x128xi32, #tpu.memory_space<vmem>>
      %dma_wait3A_54 = arith.constant 0 : i32
      %dma_wait3A_55 = tpu.memref_slice %arg4[%run_scoped3A_14, %mul3A_13, %dma_wait3A_54] : memref<2x2560x128xi32, #tpu.memory_space<hbm>> -> memref<1x8x128xi32, #tpu.memory_space<hbm>>
      %dma_wait3A_56 = tpu.memref_squeeze %dma_wait3A_55 : memref<1x8x128xi32, #tpu.memory_space<hbm>> -> memref<8x128xi32, #tpu.memory_space<hbm>>
      %dma_wait3A_57 = arith.constant 0 : i32
      %dma_wait3A_58 = arith.constant 0 : i32
      %dma_wait3A_59 = tpu.memref_slice %arg7[%run_scoped3A_15, %dma_wait3A_57, %dma_wait3A_58] : memref<2x8x128xi32, #tpu.memory_space<vmem>> -> memref<1x8x128xi32, #tpu.memory_space<vmem>>
      %dma_wait3A_60 = tpu.memref_squeeze %dma_wait3A_59 : memref<1x8x128xi32, #tpu.memory_space<vmem>> -> memref<8x128xi32, #tpu.memory_space<vmem>>
      %dma_wait3A_61 = arith.constant 0 : i32
      %dma_wait3A_62 = tpu.memref_slice %arg4[%run_scoped3A_14, %mul3A_13, %dma_wait3A_61] : memref<2x2560x128xi32, #tpu.memory_space<hbm>> -> memref<1x8x128xi32, #tpu.memory_space<hbm>>
      %dma_wait3A_63 = tpu.memref_squeeze %dma_wait3A_62 : memref<1x8x128xi32, #tpu.memory_space<hbm>> -> memref<8x128xi32, #tpu.memory_space<hbm>>
      tpu.wait_dma2 semaphore(%run_scoped3A_35 : memref<!tpu.dma_semaphore, #tpu.memory_space<semaphore_mem>>) src(%dma_wait3A_63 : memref<8x128xi32, #tpu.memory_space<hbm>>) dst(%dma_wait3A_60 : memref<8x128xi32, #tpu.memory_space<vmem>>)
      tpu.yield
    }) : () -> ()
    %dma_start3A = arith.constant 0 : i32
    %dma_start3A_16 = arith.constant 0 : i32
    %dma_start3A_17 = tpu.memref_slice %arg6[%dma_start3A, %dma_start3A_16] : memref<80x128xi32, #tpu.memory_space<vmem>> -> memref<1x128xi32, #tpu.memory_space<vmem>>
    %dma_start3A_18 = tpu.memref_squeeze %dma_start3A_17 : memref<1x128xi32, #tpu.memory_space<vmem>> -> memref<128xi32, #tpu.memory_space<vmem>>
    %dma_start3A_19 = arith.constant 0 : i32
    %dma_start3A_20 = arith.constant 0 : i32
    %dma_start3A_21 = tpu.memref_slice %arg2[%dma_start3A_19, %dma_start3A_20] : memref<10240x128xf32, #tpu.memory_space<hbm>> -> memref<10240x128xf32, #tpu.memory_space<hbm>>
    tpu.enqueue_indirect_dma source(%dma_start3A_21 : memref<10240x128xf32, #tpu.memory_space<hbm>>) target(%arg8 : memref<128x128xf32, #tpu.memory_space<vmem>>) offsets(%dma_start3A_18 : memref<128xi32, #tpu.memory_space<vmem>>) semaphore(%arg11 : memref<!tpu.dma_semaphore, #tpu.memory_space<semaphore_mem>>)
    %dma_wait3A = arith.constant 0 : i32
    %dma_wait3A_22 = tpu.memref_slice %arg10[%mul3A_11, %dma_wait3A] : memref<10240x128xf32, #tpu.memory_space<vmem_shared>> -> memref<640x128xf32, #tpu.memory_space<vmem_shared>>
    %dma_wait3A_23 = arith.constant 0 : i32
    %dma_wait3A_24 = tpu.memref_slice %arg2[%mul3A_9, %dma_wait3A_23] : memref<10240x128xf32, #tpu.memory_space<hbm>> -> memref<640x128xf32, #tpu.memory_space<hbm>>
    tpu.wait_dma2 semaphore(%arg13 : memref<!tpu.dma_semaphore, #tpu.memory_space<semaphore_mem>>) src(%dma_wait3A_24 : memref<640x128xf32, #tpu.memory_space<hbm>>) dst(%dma_wait3A_22 : memref<640x128xf32, #tpu.memory_space<vmem_shared>>)
    %barrier3A = arith.constant 0 : index
    tpu.barrier barrier_id(%barrier3A)
    %scan3A = arith.constant 0 : i32
    %scan3A_25 = arith.constant 0 : i32
    %scan3A_26 = arith.constant 10 : i32
    %scan3A_27 = arith.addi %scan3A_25, %scan3A_26 : i32
    %scan3A_28 = arith.constant 1 : i32
    scf.for %scan3A_35 = %scan3A_25 to %scan3A_27 step %scan3A_28  : i32 {
      %rem3A = arith.constant 2 : i32
      %rem3A_36 = arith.remsi %scan3A_35, %rem3A : i32
      %add3A_37 = arith.constant 1 : i32
      %add3A_38 = arith.addi %scan3A_35, %add3A_37 : i32
      %lt3A = arith.constant 10 : i32
      %lt3A_39 = arith.cmpi slt, %add3A_38, %lt3A : i32
      %convert_element_type3A_40 = arith.extui %lt3A_39 : i1 to i32
      %cond3A_41 = arith.constant 0 : i32
      %cond3A_42 = arith.cmpi ne, %convert_element_type3A_40, %cond3A_41 : i32
      scf.if %cond3A_42 {
        %add3A_193 = arith.constant 1 : i32
        %add3A_194 = arith.addi %scan3A_35, %add3A_193 : i32
        %mul3A_195 = arith.constant 8 : i32
        %mul3A_196 = arith.muli %add3A_194, %mul3A_195 : i32
        %add3A_197 = arith.addi %mul3A_13, %mul3A_196 : i32
        %add3A_198 = arith.constant 1 : i32
        %add3A_199 = arith.addi %scan3A_35, %add3A_198 : i32
        %rem3A_200 = arith.constant 2 : i32
        %rem3A_201 = arith.remsi %add3A_199, %rem3A_200 : i32
        %dma_start3A_202 = arith.constant 1 : i32
        %dma_start3A_203 = arith.constant 0 : i32
        %dma_start3A_204 = arith.constant 0 : i32
        %dma_start3A_205 = tpu.memref_slice %arg7[%rem3A_201, %dma_start3A_203, %dma_start3A_204] : memref<2x8x128xi32, #tpu.memory_space<vmem>> -> memref<1x8x128xi32, #tpu.memory_space<vmem>>
        %dma_start3A_206 = tpu.memref_squeeze %dma_start3A_205 : memref<1x8x128xi32, #tpu.memory_space<vmem>> -> memref<8x128xi32, #tpu.memory_space<vmem>>
        %dma_start3A_207 = arith.constant 0 : i32
        %dma_start3A_208 = tpu.memref_slice %arg4[%dma_start3A_202, %add3A_197, %dma_start3A_207] : memref<2x2560x128xi32, #tpu.memory_space<hbm>> -> memref<1x8x128xi32, #tpu.memory_space<hbm>>
        %dma_start3A_209 = tpu.memref_squeeze %dma_start3A_208 : memref<1x8x128xi32, #tpu.memory_space<hbm>> -> memref<8x128xi32, #tpu.memory_space<hbm>>
        %dma_start3A_210 = arith.constant 0 : i32
        %dma_start3A_211 = arith.constant 0 : i32
        %dma_start3A_212 = tpu.memref_slice %arg7[%rem3A_201, %dma_start3A_210, %dma_start3A_211] : memref<2x8x128xi32, #tpu.memory_space<vmem>> -> memref<1x8x128xi32, #tpu.memory_space<vmem>>
        %dma_start3A_213 = tpu.memref_squeeze %dma_start3A_212 : memref<1x8x128xi32, #tpu.memory_space<vmem>> -> memref<8x128xi32, #tpu.memory_space<vmem>>
        %dma_start3A_214 = arith.constant 0 : i32
        %dma_start3A_215 = tpu.memref_slice %arg4[%dma_start3A_202, %add3A_197, %dma_start3A_214] : memref<2x2560x128xi32, #tpu.memory_space<hbm>> -> memref<1x8x128xi32, #tpu.memory_space<hbm>>
        %dma_start3A_216 = tpu.memref_squeeze %dma_start3A_215 : memref<1x8x128xi32, #tpu.memory_space<hbm>> -> memref<8x128xi32, #tpu.memory_space<hbm>>
        tpu.enqueue_dma source(%dma_start3A_216 : memref<8x128xi32, #tpu.memory_space<hbm>>) target(%dma_start3A_213 : memref<8x128xi32, #tpu.memory_space<vmem>>) target_semaphore(%arg13 : memref<!tpu.dma_semaphore, #tpu.memory_space<semaphore_mem>>)
      } else {
      }
      %mul3A_43 = arith.constant 8 : i32
      %mul3A_44 = arith.muli %scan3A_35, %mul3A_43 : i32
      %add3A_45 = arith.constant 0 : i32
      %add3A_46 = arith.addi %mul3A_44, %add3A_45 : i32
      %add3A_47 = arith.constant 1 : i32
      %add3A_48 = arith.addi %add3A_46, %add3A_47 : i32
      %dma_start3A_49 = arith.constant 0 : i32
      %dma_start3A_50 = tpu.memref_slice %arg6[%add3A_48, %dma_start3A_49] : memref<80x128xi32, #tpu.memory_space<vmem>> -> memref<1x128xi32, #tpu.memory_space<vmem>>
      %dma_start3A_51 = tpu.memref_squeeze %dma_start3A_50 : memref<1x128xi32, #tpu.memory_space<vmem>> -> memref<128xi32, #tpu.memory_space<vmem>>
      %dma_start3A_52 = arith.constant 0 : i32
      %dma_start3A_53 = arith.constant 0 : i32
      %dma_start3A_54 = tpu.memref_slice %arg2[%dma_start3A_52, %dma_start3A_53] : memref<10240x128xf32, #tpu.memory_space<hbm>> -> memref<10240x128xf32, #tpu.memory_space<hbm>>
      tpu.enqueue_indirect_dma source(%dma_start3A_54 : memref<10240x128xf32, #tpu.memory_space<hbm>>) target(%arg9 : memref<128x128xf32, #tpu.memory_space<vmem>>) offsets(%dma_start3A_51 : memref<128xi32, #tpu.memory_space<vmem>>) semaphore(%arg12 : memref<!tpu.dma_semaphore, #tpu.memory_space<semaphore_mem>>)
      %dma_wait3A_55 = arith.constant 0 : i32
      %dma_wait3A_56 = tpu.memref_slice %arg6[%add3A_46, %dma_wait3A_55] : memref<80x128xi32, #tpu.memory_space<vmem>> -> memref<1x128xi32, #tpu.memory_space<vmem>>
      %dma_wait3A_57 = tpu.memref_squeeze %dma_wait3A_56 : memref<1x128xi32, #tpu.memory_space<vmem>> -> memref<128xi32, #tpu.memory_space<vmem>>
      %dma_wait3A_58 = arith.constant 0 : i32
      %dma_wait3A_59 = arith.constant 0 : i32
      %dma_wait3A_60 = tpu.memref_slice %arg2[%dma_wait3A_58, %dma_wait3A_59] : memref<10240x128xf32, #tpu.memory_space<hbm>> -> memref<10240x128xf32, #tpu.memory_space<hbm>>
      tpu.wait_indirect_dma semaphore(%arg11 : memref<!tpu.dma_semaphore, #tpu.memory_space<semaphore_mem>>) src(%dma_wait3A_60 : memref<10240x128xf32, #tpu.memory_space<hbm>>) dst(%arg8 : memref<128x128xf32, #tpu.memory_space<vmem>>)
      %run_scoped3A_61 = arith.constant 0 : i32
      "tpu.region"() ({
        %run_scoped3A_193 = tpu.sem_alloc : memref<!tpu.dma_semaphore, #tpu.memory_space<semaphore_mem>>
        %dma_start3A_194 = arith.constant 0 : i32
        %dma_start3A_195 = tpu.memref_slice %arg7[%rem3A_36, %run_scoped3A_61, %dma_start3A_194] : memref<2x8x128xi32, #tpu.memory_space<vmem>> -> memref<1x1x128xi32, #tpu.memory_space<vmem>>
        %dma_start3A_196 = tpu.memref_squeeze %dma_start3A_195 : memref<1x1x128xi32, #tpu.memory_space<vmem>> -> memref<128xi32, #tpu.memory_space<vmem>>
        %dma_start3A_197 = arith.constant 0 : i32
        %dma_start3A_198 = arith.constant 0 : i32
        %dma_start3A_199 = tpu.memref_slice %arg10[%dma_start3A_197, %dma_start3A_198] : memref<10240x128xf32, #tpu.memory_space<vmem_shared>> -> memref<10240x128xf32, #tpu.memory_space<vmem_shared>>
        tpu.enqueue_indirect_dma source(%arg8 : memref<128x128xf32, #tpu.memory_space<vmem>>) target(%dma_start3A_199 : memref<10240x128xf32, #tpu.memory_space<vmem_shared>>) offsets(%dma_start3A_196 : memref<128xi32, #tpu.memory_space<vmem>>) semaphore(%run_scoped3A_193 : memref<!tpu.dma_semaphore, #tpu.memory_space<semaphore_mem>>) {add = true}
        %dma_wait3A_200 = arith.constant 0 : i32
        %dma_wait3A_201 = tpu.memref_slice %arg7[%rem3A_36, %run_scoped3A_61, %dma_wait3A_200] : memref<2x8x128xi32, #tpu.memory_space<vmem>> -> memref<1x1x128xi32, #tpu.memory_space<vmem>>
        %dma_wait3A_202 = tpu.memref_squeeze %dma_wait3A_201 : memref<1x1x128xi32, #tpu.memory_space<vmem>> -> memref<128xi32, #tpu.memory_space<vmem>>
        %dma_wait3A_203 = arith.constant 0 : i32
        %dma_wait3A_204 = arith.constant 0 : i32
        %dma_wait3A_205 = tpu.memref_slice %arg10[%dma_wait3A_203, %dma_wait3A_204] : memref<10240x128xf32, #tpu.memory_space<vmem_shared>> -> memref<10240x128xf32, #tpu.memory_space<vmem_shared>>
        tpu.wait_indirect_dma semaphore(%run_scoped3A_193 : memref<!tpu.dma_semaphore, #tpu.memory_space<semaphore_mem>>) src(%arg8 : memref<128x128xf32, #tpu.memory_space<vmem>>) dst(%dma_wait3A_205 : memref<10240x128xf32, #tpu.memory_space<vmem_shared>>)
        tpu.yield
      }) : () -> ()
      %add3A_62 = arith.constant 2 : i32
      %add3A_63 = arith.addi %add3A_46, %add3A_62 : i32
      %dma_start3A_64 = arith.constant 0 : i32
      %dma_start3A_65 = tpu.memref_slice %arg6[%add3A_63, %dma_start3A_64] : memref<80x128xi32, #tpu.memory_space<vmem>> -> memref<1x128xi32, #tpu.memory_space<vmem>>
      %dma_start3A_66 = tpu.memref_squeeze %dma_start3A_65 : memref<1x128xi32, #tpu.memory_space<vmem>> -> memref<128xi32, #tpu.memory_space<vmem>>
      %dma_start3A_67 = arith.constant 0 : i32
      %dma_start3A_68 = arith.constant 0 : i32
      %dma_start3A_69 = tpu.memref_slice %arg2[%dma_start3A_67, %dma_start3A_68] : memref<10240x128xf32, #tpu.memory_space<hbm>> -> memref<10240x128xf32, #tpu.memory_space<hbm>>
      tpu.enqueue_indirect_dma source(%dma_start3A_69 : memref<10240x128xf32, #tpu.memory_space<hbm>>) target(%arg8 : memref<128x128xf32, #tpu.memory_space<vmem>>) offsets(%dma_start3A_66 : memref<128xi32, #tpu.memory_space<vmem>>) semaphore(%arg11 : memref<!tpu.dma_semaphore, #tpu.memory_space<semaphore_mem>>)
      %add3A_70 = arith.constant 1 : i32
      %add3A_71 = arith.addi %add3A_46, %add3A_70 : i32
      %dma_wait3A_72 = arith.constant 0 : i32
      %dma_wait3A_73 = tpu.memref_slice %arg6[%add3A_71, %dma_wait3A_72] : memref<80x128xi32, #tpu.memory_space<vmem>> -> memref<1x128xi32, #tpu.memory_space<vmem>>
      %dma_wait3A_74 = tpu.memref_squeeze %dma_wait3A_73 : memref<1x128xi32, #tpu.memory_space<vmem>> -> memref<128xi32, #tpu.memory_space<vmem>>
      %dma_wait3A_75 = arith.constant 0 : i32
      %dma_wait3A_76 = arith.constant 0 : i32
      %dma_wait3A_77 = tpu.memref_slice %arg2[%dma_wait3A_75, %dma_wait3A_76] : memref<10240x128xf32, #tpu.memory_space<hbm>> -> memref<10240x128xf32, #tpu.memory_space<hbm>>
      tpu.wait_indirect_dma semaphore(%arg12 : memref<!tpu.dma_semaphore, #tpu.memory_space<semaphore_mem>>) src(%dma_wait3A_77 : memref<10240x128xf32, #tpu.memory_space<hbm>>) dst(%arg9 : memref<128x128xf32, #tpu.memory_space<vmem>>)
      %run_scoped3A_78 = arith.constant 1 : i32
      "tpu.region"() ({
        %run_scoped3A_193 = tpu.sem_alloc : memref<!tpu.dma_semaphore, #tpu.memory_space<semaphore_mem>>
        %dma_start3A_194 = arith.constant 0 : i32
        %dma_start3A_195 = tpu.memref_slice %arg7[%rem3A_36, %run_scoped3A_78, %dma_start3A_194] : memref<2x8x128xi32, #tpu.memory_space<vmem>> -> memref<1x1x128xi32, #tpu.memory_space<vmem>>
        %dma_start3A_196 = tpu.memref_squeeze %dma_start3A_195 : memref<1x1x128xi32, #tpu.memory_space<vmem>> -> memref<128xi32, #tpu.memory_space<vmem>>
        %dma_start3A_197 = arith.constant 0 : i32
        %dma_start3A_198 = arith.constant 0 : i32
        %dma_start3A_199 = tpu.memref_slice %arg10[%dma_start3A_197, %dma_start3A_198] : memref<10240x128xf32, #tpu.memory_space<vmem_shared>> -> memref<10240x128xf32, #tpu.memory_space<vmem_shared>>
        tpu.enqueue_indirect_dma source(%arg9 : memref<128x128xf32, #tpu.memory_space<vmem>>) target(%dma_start3A_199 : memref<10240x128xf32, #tpu.memory_space<vmem_shared>>) offsets(%dma_start3A_196 : memref<128xi32, #tpu.memory_space<vmem>>) semaphore(%run_scoped3A_193 : memref<!tpu.dma_semaphore, #tpu.memory_space<semaphore_mem>>) {add = true}
        %dma_wait3A_200 = arith.constant 0 : i32
        %dma_wait3A_201 = tpu.memref_slice %arg7[%rem3A_36, %run_scoped3A_78, %dma_wait3A_200] : memref<2x8x128xi32, #tpu.memory_space<vmem>> -> memref<1x1x128xi32, #tpu.memory_space<vmem>>
        %dma_wait3A_202 = tpu.memref_squeeze %dma_wait3A_201 : memref<1x1x128xi32, #tpu.memory_space<vmem>> -> memref<128xi32, #tpu.memory_space<vmem>>
        %dma_wait3A_203 = arith.constant 0 : i32
        %dma_wait3A_204 = arith.constant 0 : i32
        %dma_wait3A_205 = tpu.memref_slice %arg10[%dma_wait3A_203, %dma_wait3A_204] : memref<10240x128xf32, #tpu.memory_space<vmem_shared>> -> memref<10240x128xf32, #tpu.memory_space<vmem_shared>>
        tpu.wait_indirect_dma semaphore(%run_scoped3A_193 : memref<!tpu.dma_semaphore, #tpu.memory_space<semaphore_mem>>) src(%arg9 : memref<128x128xf32, #tpu.memory_space<vmem>>) dst(%dma_wait3A_205 : memref<10240x128xf32, #tpu.memory_space<vmem_shared>>)
        tpu.yield
      }) : () -> ()
      %mul3A_79 = arith.constant 8 : i32
      %mul3A_80 = arith.muli %scan3A_35, %mul3A_79 : i32
      %add3A_81 = arith.constant 2 : i32
      %add3A_82 = arith.addi %mul3A_80, %add3A_81 : i32
      %add3A_83 = arith.constant 1 : i32
      %add3A_84 = arith.addi %add3A_82, %add3A_83 : i32
      %dma_start3A_85 = arith.constant 0 : i32
      %dma_start3A_86 = tpu.memref_slice %arg6[%add3A_84, %dma_start3A_85] : memref<80x128xi32, #tpu.memory_space<vmem>> -> memref<1x128xi32, #tpu.memory_space<vmem>>
      %dma_start3A_87 = tpu.memref_squeeze %dma_start3A_86 : memref<1x128xi32, #tpu.memory_space<vmem>> -> memref<128xi32, #tpu.memory_space<vmem>>
      %dma_start3A_88 = arith.constant 0 : i32
      %dma_start3A_89 = arith.constant 0 : i32
      %dma_start3A_90 = tpu.memref_slice %arg2[%dma_start3A_88, %dma_start3A_89] : memref<10240x128xf32, #tpu.memory_space<hbm>> -> memref<10240x128xf32, #tpu.memory_space<hbm>>
      tpu.enqueue_indirect_dma source(%dma_start3A_90 : memref<10240x128xf32, #tpu.memory_space<hbm>>) target(%arg9 : memref<128x128xf32, #tpu.memory_space<vmem>>) offsets(%dma_start3A_87 : memref<128xi32, #tpu.memory_space<vmem>>) semaphore(%arg12 : memref<!tpu.dma_semaphore, #tpu.memory_space<semaphore_mem>>)
      %dma_wait3A_91 = arith.constant 0 : i32
      %dma_wait3A_92 = tpu.memref_slice %arg6[%add3A_82, %dma_wait3A_91] : memref<80x128xi32, #tpu.memory_space<vmem>> -> memref<1x128xi32, #tpu.memory_space<vmem>>
      %dma_wait3A_93 = tpu.memref_squeeze %dma_wait3A_92 : memref<1x128xi32, #tpu.memory_space<vmem>> -> memref<128xi32, #tpu.memory_space<vmem>>
      %dma_wait3A_94 = arith.constant 0 : i32
      %dma_wait3A_95 = arith.constant 0 : i32
      %dma_wait3A_96 = tpu.memref_slice %arg2[%dma_wait3A_94, %dma_wait3A_95] : memref<10240x128xf32, #tpu.memory_space<hbm>> -> memref<10240x128xf32, #tpu.memory_space<hbm>>
      tpu.wait_indirect_dma semaphore(%arg11 : memref<!tpu.dma_semaphore, #tpu.memory_space<semaphore_mem>>) src(%dma_wait3A_96 : memref<10240x128xf32, #tpu.memory_space<hbm>>) dst(%arg8 : memref<128x128xf32, #tpu.memory_space<vmem>>)
      %run_scoped3A_97 = arith.constant 2 : i32
      "tpu.region"() ({
        %run_scoped3A_193 = tpu.sem_alloc : memref<!tpu.dma_semaphore, #tpu.memory_space<semaphore_mem>>
        %dma_start3A_194 = arith.constant 0 : i32
        %dma_start3A_195 = tpu.memref_slice %arg7[%rem3A_36, %run_scoped3A_97, %dma_start3A_194] : memref<2x8x128xi32, #tpu.memory_space<vmem>> -> memref<1x1x128xi32, #tpu.memory_space<vmem>>
        %dma_start3A_196 = tpu.memref_squeeze %dma_start3A_195 : memref<1x1x128xi32, #tpu.memory_space<vmem>> -> memref<128xi32, #tpu.memory_space<vmem>>
        %dma_start3A_197 = arith.constant 0 : i32
        %dma_start3A_198 = arith.constant 0 : i32
        %dma_start3A_199 = tpu.memref_slice %arg10[%dma_start3A_197, %dma_start3A_198] : memref<10240x128xf32, #tpu.memory_space<vmem_shared>> -> memref<10240x128xf32, #tpu.memory_space<vmem_shared>>
        tpu.enqueue_indirect_dma source(%arg8 : memref<128x128xf32, #tpu.memory_space<vmem>>) target(%dma_start3A_199 : memref<10240x128xf32, #tpu.memory_space<vmem_shared>>) offsets(%dma_start3A_196 : memref<128xi32, #tpu.memory_space<vmem>>) semaphore(%run_scoped3A_193 : memref<!tpu.dma_semaphore, #tpu.memory_space<semaphore_mem>>) {add = true}
        %dma_wait3A_200 = arith.constant 0 : i32
        %dma_wait3A_201 = tpu.memref_slice %arg7[%rem3A_36, %run_scoped3A_97, %dma_wait3A_200] : memref<2x8x128xi32, #tpu.memory_space<vmem>> -> memref<1x1x128xi32, #tpu.memory_space<vmem>>
        %dma_wait3A_202 = tpu.memref_squeeze %dma_wait3A_201 : memref<1x1x128xi32, #tpu.memory_space<vmem>> -> memref<128xi32, #tpu.memory_space<vmem>>
        %dma_wait3A_203 = arith.constant 0 : i32
        %dma_wait3A_204 = arith.constant 0 : i32
        %dma_wait3A_205 = tpu.memref_slice %arg10[%dma_wait3A_203, %dma_wait3A_204] : memref<10240x128xf32, #tpu.memory_space<vmem_shared>> -> memref<10240x128xf32, #tpu.memory_space<vmem_shared>>
        tpu.wait_indirect_dma semaphore(%run_scoped3A_193 : memref<!tpu.dma_semaphore, #tpu.memory_space<semaphore_mem>>) src(%arg8 : memref<128x128xf32, #tpu.memory_space<vmem>>) dst(%dma_wait3A_205 : memref<10240x128xf32, #tpu.memory_space<vmem_shared>>)
        tpu.yield
      }) : () -> ()
      %add3A_98 = arith.constant 2 : i32
      %add3A_99 = arith.addi %add3A_82, %add3A_98 : i32
      %dma_start3A_100 = arith.constant 0 : i32
      %dma_start3A_101 = tpu.memref_slice %arg6[%add3A_99, %dma_start3A_100] : memref<80x128xi32, #tpu.memory_space<vmem>> -> memref<1x128xi32, #tpu.memory_space<vmem>>
      %dma_start3A_102 = tpu.memref_squeeze %dma_start3A_101 : memref<1x128xi32, #tpu.memory_space<vmem>> -> memref<128xi32, #tpu.memory_space<vmem>>
      %dma_start3A_103 = arith.constant 0 : i32
      %dma_start3A_104 = arith.constant 0 : i32
      %dma_start3A_105 = tpu.memref_slice %arg2[%dma_start3A_103, %dma_start3A_104] : memref<10240x128xf32, #tpu.memory_space<hbm>> -> memref<10240x128xf32, #tpu.memory_space<hbm>>
      tpu.enqueue_indirect_dma source(%dma_start3A_105 : memref<10240x128xf32, #tpu.memory_space<hbm>>) target(%arg8 : memref<128x128xf32, #tpu.memory_space<vmem>>) offsets(%dma_start3A_102 : memref<128xi32, #tpu.memory_space<vmem>>) semaphore(%arg11 : memref<!tpu.dma_semaphore, #tpu.memory_space<semaphore_mem>>)
      %add3A_106 = arith.constant 1 : i32
      %add3A_107 = arith.addi %add3A_82, %add3A_106 : i32
      %dma_wait3A_108 = arith.constant 0 : i32
      %dma_wait3A_109 = tpu.memref_slice %arg6[%add3A_107, %dma_wait3A_108] : memref<80x128xi32, #tpu.memory_space<vmem>> -> memref<1x128xi32, #tpu.memory_space<vmem>>
      %dma_wait3A_110 = tpu.memref_squeeze %dma_wait3A_109 : memref<1x128xi32, #tpu.memory_space<vmem>> -> memref<128xi32, #tpu.memory_space<vmem>>
      %dma_wait3A_111 = arith.constant 0 : i32
      %dma_wait3A_112 = arith.constant 0 : i32
      %dma_wait3A_113 = tpu.memref_slice %arg2[%dma_wait3A_111, %dma_wait3A_112] : memref<10240x128xf32, #tpu.memory_space<hbm>> -> memref<10240x128xf32, #tpu.memory_space<hbm>>
      tpu.wait_indirect_dma semaphore(%arg12 : memref<!tpu.dma_semaphore, #tpu.memory_space<semaphore_mem>>) src(%dma_wait3A_113 : memref<10240x128xf32, #tpu.memory_space<hbm>>) dst(%arg9 : memref<128x128xf32, #tpu.memory_space<vmem>>)
      %run_scoped3A_114 = arith.constant 3 : i32
      "tpu.region"() ({
        %run_scoped3A_193 = tpu.sem_alloc : memref<!tpu.dma_semaphore, #tpu.memory_space<semaphore_mem>>
        %dma_start3A_194 = arith.constant 0 : i32
        %dma_start3A_195 = tpu.memref_slice %arg7[%rem3A_36, %run_scoped3A_114, %dma_start3A_194] : memref<2x8x128xi32, #tpu.memory_space<vmem>> -> memref<1x1x128xi32, #tpu.memory_space<vmem>>
        %dma_start3A_196 = tpu.memref_squeeze %dma_start3A_195 : memref<1x1x128xi32, #tpu.memory_space<vmem>> -> memref<128xi32, #tpu.memory_space<vmem>>
        %dma_start3A_197 = arith.constant 0 : i32
        %dma_start3A_198 = arith.constant 0 : i32
        %dma_start3A_199 = tpu.memref_slice %arg10[%dma_start3A_197, %dma_start3A_198] : memref<10240x128xf32, #tpu.memory_space<vmem_shared>> -> memref<10240x128xf32, #tpu.memory_space<vmem_shared>>
        tpu.enqueue_indirect_dma source(%arg9 : memref<128x128xf32, #tpu.memory_space<vmem>>) target(%dma_start3A_199 : memref<10240x128xf32, #tpu.memory_space<vmem_shared>>) offsets(%dma_start3A_196 : memref<128xi32, #tpu.memory_space<vmem>>) semaphore(%run_scoped3A_193 : memref<!tpu.dma_semaphore, #tpu.memory_space<semaphore_mem>>) {add = true}
        %dma_wait3A_200 = arith.constant 0 : i32
        %dma_wait3A_201 = tpu.memref_slice %arg7[%rem3A_36, %run_scoped3A_114, %dma_wait3A_200] : memref<2x8x128xi32, #tpu.memory_space<vmem>> -> memref<1x1x128xi32, #tpu.memory_space<vmem>>
        %dma_wait3A_202 = tpu.memref_squeeze %dma_wait3A_201 : memref<1x1x128xi32, #tpu.memory_space<vmem>> -> memref<128xi32, #tpu.memory_space<vmem>>
        %dma_wait3A_203 = arith.constant 0 : i32
        %dma_wait3A_204 = arith.constant 0 : i32
        %dma_wait3A_205 = tpu.memref_slice %arg10[%dma_wait3A_203, %dma_wait3A_204] : memref<10240x128xf32, #tpu.memory_space<vmem_shared>> -> memref<10240x128xf32, #tpu.memory_space<vmem_shared>>
        tpu.wait_indirect_dma semaphore(%run_scoped3A_193 : memref<!tpu.dma_semaphore, #tpu.memory_space<semaphore_mem>>) src(%arg9 : memref<128x128xf32, #tpu.memory_space<vmem>>) dst(%dma_wait3A_205 : memref<10240x128xf32, #tpu.memory_space<vmem_shared>>)
        tpu.yield
      }) : () -> ()
      %mul3A_115 = arith.constant 8 : i32
      %mul3A_116 = arith.muli %scan3A_35, %mul3A_115 : i32
      %add3A_117 = arith.constant 4 : i32
      %add3A_118 = arith.addi %mul3A_116, %add3A_117 : i32
      %add3A_119 = arith.constant 1 : i32
      %add3A_120 = arith.addi %add3A_118, %add3A_119 : i32
      %dma_start3A_121 = arith.constant 0 : i32
      %dma_start3A_122 = tpu.memref_slice %arg6[%add3A_120, %dma_start3A_121] : memref<80x128xi32, #tpu.memory_space<vmem>> -> memref<1x128xi32, #tpu.memory_space<vmem>>
      %dma_start3A_123 = tpu.memref_squeeze %dma_start3A_122 : memref<1x128xi32, #tpu.memory_space<vmem>> -> memref<128xi32, #tpu.memory_space<vmem>>
      %dma_start3A_124 = arith.constant 0 : i32
      %dma_start3A_125 = arith.constant 0 : i32
      %dma_start3A_126 = tpu.memref_slice %arg2[%dma_start3A_124, %dma_start3A_125] : memref<10240x128xf32, #tpu.memory_space<hbm>> -> memref<10240x128xf32, #tpu.memory_space<hbm>>
      tpu.enqueue_indirect_dma source(%dma_start3A_126 : memref<10240x128xf32, #tpu.memory_space<hbm>>) target(%arg9 : memref<128x128xf32, #tpu.memory_space<vmem>>) offsets(%dma_start3A_123 : memref<128xi32, #tpu.memory_space<vmem>>) semaphore(%arg12 : memref<!tpu.dma_semaphore, #tpu.memory_space<semaphore_mem>>)
      %dma_wait3A_127 = arith.constant 0 : i32
      %dma_wait3A_128 = tpu.memref_slice %arg6[%add3A_118, %dma_wait3A_127] : memref<80x128xi32, #tpu.memory_space<vmem>> -> memref<1x128xi32, #tpu.memory_space<vmem>>
      %dma_wait3A_129 = tpu.memref_squeeze %dma_wait3A_128 : memref<1x128xi32, #tpu.memory_space<vmem>> -> memref<128xi32, #tpu.memory_space<vmem>>
      %dma_wait3A_130 = arith.constant 0 : i32
      %dma_wait3A_131 = arith.constant 0 : i32
      %dma_wait3A_132 = tpu.memref_slice %arg2[%dma_wait3A_130, %dma_wait3A_131] : memref<10240x128xf32, #tpu.memory_space<hbm>> -> memref<10240x128xf32, #tpu.memory_space<hbm>>
      tpu.wait_indirect_dma semaphore(%arg11 : memref<!tpu.dma_semaphore, #tpu.memory_space<semaphore_mem>>) src(%dma_wait3A_132 : memref<10240x128xf32, #tpu.memory_space<hbm>>) dst(%arg8 : memref<128x128xf32, #tpu.memory_space<vmem>>)
      %run_scoped3A_133 = arith.constant 4 : i32
      "tpu.region"() ({
        %run_scoped3A_193 = tpu.sem_alloc : memref<!tpu.dma_semaphore, #tpu.memory_space<semaphore_mem>>
        %dma_start3A_194 = arith.constant 0 : i32
        %dma_start3A_195 = tpu.memref_slice %arg7[%rem3A_36, %run_scoped3A_133, %dma_start3A_194] : memref<2x8x128xi32, #tpu.memory_space<vmem>> -> memref<1x1x128xi32, #tpu.memory_space<vmem>>
        %dma_start3A_196 = tpu.memref_squeeze %dma_start3A_195 : memref<1x1x128xi32, #tpu.memory_space<vmem>> -> memref<128xi32, #tpu.memory_space<vmem>>
        %dma_start3A_197 = arith.constant 0 : i32
        %dma_start3A_198 = arith.constant 0 : i32
        %dma_start3A_199 = tpu.memref_slice %arg10[%dma_start3A_197, %dma_start3A_198] : memref<10240x128xf32, #tpu.memory_space<vmem_shared>> -> memref<10240x128xf32, #tpu.memory_space<vmem_shared>>
        tpu.enqueue_indirect_dma source(%arg8 : memref<128x128xf32, #tpu.memory_space<vmem>>) target(%dma_start3A_199 : memref<10240x128xf32, #tpu.memory_space<vmem_shared>>) offsets(%dma_start3A_196 : memref<128xi32, #tpu.memory_space<vmem>>) semaphore(%run_scoped3A_193 : memref<!tpu.dma_semaphore, #tpu.memory_space<semaphore_mem>>) {add = true}
        %dma_wait3A_200 = arith.constant 0 : i32
        %dma_wait3A_201 = tpu.memref_slice %arg7[%rem3A_36, %run_scoped3A_133, %dma_wait3A_200] : memref<2x8x128xi32, #tpu.memory_space<vmem>> -> memref<1x1x128xi32, #tpu.memory_space<vmem>>
        %dma_wait3A_202 = tpu.memref_squeeze %dma_wait3A_201 : memref<1x1x128xi32, #tpu.memory_space<vmem>> -> memref<128xi32, #tpu.memory_space<vmem>>
        %dma_wait3A_203 = arith.constant 0 : i32
        %dma_wait3A_204 = arith.constant 0 : i32
        %dma_wait3A_205 = tpu.memref_slice %arg10[%dma_wait3A_203, %dma_wait3A_204] : memref<10240x128xf32, #tpu.memory_space<vmem_shared>> -> memref<10240x128xf32, #tpu.memory_space<vmem_shared>>
        tpu.wait_indirect_dma semaphore(%run_scoped3A_193 : memref<!tpu.dma_semaphore, #tpu.memory_space<semaphore_mem>>) src(%arg8 : memref<128x128xf32, #tpu.memory_space<vmem>>) dst(%dma_wait3A_205 : memref<10240x128xf32, #tpu.memory_space<vmem_shared>>)
        tpu.yield
      }) : () -> ()
      %add3A_134 = arith.constant 2 : i32
      %add3A_135 = arith.addi %add3A_118, %add3A_134 : i32
      %dma_start3A_136 = arith.constant 0 : i32
      %dma_start3A_137 = tpu.memref_slice %arg6[%add3A_135, %dma_start3A_136] : memref<80x128xi32, #tpu.memory_space<vmem>> -> memref<1x128xi32, #tpu.memory_space<vmem>>
      %dma_start3A_138 = tpu.memref_squeeze %dma_start3A_137 : memref<1x128xi32, #tpu.memory_space<vmem>> -> memref<128xi32, #tpu.memory_space<vmem>>
      %dma_start3A_139 = arith.constant 0 : i32
      %dma_start3A_140 = arith.constant 0 : i32
      %dma_start3A_141 = tpu.memref_slice %arg2[%dma_start3A_139, %dma_start3A_140] : memref<10240x128xf32, #tpu.memory_space<hbm>> -> memref<10240x128xf32, #tpu.memory_space<hbm>>
      tpu.enqueue_indirect_dma source(%dma_start3A_141 : memref<10240x128xf32, #tpu.memory_space<hbm>>) target(%arg8 : memref<128x128xf32, #tpu.memory_space<vmem>>) offsets(%dma_start3A_138 : memref<128xi32, #tpu.memory_space<vmem>>) semaphore(%arg11 : memref<!tpu.dma_semaphore, #tpu.memory_space<semaphore_mem>>)
      %add3A_142 = arith.constant 1 : i32
      %add3A_143 = arith.addi %add3A_118, %add3A_142 : i32
      %dma_wait3A_144 = arith.constant 0 : i32
      %dma_wait3A_145 = tpu.memref_slice %arg6[%add3A_143, %dma_wait3A_144] : memref<80x128xi32, #tpu.memory_space<vmem>> -> memref<1x128xi32, #tpu.memory_space<vmem>>
      %dma_wait3A_146 = tpu.memref_squeeze %dma_wait3A_145 : memref<1x128xi32, #tpu.memory_space<vmem>> -> memref<128xi32, #tpu.memory_space<vmem>>
      %dma_wait3A_147 = arith.constant 0 : i32
      %dma_wait3A_148 = arith.constant 0 : i32
      %dma_wait3A_149 = tpu.memref_slice %arg2[%dma_wait3A_147, %dma_wait3A_148] : memref<10240x128xf32, #tpu.memory_space<hbm>> -> memref<10240x128xf32, #tpu.memory_space<hbm>>
      tpu.wait_indirect_dma semaphore(%arg12 : memref<!tpu.dma_semaphore, #tpu.memory_space<semaphore_mem>>) src(%dma_wait3A_149 : memref<10240x128xf32, #tpu.memory_space<hbm>>) dst(%arg9 : memref<128x128xf32, #tpu.memory_space<vmem>>)
      %run_scoped3A_150 = arith.constant 5 : i32
      "tpu.region"() ({
        %run_scoped3A_193 = tpu.sem_alloc : memref<!tpu.dma_semaphore, #tpu.memory_space<semaphore_mem>>
        %dma_start3A_194 = arith.constant 0 : i32
        %dma_start3A_195 = tpu.memref_slice %arg7[%rem3A_36, %run_scoped3A_150, %dma_start3A_194] : memref<2x8x128xi32, #tpu.memory_space<vmem>> -> memref<1x1x128xi32, #tpu.memory_space<vmem>>
        %dma_start3A_196 = tpu.memref_squeeze %dma_start3A_195 : memref<1x1x128xi32, #tpu.memory_space<vmem>> -> memref<128xi32, #tpu.memory_space<vmem>>
        %dma_start3A_197 = arith.constant 0 : i32
        %dma_start3A_198 = arith.constant 0 : i32
        %dma_start3A_199 = tpu.memref_slice %arg10[%dma_start3A_197, %dma_start3A_198] : memref<10240x128xf32, #tpu.memory_space<vmem_shared>> -> memref<10240x128xf32, #tpu.memory_space<vmem_shared>>
        tpu.enqueue_indirect_dma source(%arg9 : memref<128x128xf32, #tpu.memory_space<vmem>>) target(%dma_start3A_199 : memref<10240x128xf32, #tpu.memory_space<vmem_shared>>) offsets(%dma_start3A_196 : memref<128xi32, #tpu.memory_space<vmem>>) semaphore(%run_scoped3A_193 : memref<!tpu.dma_semaphore, #tpu.memory_space<semaphore_mem>>) {add = true}
        %dma_wait3A_200 = arith.constant 0 : i32
        %dma_wait3A_201 = tpu.memref_slice %arg7[%rem3A_36, %run_scoped3A_150, %dma_wait3A_200] : memref<2x8x128xi32, #tpu.memory_space<vmem>> -> memref<1x1x128xi32, #tpu.memory_space<vmem>>
        %dma_wait3A_202 = tpu.memref_squeeze %dma_wait3A_201 : memref<1x1x128xi32, #tpu.memory_space<vmem>> -> memref<128xi32, #tpu.memory_space<vmem>>
        %dma_wait3A_203 = arith.constant 0 : i32
        %dma_wait3A_204 = arith.constant 0 : i32
        %dma_wait3A_205 = tpu.memref_slice %arg10[%dma_wait3A_203, %dma_wait3A_204] : memref<10240x128xf32, #tpu.memory_space<vmem_shared>> -> memref<10240x128xf32, #tpu.memory_space<vmem_shared>>
        tpu.wait_indirect_dma semaphore(%run_scoped3A_193 : memref<!tpu.dma_semaphore, #tpu.memory_space<semaphore_mem>>) src(%arg9 : memref<128x128xf32, #tpu.memory_space<vmem>>) dst(%dma_wait3A_205 : memref<10240x128xf32, #tpu.memory_space<vmem_shared>>)
        tpu.yield
      }) : () -> ()
      %mul3A_151 = arith.constant 8 : i32
      %mul3A_152 = arith.muli %scan3A_35, %mul3A_151 : i32
      %add3A_153 = arith.constant 6 : i32
      %add3A_154 = arith.addi %mul3A_152, %add3A_153 : i32
      %add3A_155 = arith.constant 1 : i32
      %add3A_156 = arith.addi %add3A_154, %add3A_155 : i32
      %dma_start3A_157 = arith.constant 0 : i32
      %dma_start3A_158 = tpu.memref_slice %arg6[%add3A_156, %dma_start3A_157] : memref<80x128xi32, #tpu.memory_space<vmem>> -> memref<1x128xi32, #tpu.memory_space<vmem>>
      %dma_start3A_159 = tpu.memref_squeeze %dma_start3A_158 : memref<1x128xi32, #tpu.memory_space<vmem>> -> memref<128xi32, #tpu.memory_space<vmem>>
      %dma_start3A_160 = arith.constant 0 : i32
      %dma_start3A_161 = arith.constant 0 : i32
      %dma_start3A_162 = tpu.memref_slice %arg2[%dma_start3A_160, %dma_start3A_161] : memref<10240x128xf32, #tpu.memory_space<hbm>> -> memref<10240x128xf32, #tpu.memory_space<hbm>>
      tpu.enqueue_indirect_dma source(%dma_start3A_162 : memref<10240x128xf32, #tpu.memory_space<hbm>>) target(%arg9 : memref<128x128xf32, #tpu.memory_space<vmem>>) offsets(%dma_start3A_159 : memref<128xi32, #tpu.memory_space<vmem>>) semaphore(%arg12 : memref<!tpu.dma_semaphore, #tpu.memory_space<semaphore_mem>>)
      %dma_wait3A_163 = arith.constant 0 : i32
      %dma_wait3A_164 = tpu.memref_slice %arg6[%add3A_154, %dma_wait3A_163] : memref<80x128xi32, #tpu.memory_space<vmem>> -> memref<1x128xi32, #tpu.memory_space<vmem>>
      %dma_wait3A_165 = tpu.memref_squeeze %dma_wait3A_164 : memref<1x128xi32, #tpu.memory_space<vmem>> -> memref<128xi32, #tpu.memory_space<vmem>>
      %dma_wait3A_166 = arith.constant 0 : i32
      %dma_wait3A_167 = arith.constant 0 : i32
      %dma_wait3A_168 = tpu.memref_slice %arg2[%dma_wait3A_166, %dma_wait3A_167] : memref<10240x128xf32, #tpu.memory_space<hbm>> -> memref<10240x128xf32, #tpu.memory_space<hbm>>
      tpu.wait_indirect_dma semaphore(%arg11 : memref<!tpu.dma_semaphore, #tpu.memory_space<semaphore_mem>>) src(%dma_wait3A_168 : memref<10240x128xf32, #tpu.memory_space<hbm>>) dst(%arg8 : memref<128x128xf32, #tpu.memory_space<vmem>>)
      %run_scoped3A_169 = arith.constant 6 : i32
      "tpu.region"() ({
        %run_scoped3A_193 = tpu.sem_alloc : memref<!tpu.dma_semaphore, #tpu.memory_space<semaphore_mem>>
        %dma_start3A_194 = arith.constant 0 : i32
        %dma_start3A_195 = tpu.memref_slice %arg7[%rem3A_36, %run_scoped3A_169, %dma_start3A_194] : memref<2x8x128xi32, #tpu.memory_space<vmem>> -> memref<1x1x128xi32, #tpu.memory_space<vmem>>
        %dma_start3A_196 = tpu.memref_squeeze %dma_start3A_195 : memref<1x1x128xi32, #tpu.memory_space<vmem>> -> memref<128xi32, #tpu.memory_space<vmem>>
        %dma_start3A_197 = arith.constant 0 : i32
        %dma_start3A_198 = arith.constant 0 : i32
        %dma_start3A_199 = tpu.memref_slice %arg10[%dma_start3A_197, %dma_start3A_198] : memref<10240x128xf32, #tpu.memory_space<vmem_shared>> -> memref<10240x128xf32, #tpu.memory_space<vmem_shared>>
        tpu.enqueue_indirect_dma source(%arg8 : memref<128x128xf32, #tpu.memory_space<vmem>>) target(%dma_start3A_199 : memref<10240x128xf32, #tpu.memory_space<vmem_shared>>) offsets(%dma_start3A_196 : memref<128xi32, #tpu.memory_space<vmem>>) semaphore(%run_scoped3A_193 : memref<!tpu.dma_semaphore, #tpu.memory_space<semaphore_mem>>) {add = true}
        %dma_wait3A_200 = arith.constant 0 : i32
        %dma_wait3A_201 = tpu.memref_slice %arg7[%rem3A_36, %run_scoped3A_169, %dma_wait3A_200] : memref<2x8x128xi32, #tpu.memory_space<vmem>> -> memref<1x1x128xi32, #tpu.memory_space<vmem>>
        %dma_wait3A_202 = tpu.memref_squeeze %dma_wait3A_201 : memref<1x1x128xi32, #tpu.memory_space<vmem>> -> memref<128xi32, #tpu.memory_space<vmem>>
        %dma_wait3A_203 = arith.constant 0 : i32
        %dma_wait3A_204 = arith.constant 0 : i32
        %dma_wait3A_205 = tpu.memref_slice %arg10[%dma_wait3A_203, %dma_wait3A_204] : memref<10240x128xf32, #tpu.memory_space<vmem_shared>> -> memref<10240x128xf32, #tpu.memory_space<vmem_shared>>
        tpu.wait_indirect_dma semaphore(%run_scoped3A_193 : memref<!tpu.dma_semaphore, #tpu.memory_space<semaphore_mem>>) src(%arg8 : memref<128x128xf32, #tpu.memory_space<vmem>>) dst(%dma_wait3A_205 : memref<10240x128xf32, #tpu.memory_space<vmem_shared>>)
        tpu.yield
      }) : () -> ()
      %add3A_170 = arith.constant 1 : i32
      %add3A_171 = arith.addi %scan3A_35, %add3A_170 : i32
      %lt3A_172 = arith.constant 10 : i32
      %lt3A_173 = arith.cmpi slt, %add3A_171, %lt3A_172 : i32
      %convert_element_type3A_174 = arith.extui %lt3A_173 : i1 to i32
      %cond3A_175 = arith.constant 0 : i32
      %cond3A_176 = arith.cmpi ne, %convert_element_type3A_174, %cond3A_175 : i32
      scf.if %cond3A_176 {
        %add3A_193 = arith.constant 2 : i32
        %add3A_194 = arith.addi %add3A_154, %add3A_193 : i32
        %dma_start3A_195 = arith.constant 0 : i32
        %dma_start3A_196 = tpu.memref_slice %arg6[%add3A_194, %dma_start3A_195] : memref<80x128xi32, #tpu.memory_space<vmem>> -> memref<1x128xi32, #tpu.memory_space<vmem>>
        %dma_start3A_197 = tpu.memref_squeeze %dma_start3A_196 : memref<1x128xi32, #tpu.memory_space<vmem>> -> memref<128xi32, #tpu.memory_space<vmem>>
        %dma_start3A_198 = arith.constant 0 : i32
        %dma_start3A_199 = arith.constant 0 : i32
        %dma_start3A_200 = tpu.memref_slice %arg2[%dma_start3A_198, %dma_start3A_199] : memref<10240x128xf32, #tpu.memory_space<hbm>> -> memref<10240x128xf32, #tpu.memory_space<hbm>>
        tpu.enqueue_indirect_dma source(%dma_start3A_200 : memref<10240x128xf32, #tpu.memory_space<hbm>>) target(%arg8 : memref<128x128xf32, #tpu.memory_space<vmem>>) offsets(%dma_start3A_197 : memref<128xi32, #tpu.memory_space<vmem>>) semaphore(%arg11 : memref<!tpu.dma_semaphore, #tpu.memory_space<semaphore_mem>>)
      } else {
      }
      %add3A_177 = arith.constant 1 : i32
      %add3A_178 = arith.addi %add3A_154, %add3A_177 : i32
      %dma_wait3A_179 = arith.constant 0 : i32
      %dma_wait3A_180 = tpu.memref_slice %arg6[%add3A_178, %dma_wait3A_179] : memref<80x128xi32, #tpu.memory_space<vmem>> -> memref<1x128xi32, #tpu.memory_space<vmem>>
      %dma_wait3A_181 = tpu.memref_squeeze %dma_wait3A_180 : memref<1x128xi32, #tpu.memory_space<vmem>> -> memref<128xi32, #tpu.memory_space<vmem>>
      %dma_wait3A_182 = arith.constant 0 : i32
      %dma_wait3A_183 = arith.constant 0 : i32
      %dma_wait3A_184 = tpu.memref_slice %arg2[%dma_wait3A_182, %dma_wait3A_183] : memref<10240x128xf32, #tpu.memory_space<hbm>> -> memref<10240x128xf32, #tpu.memory_space<hbm>>
      tpu.wait_indirect_dma semaphore(%arg12 : memref<!tpu.dma_semaphore, #tpu.memory_space<semaphore_mem>>) src(%dma_wait3A_184 : memref<10240x128xf32, #tpu.memory_space<hbm>>) dst(%arg9 : memref<128x128xf32, #tpu.memory_space<vmem>>)
      %run_scoped3A_185 = arith.constant 7 : i32
      "tpu.region"() ({
        %run_scoped3A_193 = tpu.sem_alloc : memref<!tpu.dma_semaphore, #tpu.memory_space<semaphore_mem>>
        %dma_start3A_194 = arith.constant 0 : i32
        %dma_start3A_195 = tpu.memref_slice %arg7[%rem3A_36, %run_scoped3A_185, %dma_start3A_194] : memref<2x8x128xi32, #tpu.memory_space<vmem>> -> memref<1x1x128xi32, #tpu.memory_space<vmem>>
        %dma_start3A_196 = tpu.memref_squeeze %dma_start3A_195 : memref<1x1x128xi32, #tpu.memory_space<vmem>> -> memref<128xi32, #tpu.memory_space<vmem>>
        %dma_start3A_197 = arith.constant 0 : i32
        %dma_start3A_198 = arith.constant 0 : i32
        %dma_start3A_199 = tpu.memref_slice %arg10[%dma_start3A_197, %dma_start3A_198] : memref<10240x128xf32, #tpu.memory_space<vmem_shared>> -> memref<10240x128xf32, #tpu.memory_space<vmem_shared>>
        tpu.enqueue_indirect_dma source(%arg9 : memref<128x128xf32, #tpu.memory_space<vmem>>) target(%dma_start3A_199 : memref<10240x128xf32, #tpu.memory_space<vmem_shared>>) offsets(%dma_start3A_196 : memref<128xi32, #tpu.memory_space<vmem>>) semaphore(%run_scoped3A_193 : memref<!tpu.dma_semaphore, #tpu.memory_space<semaphore_mem>>) {add = true}
        %dma_wait3A_200 = arith.constant 0 : i32
        %dma_wait3A_201 = tpu.memref_slice %arg7[%rem3A_36, %run_scoped3A_185, %dma_wait3A_200] : memref<2x8x128xi32, #tpu.memory_space<vmem>> -> memref<1x1x128xi32, #tpu.memory_space<vmem>>
        %dma_wait3A_202 = tpu.memref_squeeze %dma_wait3A_201 : memref<1x1x128xi32, #tpu.memory_space<vmem>> -> memref<128xi32, #tpu.memory_space<vmem>>
        %dma_wait3A_203 = arith.constant 0 : i32
        %dma_wait3A_204 = arith.constant 0 : i32
        %dma_wait3A_205 = tpu.memref_slice %arg10[%dma_wait3A_203, %dma_wait3A_204] : memref<10240x128xf32, #tpu.memory_space<vmem_shared>> -> memref<10240x128xf32, #tpu.memory_space<vmem_shared>>
        tpu.wait_indirect_dma semaphore(%run_scoped3A_193 : memref<!tpu.dma_semaphore, #tpu.memory_space<semaphore_mem>>) src(%arg9 : memref<128x128xf32, #tpu.memory_space<vmem>>) dst(%dma_wait3A_205 : memref<10240x128xf32, #tpu.memory_space<vmem_shared>>)
        tpu.yield
      }) : () -> ()
      %add3A_186 = arith.constant 1 : i32
      %add3A_187 = arith.addi %scan3A_35, %add3A_186 : i32
      %lt3A_188 = arith.constant 10 : i32
      %lt3A_189 = arith.cmpi slt, %add3A_187, %lt3A_188 : i32
      %convert_element_type3A_190 = arith.extui %lt3A_189 : i1 to i32
      %cond3A_191 = arith.constant 0 : i32
      %cond3A_192 = arith.cmpi ne, %convert_element_type3A_190, %cond3A_191 : i32
      scf.if %cond3A_192 {
        %add3A_193 = arith.constant 1 : i32
        %add3A_194 = arith.addi %scan3A_35, %add3A_193 : i32
        %mul3A_195 = arith.constant 8 : i32
        %mul3A_196 = arith.muli %add3A_194, %mul3A_195 : i32
        %add3A_197 = arith.addi %mul3A_13, %mul3A_196 : i32
        %add3A_198 = arith.constant 1 : i32
        %add3A_199 = arith.addi %scan3A_35, %add3A_198 : i32
        %rem3A_200 = arith.constant 2 : i32
        %rem3A_201 = arith.remsi %add3A_199, %rem3A_200 : i32
        %dma_wait3A_202 = arith.constant 1 : i32
        %dma_wait3A_203 = arith.constant 0 : i32
        %dma_wait3A_204 = arith.constant 0 : i32
        %dma_wait3A_205 = tpu.memref_slice %arg7[%rem3A_201, %dma_wait3A_203, %dma_wait3A_204] : memref<2x8x128xi32, #tpu.memory_space<vmem>> -> memref<1x8x128xi32, #tpu.memory_space<vmem>>
        %dma_wait3A_206 = tpu.memref_squeeze %dma_wait3A_205 : memref<1x8x128xi32, #tpu.memory_space<vmem>> -> memref<8x128xi32, #tpu.memory_space<vmem>>
        %dma_wait3A_207 = arith.constant 0 : i32
        %dma_wait3A_208 = tpu.memref_slice %arg4[%dma_wait3A_202, %add3A_197, %dma_wait3A_207] : memref<2x2560x128xi32, #tpu.memory_space<hbm>> -> memref<1x8x128xi32, #tpu.memory_space<hbm>>
        %dma_wait3A_209 = tpu.memref_squeeze %dma_wait3A_208 : memref<1x8x128xi32, #tpu.memory_space<hbm>> -> memref<8x128xi32, #tpu.memory_space<hbm>>
        %dma_wait3A_210 = arith.constant 0 : i32
        %dma_wait3A_211 = arith.constant 0 : i32
        %dma_wait3A_212 = tpu.memref_slice %arg7[%rem3A_201, %dma_wait3A_210, %dma_wait3A_211] : memref<2x8x128xi32, #tpu.memory_space<vmem>> -> memref<1x8x128xi32, #tpu.memory_space<vmem>>
        %dma_wait3A_213 = tpu.memref_squeeze %dma_wait3A_212 : memref<1x8x128xi32, #tpu.memory_space<vmem>> -> memref<8x128xi32, #tpu.memory_space<vmem>>
        %dma_wait3A_214 = arith.constant 0 : i32
        %dma_wait3A_215 = tpu.memref_slice %arg4[%dma_wait3A_202, %add3A_197, %dma_wait3A_214] : memref<2x2560x128xi32, #tpu.memory_space<hbm>> -> memref<1x8x128xi32, #tpu.memory_space<hbm>>
        %dma_wait3A_216 = tpu.memref_squeeze %dma_wait3A_215 : memref<1x8x128xi32, #tpu.memory_space<hbm>> -> memref<8x128xi32, #tpu.memory_space<hbm>>
        tpu.wait_dma2 semaphore(%arg13 : memref<!tpu.dma_semaphore, #tpu.memory_space<semaphore_mem>>) src(%dma_wait3A_216 : memref<8x128xi32, #tpu.memory_space<hbm>>) dst(%dma_wait3A_213 : memref<8x128xi32, #tpu.memory_space<vmem>>)
      } else {
      }
    }
    %scan3A_29 = arith.constant 10 : i32
    %barrier3A_30 = arith.constant 0 : index
    tpu.barrier barrier_id(%barrier3A_30)
    %mul3A_31 = arith.constant 640 : i32
    %mul3A_32 = arith.muli %arg1, %mul3A_31 : i32
    %mul3A_33 = arith.constant 640 : i32
    %mul3A_34 = arith.muli %arg1, %mul3A_33 : i32
    "tpu.region"() ({
      %run_scoped3A_35 = tpu.sem_alloc : memref<!tpu.dma_semaphore, #tpu.memory_space<semaphore_mem>>
      %dma_start3A_36 = arith.constant 0 : i32
      %dma_start3A_37 = tpu.memref_slice %arg5[%arg0, %mul3A_34, %dma_start3A_36] : memref<2x10240x128xf32, #tpu.memory_space<hbm>> -> memref<1x640x128xf32, #tpu.memory_space<hbm>>
      %dma_start3A_38 = tpu.memref_squeeze %dma_start3A_37 : memref<1x640x128xf32, #tpu.memory_space<hbm>> -> memref<640x128xf32, #tpu.memory_space<hbm>>
      %dma_start3A_39 = arith.constant 0 : i32
      %dma_start3A_40 = tpu.memref_slice %arg10[%mul3A_32, %dma_start3A_39] : memref<10240x128xf32, #tpu.memory_space<vmem_shared>> -> memref<640x128xf32, #tpu.memory_space<vmem_shared>>
      tpu.enqueue_dma source(%dma_start3A_40 : memref<640x128xf32, #tpu.memory_space<vmem_shared>>) target(%dma_start3A_38 : memref<640x128xf32, #tpu.memory_space<hbm>>) target_semaphore(%run_scoped3A_35 : memref<!tpu.dma_semaphore, #tpu.memory_space<semaphore_mem>>)
      %dma_wait3A_41 = arith.constant 0 : i32
      %dma_wait3A_42 = tpu.memref_slice %arg5[%arg0, %mul3A_34, %dma_wait3A_41] : memref<2x10240x128xf32, #tpu.memory_space<hbm>> -> memref<1x640x128xf32, #tpu.memory_space<hbm>>
      %dma_wait3A_43 = tpu.memref_squeeze %dma_wait3A_42 : memref<1x640x128xf32, #tpu.memory_space<hbm>> -> memref<640x128xf32, #tpu.memory_space<hbm>>
      %dma_wait3A_44 = arith.constant 0 : i32
      %dma_wait3A_45 = tpu.memref_slice %arg10[%mul3A_32, %dma_wait3A_44] : memref<10240x128xf32, #tpu.memory_space<vmem_shared>> -> memref<640x128xf32, #tpu.memory_space<vmem_shared>>
      tpu.wait_dma2 semaphore(%run_scoped3A_35 : memref<!tpu.dma_semaphore, #tpu.memory_space<semaphore_mem>>) src(%dma_wait3A_45 : memref<640x128xf32, #tpu.memory_space<vmem_shared>>) dst(%dma_wait3A_43 : memref<640x128xf32, #tpu.memory_space<hbm>>)
      tpu.yield
    }) : () -> ()
    return
  }
}

module attributes {stable_mosaic.version = 14 : i64} {
  func.func @_mlp_body(%arg0: i32, %arg1: memref<1x1024x128xf32, #tpu.memory_space<vmem>>, %arg2: memref<1x1024x128xf32, #tpu.memory_space<vmem>>, %arg3: memref<128x128xf32, #tpu.memory_space<vmem>>, %arg4: memref<8x128xf32, #tpu.memory_space<vmem>>, %arg5: memref<128x128xf32, #tpu.memory_space<vmem>>, %arg6: memref<8x128xf32, #tpu.memory_space<vmem>>, %arg7: memref<1024x128xf32, #tpu.memory_space<vmem>>) attributes {dimension_semantics = [#tpu.dimension_semantics<arbitrary>], iteration_bounds = array<i64: 10>, scalar_prefetch = 0 : i64, scratch_operands = 0 : i64, tpu.core_type = #tpu.core_type<tc>, window_params = [{transform_indices = @transform_0, window_bounds = array<i64: 1, 1024, 128>}, {transform_indices = @transform_1, window_bounds = array<i64: 1, 1024, 128>}, {pipeline_mode = #tpu.pipeline_mode<synchronous>, transform_indices = @transform_2, window_bounds = array<i64: 128, 128>}, {pipeline_mode = #tpu.pipeline_mode<synchronous>, transform_indices = @transform_3, window_bounds = array<i64: 8, 128>}, {pipeline_mode = #tpu.pipeline_mode<synchronous>, transform_indices = @transform_4, window_bounds = array<i64: 128, 128>}, {pipeline_mode = #tpu.pipeline_mode<synchronous>, transform_indices = @transform_5, window_bounds = array<i64: 8, 128>}, {transform_indices = @transform_6, window_bounds = array<i64: 1024, 128>}]} {
    %get3A = arith.constant 0 : index
    %get3A_0 = arith.constant 0 : index
    %get3A_1 = arith.constant 0 : index
    %get3A_2 = vector.load %arg1[%get3A, %get3A_0, %get3A_1] : memref<1x1024x128xf32, #tpu.memory_space<vmem>>, vector<1x1024x128xf32>
    %get3A_3 = vector.shape_cast %get3A_2 : vector<1x1024x128xf32> to vector<1024x128xf32>
    %get3A_4 = arith.constant 0 : index
    %get3A_5 = arith.constant 0 : index
    %get3A_6 = arith.constant 0 : index
    %get3A_7 = vector.load %arg2[%get3A_4, %get3A_5, %get3A_6] : memref<1x1024x128xf32, #tpu.memory_space<vmem>>, vector<1x1024x128xf32>
    %get3A_8 = vector.shape_cast %get3A_7 : vector<1x1024x128xf32> to vector<1024x128xf32>
    %add3A = arith.addf %get3A_3, %get3A_8 : vector<1024x128xf32>
    %get3A_9 = arith.constant 0 : index
    %get3A_10 = arith.constant 0 : index
    %get3A_11 = vector.load %arg3[%get3A_9, %get3A_10] : memref<128x128xf32, #tpu.memory_space<vmem>>, vector<128x128xf32>
    %dot_general3A = arith.constant dense<0.000000e+00> : vector<1024x128xf32>
    %dot_general3A_12 = tpu.matmul %add3A, %get3A_11, %dot_general3A {dimension_numbers = #tpu.dot_dimension_numbers<[1], [0], [0], [1], [0, 0, 1, 1], [], []>, transpose_lhs_hint = false} : vector<1024x128xf32>, vector<128x128xf32>, vector<1024x128xf32> -> vector<1024x128xf32>
    %get3A_13 = arith.constant 0 : index
    %get3A_14 = arith.constant 0 : index
    %get3A_15 = vector.load %arg4[%get3A_13, %get3A_14] : memref<8x128xf32, #tpu.memory_space<vmem>>, vector<1x128xf32>
    %add3A_16 = vector.broadcast %get3A_15 : vector<1x128xf32> to vector<1024x128xf32>
    %add3A_17 = arith.addf %dot_general3A_12, %add3A_16 : vector<1024x128xf32>
    %max3A = arith.constant 0.000000e+00 : f32
    %max3A_18 = vector.broadcast %max3A : f32 to vector<1024x128xf32>
    %max3A_19 = arith.maximumf %add3A_17, %max3A_18 : vector<1024x128xf32>
    %get3A_20 = arith.constant 0 : index
    %get3A_21 = arith.constant 0 : index
    %get3A_22 = vector.load %arg5[%get3A_20, %get3A_21] : memref<128x128xf32, #tpu.memory_space<vmem>>, vector<128x128xf32>
    %dot_general3A_23 = arith.constant dense<0.000000e+00> : vector<1024x128xf32>
    %dot_general3A_24 = tpu.matmul %max3A_19, %get3A_22, %dot_general3A_23 {dimension_numbers = #tpu.dot_dimension_numbers<[1], [0], [0], [1], [0, 0, 1, 1], [], []>, transpose_lhs_hint = false} : vector<1024x128xf32>, vector<128x128xf32>, vector<1024x128xf32> -> vector<1024x128xf32>
    %get3A_25 = arith.constant 0 : index
    %get3A_26 = arith.constant 0 : index
    %get3A_27 = vector.load %arg6[%get3A_25, %get3A_26] : memref<8x128xf32, #tpu.memory_space<vmem>>, vector<1x128xf32>
    %add3A_28 = vector.broadcast %get3A_27 : vector<1x128xf32> to vector<1024x128xf32>
    %add3A_29 = arith.addf %dot_general3A_24, %add3A_28 : vector<1024x128xf32>
    %max3A_30 = arith.constant 0.000000e+00 : f32
    %max3A_31 = vector.broadcast %max3A_30 : f32 to vector<1024x128xf32>
    %max3A_32 = arith.maximumf %add3A_29, %max3A_31 : vector<1024x128xf32>
    %swap3A = arith.constant 0 : index
    %swap3A_33 = arith.constant 0 : index
    %swap3A_34 = vector.load %arg7[%swap3A, %swap3A_33] : memref<1024x128xf32, #tpu.memory_space<vmem>>, vector<1024x128xf32>
    tpu.vector_store %arg7[%swap3A, %swap3A_33], %max3A_32 {strides = array<i32>} : memref<1024x128xf32, #tpu.memory_space<vmem>>, vector<1024x128xf32>,
    return
  }
  func.func @transform_0(%arg0: i32) -> (i32, i32, i32) {
    %c0_i32 = arith.constant 0 : i32
    %c0_i32_0 = arith.constant 0 : i32
    %c0_i32_1 = arith.constant 0 : i32
    return %c0_i32, %arg0, %c0_i32_0 : i32, i32, i32
  }
  func.func @transform_1(%arg0: i32) -> (i32, i32, i32) {
    %c1_i32 = arith.constant 1 : i32
    %c0_i32 = arith.constant 0 : i32
    %c0_i32_0 = arith.constant 0 : i32
    return %c1_i32, %arg0, %c0_i32 : i32, i32, i32
  }
  func.func @transform_2(%arg0: i32) -> (i32, i32) {
    %c0_i32 = arith.constant 0 : i32
    %c0_i32_0 = arith.constant 0 : i32
    %c0_i32_1 = arith.constant 0 : i32
    return %c0_i32, %c0_i32_0 : i32, i32
  }
  func.func @transform_3(%arg0: i32) -> (i32, i32) {
    %c0_i32 = arith.constant 0 : i32
    %c0_i32_0 = arith.constant 0 : i32
    %c0_i32_1 = arith.constant 0 : i32
    return %c0_i32, %c0_i32_0 : i32, i32
  }
  func.func @transform_4(%arg0: i32) -> (i32, i32) {
    %c0_i32 = arith.constant 0 : i32
    %c0_i32_0 = arith.constant 0 : i32
    %c0_i32_1 = arith.constant 0 : i32
    return %c0_i32, %c0_i32_0 : i32, i32
  }
  func.func @transform_5(%arg0: i32) -> (i32, i32) {
    %c0_i32 = arith.constant 0 : i32
    %c0_i32_0 = arith.constant 0 : i32
    %c0_i32_1 = arith.constant 0 : i32
    return %c0_i32, %c0_i32_0 : i32, i32
  }
  func.func @transform_6(%arg0: i32) -> (i32, i32) {
    %c0_i32 = arith.constant 0 : i32
    %c0_i32_0 = arith.constant 0 : i32
    return %arg0, %c0_i32 : i32, i32
  }
}

module attributes {stable_mosaic.version = 14 : i64} {
  func.func @_mlp_pool_body(%arg0: i32, %arg1: memref<1x1024x128xf32, #tpu.memory_space<vmem>>, %arg2: memref<1x1024x128xf32, #tpu.memory_space<vmem>>, %arg3: memref<128x128xf32, #tpu.memory_space<vmem>>, %arg4: memref<8x128xf32, #tpu.memory_space<vmem>>, %arg5: memref<128x128xf32, #tpu.memory_space<vmem>>, %arg6: memref<8x128xf32, #tpu.memory_space<vmem>>, %arg7: memref<1x1x1024xi32, #tpu.memory_space<vmem>>, %arg8: memref<128x128xf32, #tpu.memory_space<vmem>>, %arg9: memref<8x128xf32, #tpu.memory_space<vmem>>, %arg10: memref<128x128xf32, #tpu.memory_space<vmem>>, %arg11: memref<128x128xf32, #tpu.memory_space<vmem>>) attributes {dimension_semantics = [#tpu.dimension_semantics<arbitrary>], iteration_bounds = array<i64: 10>, scalar_prefetch = 0 : i64, scratch_operands = 1 : i64, tpu.core_type = #tpu.core_type<tc>, window_params = [{transform_indices = @transform_0, window_bounds = array<i64: 1, 1024, 128>}, {transform_indices = @transform_1, window_bounds = array<i64: 1, 1024, 128>}, {pipeline_mode = #tpu.pipeline_mode<synchronous>, transform_indices = @transform_2, window_bounds = array<i64: 128, 128>}, {pipeline_mode = #tpu.pipeline_mode<synchronous>, transform_indices = @transform_3, window_bounds = array<i64: 8, 128>}, {pipeline_mode = #tpu.pipeline_mode<synchronous>, transform_indices = @transform_4, window_bounds = array<i64: 128, 128>}, {pipeline_mode = #tpu.pipeline_mode<synchronous>, transform_indices = @transform_5, window_bounds = array<i64: 8, 128>}, {transform_indices = @transform_6, window_bounds = array<i64: 1, 1, 1024>}, {pipeline_mode = #tpu.pipeline_mode<synchronous>, transform_indices = @transform_7, window_bounds = array<i64: 128, 128>}, {pipeline_mode = #tpu.pipeline_mode<synchronous>, transform_indices = @transform_8, window_bounds = array<i64: 8, 128>}, {pipeline_mode = #tpu.pipeline_mode<synchronous>, transform_indices = @transform_9, window_bounds = array<i64: 128, 128>}]} {
    %get3A = arith.constant 0 : index
    %get3A_0 = arith.constant 0 : index
    %get3A_1 = arith.constant 0 : index
    %get3A_2 = vector.load %arg1[%get3A, %get3A_0, %get3A_1] : memref<1x1024x128xf32, #tpu.memory_space<vmem>>, vector<1x1024x128xf32>
    %get3A_3 = vector.shape_cast %get3A_2 : vector<1x1024x128xf32> to vector<1024x128xf32>
    %get3A_4 = arith.constant 0 : index
    %get3A_5 = arith.constant 0 : index
    %get3A_6 = arith.constant 0 : index
    %get3A_7 = vector.load %arg2[%get3A_4, %get3A_5, %get3A_6] : memref<1x1024x128xf32, #tpu.memory_space<vmem>>, vector<1x1024x128xf32>
    %get3A_8 = vector.shape_cast %get3A_7 : vector<1x1024x128xf32> to vector<1024x128xf32>
    %add3A = arith.addf %get3A_3, %get3A_8 : vector<1024x128xf32>
    %get3A_9 = arith.constant 0 : index
    %get3A_10 = arith.constant 0 : index
    %get3A_11 = vector.load %arg3[%get3A_9, %get3A_10] : memref<128x128xf32, #tpu.memory_space<vmem>>, vector<128x128xf32>
    %dot_general3A = arith.constant dense<0.000000e+00> : vector<1024x128xf32>
    %dot_general3A_12 = tpu.matmul %add3A, %get3A_11, %dot_general3A {dimension_numbers = #tpu.dot_dimension_numbers<[1], [0], [0], [1], [0, 0, 1, 1], [], []>, transpose_lhs_hint = false} : vector<1024x128xf32>, vector<128x128xf32>, vector<1024x128xf32> -> vector<1024x128xf32>
    %get3A_13 = arith.constant 0 : index
    %get3A_14 = arith.constant 0 : index
    %get3A_15 = vector.load %arg4[%get3A_13, %get3A_14] : memref<8x128xf32, #tpu.memory_space<vmem>>, vector<1x128xf32>
    %add3A_16 = vector.broadcast %get3A_15 : vector<1x128xf32> to vector<1024x128xf32>
    %add3A_17 = arith.addf %dot_general3A_12, %add3A_16 : vector<1024x128xf32>
    %max3A = arith.constant 0.000000e+00 : f32
    %max3A_18 = vector.broadcast %max3A : f32 to vector<1024x128xf32>
    %max3A_19 = arith.maximumf %add3A_17, %max3A_18 : vector<1024x128xf32>
    %get3A_20 = arith.constant 0 : index
    %get3A_21 = arith.constant 0 : index
    %get3A_22 = vector.load %arg5[%get3A_20, %get3A_21] : memref<128x128xf32, #tpu.memory_space<vmem>>, vector<128x128xf32>
    %dot_general3A_23 = arith.constant dense<0.000000e+00> : vector<1024x128xf32>
    %dot_general3A_24 = tpu.matmul %max3A_19, %get3A_22, %dot_general3A_23 {dimension_numbers = #tpu.dot_dimension_numbers<[1], [0], [0], [1], [0, 0, 1, 1], [], []>, transpose_lhs_hint = false} : vector<1024x128xf32>, vector<128x128xf32>, vector<1024x128xf32> -> vector<1024x128xf32>
    %get3A_25 = arith.constant 0 : index
    %get3A_26 = arith.constant 0 : index
    %get3A_27 = vector.load %arg6[%get3A_25, %get3A_26] : memref<8x128xf32, #tpu.memory_space<vmem>>, vector<1x128xf32>
    %add3A_28 = vector.broadcast %get3A_27 : vector<1x128xf32> to vector<1024x128xf32>
    %add3A_29 = arith.addf %dot_general3A_24, %add3A_28 : vector<1024x128xf32>
    %max3A_30 = arith.constant 0.000000e+00 : f32
    %max3A_31 = vector.broadcast %max3A_30 : f32 to vector<1024x128xf32>
    %max3A_32 = arith.maximumf %add3A_29, %max3A_31 : vector<1024x128xf32>
    %get3A_33 = arith.constant 0 : index
    %get3A_34 = arith.constant 0 : index
    %get3A_35 = arith.constant 0 : index
    %get3A_36 = vector.load %arg7[%get3A_33, %get3A_34, %get3A_35] : memref<1x1x1024xi32, #tpu.memory_space<vmem>>, vector<1x1x1024xi32>
    %get3A_37 = vector.shape_cast %get3A_36 : vector<1x1x1024xi32> to vector<1024xi32>
    %iota3A = tpu.iota {dimensions = array<i32: 0>} : vector<128x1024xi32>
    %broadcast_in_dim3A = vector.shape_cast %get3A_37 : vector<1024xi32> to vector<1x1024xi32>
    %eq3A = vector.broadcast %broadcast_in_dim3A : vector<1x1024xi32> to vector<128x1024xi32>
    %eq3A_38 = arith.cmpi eq, %eq3A, %iota3A : vector<128x1024xi32>
    %convert_element_type3A = arith.extui %eq3A_38 : vector<128x1024xi1> to vector<128x1024xi32>
    %convert_element_type3A_39 = arith.sitofp %convert_element_type3A : vector<128x1024xi32> to vector<128x1024xf32>
    %dot_general3A_40 = arith.constant dense<0.000000e+00> : vector<128x128xf32>
    %dot_general3A_41 = tpu.matmul %convert_element_type3A_39, %max3A_32, %dot_general3A_40 {dimension_numbers = #tpu.dot_dimension_numbers<[1], [0], [0], [1], [0, 0, 1, 1], [], []>, transpose_lhs_hint = false} : vector<128x1024xf32>, vector<1024x128xf32>, vector<128x128xf32> -> vector<128x128xf32>
    %eq3A_42 = arith.constant 0 : i32
    %eq3A_43 = arith.cmpi eq, %arg0, %eq3A_42 : i32
    %convert_element_type3A_44 = arith.extui %eq3A_43 : i1 to i32
    %cond3A = arith.constant 0 : i32
    %cond3A_45 = arith.cmpi ne, %convert_element_type3A_44, %cond3A : i32
    scf.if %cond3A_45 {
      %broadcast_in_dim3A_57 = arith.constant 0.000000e+00 : f32
      %broadcast_in_dim3A_58 = vector.broadcast %broadcast_in_dim3A_57 : f32 to vector<128x128xf32>
      %swap3A_59 = arith.constant 0 : index
      %swap3A_60 = arith.constant 0 : index
      %swap3A_61 = vector.load %arg11[%swap3A_59, %swap3A_60] : memref<128x128xf32, #tpu.memory_space<vmem>>, vector<128x128xf32>
      tpu.vector_store %arg11[%swap3A_59, %swap3A_60], %broadcast_in_dim3A_58 {strides = array<i32>} : memref<128x128xf32, #tpu.memory_space<vmem>>, vector<128x128xf32>,
    } else {
    }
    %get3A_46 = arith.constant 0 : index
    %get3A_47 = arith.constant 0 : index
    %get3A_48 = vector.load %arg11[%get3A_46, %get3A_47] : memref<128x128xf32, #tpu.memory_space<vmem>>, vector<128x128xf32>
    %add3A_49 = arith.addf %get3A_48, %dot_general3A_41 : vector<128x128xf32>
    %swap3A = arith.constant 0 : index
    %swap3A_50 = arith.constant 0 : index
    %swap3A_51 = vector.load %arg11[%swap3A, %swap3A_50] : memref<128x128xf32, #tpu.memory_space<vmem>>, vector<128x128xf32>
    tpu.vector_store %arg11[%swap3A, %swap3A_50], %add3A_49 {strides = array<i32>} : memref<128x128xf32, #tpu.memory_space<vmem>>, vector<128x128xf32>,
    %eq3A_52 = arith.constant 9 : i32
    %eq3A_53 = arith.cmpi eq, %arg0, %eq3A_52 : i32
    %convert_element_type3A_54 = arith.extui %eq3A_53 : i1 to i32
    %cond3A_55 = arith.constant 0 : i32
    %cond3A_56 = arith.cmpi ne, %convert_element_type3A_54, %cond3A_55 : i32
    scf.if %cond3A_56 {
      %get3A_57 = arith.constant 0 : index
      %get3A_58 = arith.constant 0 : index
      %get3A_59 = vector.load %arg11[%get3A_57, %get3A_58] : memref<128x128xf32, #tpu.memory_space<vmem>>, vector<128x128xf32>
      %get3A_60 = arith.constant 0 : index
      %get3A_61 = arith.constant 0 : index
      %get3A_62 = vector.load %arg8[%get3A_60, %get3A_61] : memref<128x128xf32, #tpu.memory_space<vmem>>, vector<128x128xf32>
      %dot_general3A_63 = arith.constant dense<0.000000e+00> : vector<128x128xf32>
      %dot_general3A_64 = tpu.matmul %get3A_59, %get3A_62, %dot_general3A_63 {dimension_numbers = #tpu.dot_dimension_numbers<[1], [0], [0], [1], [0, 0, 1, 1], [], []>, transpose_lhs_hint = false} : vector<128x128xf32>, vector<128x128xf32>, vector<128x128xf32> -> vector<128x128xf32>
      %get3A_65 = arith.constant 0 : index
      %get3A_66 = arith.constant 0 : index
      %get3A_67 = vector.load %arg9[%get3A_65, %get3A_66] : memref<8x128xf32, #tpu.memory_space<vmem>>, vector<1x128xf32>
      %add3A_68 = vector.broadcast %get3A_67 : vector<1x128xf32> to vector<128x128xf32>
      %add3A_69 = arith.addf %dot_general3A_64, %add3A_68 : vector<128x128xf32>
      %swap3A_70 = arith.constant 0 : index
      %swap3A_71 = arith.constant 0 : index
      %swap3A_72 = vector.load %arg10[%swap3A_70, %swap3A_71] : memref<128x128xf32, #tpu.memory_space<vmem>>, vector<128x128xf32>
      tpu.vector_store %arg10[%swap3A_70, %swap3A_71], %add3A_69 {strides = array<i32>} : memref<128x128xf32, #tpu.memory_space<vmem>>, vector<128x128xf32>,
    } else {
    }
    return
  }
  func.func @transform_0(%arg0: i32) -> (i32, i32, i32) {
    %c0_i32 = arith.constant 0 : i32
    %c0_i32_0 = arith.constant 0 : i32
    %c0_i32_1 = arith.constant 0 : i32
    return %c0_i32, %arg0, %c0_i32_0 : i32, i32, i32
  }
  func.func @transform_1(%arg0: i32) -> (i32, i32, i32) {
    %c1_i32 = arith.constant 1 : i32
    %c0_i32 = arith.constant 0 : i32
    %c0_i32_0 = arith.constant 0 : i32
    return %c1_i32, %arg0, %c0_i32 : i32, i32, i32
  }
  func.func @transform_2(%arg0: i32) -> (i32, i32) {
    %c0_i32 = arith.constant 0 : i32
    %c0_i32_0 = arith.constant 0 : i32
    %c0_i32_1 = arith.constant 0 : i32
    return %c0_i32, %c0_i32_0 : i32, i32
  }
  func.func @transform_3(%arg0: i32) -> (i32, i32) {
    %c0_i32 = arith.constant 0 : i32
    %c0_i32_0 = arith.constant 0 : i32
    %c0_i32_1 = arith.constant 0 : i32
    return %c0_i32, %c0_i32_0 : i32, i32
  }
  func.func @transform_4(%arg0: i32) -> (i32, i32) {
    %c0_i32 = arith.constant 0 : i32
    %c0_i32_0 = arith.constant 0 : i32
    %c0_i32_1 = arith.constant 0 : i32
    return %c0_i32, %c0_i32_0 : i32, i32
  }
  func.func @transform_5(%arg0: i32) -> (i32, i32) {
    %c0_i32 = arith.constant 0 : i32
    %c0_i32_0 = arith.constant 0 : i32
    %c0_i32_1 = arith.constant 0 : i32
    return %c0_i32, %c0_i32_0 : i32, i32
  }
  func.func @transform_6(%arg0: i32) -> (i32, i32, i32) {
    %c0_i32 = arith.constant 0 : i32
    %c0_i32_0 = arith.constant 0 : i32
    %c0_i32_1 = arith.constant 0 : i32
    return %arg0, %c0_i32, %c0_i32_0 : i32, i32, i32
  }
  func.func @transform_7(%arg0: i32) -> (i32, i32) {
    %c0_i32 = arith.constant 0 : i32
    %c0_i32_0 = arith.constant 0 : i32
    %c0_i32_1 = arith.constant 0 : i32
    return %c0_i32, %c0_i32_0 : i32, i32
  }
  func.func @transform_8(%arg0: i32) -> (i32, i32) {
    %c0_i32 = arith.constant 0 : i32
    %c0_i32_0 = arith.constant 0 : i32
    %c0_i32_1 = arith.constant 0 : i32
    return %c0_i32, %c0_i32_0 : i32, i32
  }
  func.func @transform_9(%arg0: i32) -> (i32, i32) {
    %c0_i32 = arith.constant 0 : i32
    %c0_i32_0 = arith.constant 0 : i32
    %c0_i32_1 = arith.constant 0 : i32
    return %c0_i32, %c0_i32_0 : i32, i32
  }
}

</mosaic_0001>

<sc_bundles>
// kernel: kernel.11.cloned.1.call-start
scs
__scs_entry_jumppad:
0x0: {  	(pc) =	sbr.rel $0x88, $3  }
0x1: {  	(tag) =	ssettag $0x0;
	lr =	simm.s32 $0x1  }
0x2: {  	[smem:$0x3F8A] =	sst lr;
	_ =	strace $0xD0000000  }
0x3: {  	_ = 	snop  }
0x4: {  	_ = 	snop  }
0x5: {  	_ = 	snop  }
0x6: {  	_ = 	snop  }
0x7: {  	_ = 	snop  }
__scs_overlays_trampoline_lowered:
0x8: {  	[smem:$0x3F99] =	sst s0  }
0x9: {  	[smem:$0x3F9A] =	sst s1  }
0xa: {  	[smem:$0x3F9B] =	sst s2  }
0xb: {  	[smem:$0x3F9C] =	sst s3  }
0xc: {  	[smem:$0x3F9D] =	sst s4  }
0xd: {  	[smem:$0x3F9E] =	sst s5  }
0xe: {  	[smem:$0x3F9F] =	sst s6  }
0xf: {  	[smem:$0x3FA0] =	sst s7  }
0x10: {  	[smem:$0x3FA1] =	sst s8  }
0x11: {  	[smem:$0x3FA2] =	sst s9;
	s0 =	simm.s32 @!p0 $0x0  }
0x12: {  	s1 =	sld [smem:$0x3F88];
	s0 =	simm.s32 @p0 $0x1  }
0x13: {  	[smem:$0x3FA3] =	sst s0;
	s0 =	simm.s32 @!p1 $0x0  }
0x14: {  	s2 =	sld [smem:$0x3F87];
	s0 =	simm.s32 @p1 $0x1  }
0x15: {  	[smem:$0x3FA4] =	sst s0;
	s0 =	simm.s32 @!p2 $0x0  }
0x16: {  	s3 =	sld [smem:$0x3FDB];
	s0 =	simm.s32 @p2 $0x1  }
0x17: {  	s4 =	simm.s32 $0x1BF5;
	[smem:$0x3FA6] =	sst s0  }
0x18: {  	s0 =	sld [smem:$0x3F89];
	_ =	swait.ge [sflag:s4], $0x0  }
0x19: {  	s7 =	sld [smem:$0x3F8A]  }
0x1a: {  	s8 =	sadd.s32 $0xFFFFE003, lr  }
0x1b: {  	s9 =	sadd.s32 $0xFFFFFEF7, lr;
	s5 =	simm.s32 $0xFFFFFFFF;
	p2 =	slt.u32 s8, $0xFFFFF086  }
0x1c: {  	p1 =	slt.u32 s9, $0xF7A;
	s5 =	simm.s32 @!p2 $0x0  }
0x1d: {  	s5 =	simm.s32 @p1 $0x1;
	p0 =	seq.s32 s7, s2  }
0x1e: {  	s7 =	smul.u32 @!p0 $0xF7A, s2;
	p2 =	seq.s32 @!p0 s5, $0x0  }
0x1f: {  	s9 =	smul.u32 $0xF7A, s1;
	s8 =	simm.s32 @!p0 $0x1BF5;
	p2 =	por !p2, p0  }
0x20: {  	[sflag:s8] =	ssyncset.s32 @!p0 $0xFFFFF086;
	s6 =	sadd.s32 @!p0 s3, s7;
	s7 =	simm.s32 @!p0 $0x108  }
0x21: {  	s3 =	sadd.s32 s3, s9;
	s6 =	sadd.s32 @!p0 $0x88, s6;
	s7 =	simm.s32 @p2 $0x1082  }
0x22: {  	[simem:s7], [sflag:s8] =	dma.local @!p0 [hbm:s6], $0xF7A  }
0x23: {  	s9 =	sor.u32 $0xD0000000, s2;
	s6 =	simm.s32 $0x108;
	_ =	swait.ge @!p0 [sflag:s8], $0x0  }
0x24: {  	s3 =	sadd.s32 $0x88, s3;
	s6 =	simm.s32 @!p1 $0x1082;
	[sflag:s4] =	ssyncset.s32 $0xFFFFF086  }
0x25: {  	[simem:s6], [sflag:s4] =	dma.local [hbm:s3], $0xF7A  }
0x26: {  	[smem:$0x3F8A] =	sst s1;
	(tag) =	ssettag s2;
	_ =	strace s9  }
0x27: {  	s1 =	sld [smem:$0x3F9A]  }
0x28: {  	s2 =	sld [smem:$0x3F9B]  }
0x29: {  	s4 =	sld [smem:$0x3F9D]  }
0x2a: {  	p0 =	seq.s32 s5, $0x0;
	s5 =	sld [smem:$0x3F9E]  }
0x2b: {  	s6 =	sld [smem:$0x3F9F]  }
0x2c: {  	s7 =	sld [smem:$0x3FA0]  }
0x2d: {  	s3 =	simm.s32 $0x108;
	s8 =	sld [smem:$0x3FA1]  }
0x2e: {  	s3 =	simm.s32 @!p0 $0x1082;
	s9 =	sld [smem:$0x3FA2]  }
0x2f: {  	lr =	sadd.s32 s0, s3;
	s0 =	sld [smem:$0x3F99]  }
0x30: {  	s3 =	sld [smem:$0x3F9C]  }
0x31: {  	[smem:$0x3FA5] =	sst s10  }
0x32: {  	s10 =	sld [smem:$0x3FA3];
	_ =	sdelay $0x3  }
0x33: {  	p0 =	seq.s32 s10, $0x1;
	s10 =	sld [smem:$0x3FA5];
	_ =	sdelay $0x3  }
0x34: {  	[smem:$0x3FA5] =	sst s10  }
0x35: {  	s10 =	sld [smem:$0x3FA4];
	_ =	sdelay $0x3  }
0x36: {  	p1 =	seq.s32 s10, $0x1;
	s10 =	sld [smem:$0x3FA5];
	_ =	sdelay $0x3  }
0x37: {  	[smem:$0x3FA5] =	sst s10  }
0x38: {  	s10 =	sld [smem:$0x3FA6]  }
0x39: {  	_ = 	snop;
	(pc) =	sbr.ind lr, $3  }
0x3a: {  	_ = 	snop  }
0x3b: {  	_ = 	snop  }
0x3c: {  	p2 =	seq.s32 s10, $0x1;
	s10 =	sld [smem:$0x3FA5]  }
0x3d: {  	_ =	shalt  }
0x3e: {  	_ =	shalt  }
0x3f: {  	_ =	shalt  }
0x40: {  	_ =	shalt  }
0x41: {  	_ =	shalt  }
0x42: {  	_ =	shalt  }
0x43: {  	_ =	shalt  }
0x44: {  	_ =	shalt  }
0x45: {  	_ =	shalt  }
0x46: {  	_ =	shalt  }
0x47: {  	_ =	shalt  }
0x48: {  	_ =	shalt  }
0x49: {  	_ =	shalt  }
0x4a: {  	_ =	shalt  }
0x4b: {  	_ =	shalt  }
0x4c: {  	_ =	shalt  }
0x4d: {  	_ =	shalt  }
0x4e: {  	_ =	shalt  }
0x4f: {  	_ =	shalt  }
0x50: {  	_ =	shalt  }
0x51: {  	_ =	shalt  }
0x52: {  	_ =	shalt  }
0x53: {  	_ =	shalt  }
0x54: {  	_ =	shalt  }
0x55: {  	_ =	shalt  }
0x56: {  	_ =	shalt  }
0x57: {  	_ =	shalt  }
0x58: {  	_ =	shalt  }
0x59: {  	_ =	shalt  }
0x5a: {  	_ =	shalt  }
0x5b: {  	_ =	shalt  }
0x5c: {  	_ =	shalt  }
0x5d: {  	_ =	shalt  }
0x5e: {  	_ =	shalt  }
0x5f: {  	_ =	shalt  }
0x60: {  	_ =	shalt  }
0x61: {  	_ =	shalt  }
0x62: {  	_ =	shalt  }
0x63: {  	_ =	shalt  }
0x64: {  	_ =	shalt  }
0x65: {  	_ =	shalt  }
0x66: {  	_ =	shalt  }
0x67: {  	_ =	shalt  }
0x68: {  	_ =	shalt  }
0x69: {  	_ =	shalt  }
0x6a: {  	_ =	shalt  }
0x6b: {  	_ =	shalt  }
0x6c: {  	_ =	shalt  }
0x6d: {  	_ =	shalt  }
0x6e: {  	_ =	shalt  }
0x6f: {  	_ =	shalt  }
0x70: {  	_ =	shalt  }
0x71: {  	_ =	shalt  }
0x72: {  	_ =	shalt  }
0x73: {  	_ =	shalt  }
0x74: {  	_ =	shalt  }
0x75: {  	_ =	shalt  }
0x76: {  	_ =	shalt  }
0x77: {  	_ =	shalt  }
0x78: {  	_ =	shalt  }
0x79: {  	_ =	shalt  }
0x7a: {  	_ =	shalt  }
0x7b: {  	_ =	shalt  }
0x7c: {  	_ =	shalt  }
0x7d: {  	_ =	shalt  }
0x7e: {  	_ =	shalt  }
0x7f: {  	_ =	shalt  }
0x80: {  	_ =	shalt  }
0x81: {  	_ =	shalt  }
0x82: {  	_ =	shalt  }
0x83: {  	_ =	shalt  }
0x84: {  	_ =	shalt  }
0x85: {  	_ =	shalt  }
0x86: {  	_ =	shalt  }
0x87: {  	_ =	shalt  }
.Lfunc_end0:
.L_simem_size_0:
called_computation.1_lowered:
.L_overlay_start_0:
0x88: {  	s2 =	sld [smem:$0x3FD9]  }
0x89: {  	s3 =	sld [smem:$0x3FFE];
	_ =	sdelay $0x1  }
0x8a: {  	s1 =	srdreg.scid  }
0x8b: {  	s0 =	sand.u32 $0x1, s1  }
0x8c: {  	s16 =	sshll.u32 s0, $0xA;
	s2 =	sadd.s32 s3, s2  }
0x8d: {  	s2 =	sadd.s32 s2, s16  }
0x8e: {  	[smem:$0x3FB1] =	sst s2  }
0x8f: {  	_ = 	snop  }
0x90: {  	(tm) =	ssettm $0x1  }
0x91: {  	s17 =	sld [smem:$0x3FFB];
	_ =	sdelay $0x3  }
0x92: {  	_ =	strace s17  }
0x93: {  	s2 =	sld [smem:$0x3FFC];
	_ =	sdelay $0x3  }
0x94: {  	_ =	strace s2  }
0x95: {  	s2 =	sld [smem:$0x3FFD];
	_ =	sdelay $0x3  }
0x96: {  	_ =	strace s2  }
0x97: {  	_ =	strace $0x8FFFFFFF  }
0x98: {  	s18 =	sld [smem:$0x3FDB];
	_ =	sdelay $0x1  }
0x99: {  	s19 =	simm.s32 $_scs_section_size  }
0x9a: {  	s4 =	simm.s32 $_size__tile_overlayer_lowered;
	s5 =	simm.s32 $_tile_overlayer_lowered  }
0x9b: {  	s22 =	simm.s32 $0x1BFF;
	s21 =	sshll.u32 s5, $0x1;
	s2 =	sadd.s32 s19, s18  }
0x9c: {  	s6 =	simm.s32 $0x0;
	s20 =	sshll.u32 s4, $0x1;
	s4 =	sadd.s32 s21, s2  }
0x9d: {  	[timem:s6], [sflag:s22] =	dma.local [hbm:s4], s20  }
0x9e: {  	_ =	swait.ge [sflag:s22], s20  }
0x9f: {  	s3 =	ssub.s32 $0x0, s20;
	[sflag:s22] =	ssyncset.done $0x0  }
0xa0: {  	[sflag:s22] =	ssyncadd.s32 s3;
	_ =	sdelay $0x1  }
0xa1: {  	s23 =	simm.s32 $0x1B8B  }
0xa2: {  	_ =	swait.ge [sflag:s23], $0x1  }
0xa3: {  	[sflag:s23] =	ssyncset.done $0x0  }
0xa4: {  	s25 =	simm.s32 $0x1B8E;
	s24 =	sld [smem:$0x3FFE];
	[sflag:s23] =	ssyncadd.s32 $0xFFFFFFFF  }
0xa5: {  	s26 =	simm.s32 $execute0_lowered;
	[smem:$0x3FD2] =	sst s25  }
0xa6: {  	s4 =	sshll.u32 s26, $0x1;
	_ =	strace $0x80000049;
	[dreg:$0x1] =	wrdreg $0xFFFFFFFF  }
0xa7: {  	s28 =	simm.s32 $_size_execute0_lowered;
	s2 =	sadd.s32 s2, s4;
	[dreg:$0x0] =	wrdreg $0x0  }
0xa8: {  	s4 =	sshll.u32 s28, $0x1;
	[dreg:$0x2] =	wrdreg s2  }
0xa9: {  	[dreg:$0x3] =	wrdreg s4  }
0xaa: {  	[dreg:$0x4] =	wrdreg $0xC0  }
0xab: {  	_ =	task [dreg:s6], $0x5FFFF  }
0xac: {  	[dreg:$0x1] =	wrdreg $0xFFFFFFFF  }
0xad: {  	[dreg:$0x0] =	wrdreg $0x60  }
0xae: {  	[dreg:$0x2] =	wrdreg s24  }
0xaf: {  	[dreg:$0x3] =	wrdreg $0xB0000  }
0xb0: {  	[dreg:$0x4] =	wrdreg $0x9  }
0xb1: {  	_ =	task.clear_ibuf [dreg:s6], $0x5FFFF;
	_ =	strace $0x90000049  }
0xb2: {  	s29 =	simm.s32 $0x9;
	_ =	strace $0x8000004B  }
0xb3: {  	_ =	swait.ge [sflag:s29], $0x1  }
0xb4: {  	[sflag:s29] =	ssyncadd.s32 $0xFFFFFFFF  }
0xb5: {  	_ =	strace $0x9000004B  }
0xb6: {  	_ =	sfence  }
0xb7: {  	s30 =	sld [smem:$0x0];
	_ =	sdelay $0x2  }
0xb8: {  	s31 =	sshll.u32 s1, $0xD;
	s1 =	sshrl.u32 s1, $0x2  }
0xb9: {  	s3 =	sand.u32 $0x4000, s31;
	s1 =	sadd.s32 s1, s30  }
0xba: {  	s0 =	sor.u32 s3, s0;
	s1 =	sshll.u32 s1, $0x11  }
0xbb: {  	s0 =	sor.u32 s1, s0  }
0xbc: {  	s0 =	sadd.s32 $0x8F2B, s0  }
0xbd: {  	[sflag:s0] =	ssyncadd.remote.s32 $0x1  }
0xbe: {  	_ =	sfence.sel $0xFFFF  }
0xbf: {  	[dreg:$0x0] =	wrdreg $0xFFFFFFFF;
	(pc) =	sbr.abs _section_cstart, $3  }
0xc0: {  	[dreg:$0x1] =	wrdreg $0xFFFFFFFF  }
0xc1: {  	_ =	task.clear_ibuf [dreg:s6], $0x2FFFF;
	_ =	strace $0x9FFFFFFF  }
0xc2: {  	(tm) =	ssettm $0x7FFFFFFF  }
0xc3: {  	_ =	shalt  }
tec
execute0_lowered:
.L_overlay_start_1:
0x0: {  	(tag) =	ssettag $0x1  }
0x1: {  	s5 =	rddreg [dreg:$0x0]  }
0x2: {  	s1 =	rddreg [dreg:$0x1]  }
0x3: {  	s0 =	rddreg [dreg:$0x2];
	s3 =	simm.s32 $0x0  }
0x4: {  	s2 =	srdreg.scid;
	s17 =	simm.s32 $0x3;
	s18 =	simm.s32 $0x7000  }
0x5: {  	s19 =	simm.s32 $0x1;
	s20 =	simm.s32 $0x2;
	s9 =	sand.u32 $0x1, s2  }
0x6: {  	s22 =	simm.s32 $0x0;
	s2 =	stileid.u32;
	s6 =	smul.u32 $0x140000, s9  }
0x7: {  	[smem:$0x7FF] =	sst s3;
	s4 =	sadd.s32 $0x18400, s5;
	s7 =	smul.u32 $0x14000, s2  }
0x8: {  	s10 =	sadd.s32 $0x40400, s5;
	s11 =	sadd.s32 $0x4400, s5;
	s30 =	smul.u32 $0x50000, s2  }
0x9: {  	_ =	strace $0x8000004A;
	s8 =	sshll.u32 s2, $0x1;
	s13 =	smul.u32 $0x2800, s2  }
0xa: {  	s28 =	ssub.s32 $0x2, s9;
	p0 =	seq.s32 s9, $0x1;
	s15 =	smul.u32 $0xA00, s2  }
0xb: {  	s16 =	smul.u32 $0x500, s9;
	s26 =	sor.u32 s9, s8;
	s29 =	sshrl.u32 s28, $0x1  }
0xc: {  	s6 =	sadd.s32 s7, s6;
	s7 =	smul.u32 $0x2800, s26;
	s8 =	ssub.s32 s28, s29  }
0xd: {  	s21 =	sshll.u32 s2, $0x6;
	s6 =	sshrl.u32 s6, $0x3;
	s8 =	smax.u32 s8, $0x1  }
0xe: {  	s12 =	sadd.s32 s6, s5;
	s31 =	sshrl.u32 s7, $0x3;
	s6 =	sshrl.u32 s30, $0x2  }
0xf: {  	s5 =	sadd.s32 s11, s31;
	s14 =	sadd.s32 s6, s1;
	s7 =	sadd.s32 $0x68400, s12  }
.Ltmp0:
0x10: {  	s12 =	smov.u32 s4;
	s11 =	sadd.s32 s15, s11;
	(pc) =	sbr.rel .LBB2_1-.Ltmp0, $4  }
0x11: {  	s15 =	simm.s32 $0x80;
	s6 =	sadd.s32 $0xA000, s5;
	s12 =	smov.u32 @p0 s10  }
0x12: {  	s10 =	sor.u32 $0x1C03, s21;
	s11 =	sadd.s32 s16, s11;
	s16 =	simm.s32 $0x3000  }
0x13: {  	s21 =	sor.u32 $0x1C04, s21;
	s9 =	sadd.s32 s12, s13;
	s11 =	sadd.s32 $0xA080, s11  }
0x14: {  	s12 =	sshrl.u32 s14, $0x3;
	s13 =	simm.s32 $0x4;
	s14 =	simm.s32 $0x2800  }
.LBB2_3:
0x15: {  	_ =	swait.ge [sflag:s20], $0x4000  }
0x16: {  	[sflag:s20] =	ssyncset.done $0x0  }
0x17: {  	s23 =	sadd.s32 $0x2B80, s26;
	[sflag:s20] =	ssyncadd.s32 $0xFFFFC000  }
0x18: {  	[spmem:s1] =	stream.indirect.scatter.add.f32 [tilespmem:s18], [sflag:$0x4], $0x80, s23, s15, $0xb8;
	[tilespmem:$0x1F000] =	vst v63  }
0x19: {  	_ =	swait.ge [sflag:s13], $0x4000  }
0x1a: {  	[sflag:s13] =	ssyncset.done $0x0  }
0x1b: {  	[sflag:s13] =	ssyncadd.s32 $0xFFFFC000  }
.LBB2_5:
0x1c: {  	s22 =	sadd.s32 $0x1, s22  }
0x1d: {  	p0 =	sne.s32 s22, s8  }
.Ltmp1:
0x1e: {  	[bflag:$0x0] =	sbarrier.arrive $0xFFFF;
	(pc) =	sbr.rel @!p0 .LBB2_6-.Ltmp1, $4  }
0x1f: {  	[hbm:s7], [sflag:s21] =	dma.local [spmem:s12], $0x2800  }
0x20: {  	_ =	swait.ge [sflag:s13], $0x2800  }
0x21: {  	[sflag:s13] =	ssyncset.done $0x0  }
0x22: {  	[sflag:s13] =	ssyncadd.s32 $0xFFFFD800  }
.LBB2_1:
0x23: {  	[spmem:s12], [sflag:s10] =	dma.local [hbm:s9], $0x2800  }
0x24: {  	[tilespmem:s3], [sflag:$0x4] =	stream.linear.gather [hbm4b:s5+s3], $0x2800, $0x38;
	[tilespmem:$0x1F000] =	vst v63  }
0x25: {  	_ =	swait.ge [sflag:s13], $0x2800  }
0x26: {  	[sflag:s13] =	ssyncset.done $0x0  }
0x27: {  	[sflag:s13] =	ssyncadd.s32 $0xFFFFD800  }
0x28: {  	[tilespmem:s14], [sflag:$0x4] =	stream.linear.gather [hbm4b:s6+s3], $0x400, $0x38;
	[tilespmem:$0x1F000] =	vst v63  }
0x29: {  	_ =	swait.ge [sflag:s13], $0x400  }
0x2a: {  	[sflag:s13] =	ssyncset.done $0x0  }
0x2b: {  	[sflag:s13] =	ssyncadd.s32 $0xFFFFFC00  }
0x2c: {  	[tilespmem:s16], [sflag:$0x1] =	stream.indirect.gather [hbm4b:s4+s15], $0x80, s3, s15, $0xb8;
	[tilespmem:$0x1F000] =	vst v63  }
0x2d: {  	_ =	swait.ge [sflag:s17], $0x2800  }
0x2e: {  	[sflag:s17] =	ssyncset.done $0x0  }
0x2f: {  	s23 =	simm.s32 $0x0;
	[sflag:s17] =	ssyncadd.s32 $0xFFFFD800  }
0x30: {  	s24 =	smov.u32 s11;
	s25 =	simm.s32 $0x0;
	[bflag:$0x0] =	sbarrier.arrive $0xFFFF  }
.LBB2_2:
0x31: {  	p0 =	seq.s32 s25, $0x9000  }
0x32: {  	s26 =	sxor.u32 @!p0 $0xFFFFFFFF, s25  }
0x33: {  	s26 =	sand.u32 @!p0 $0x1000, s26  }
0x34: {  	s26 =	sshrl.u32 @!p0 s26, $0x2  }
0x35: {  	s28 =	simm.s32 @!p0 $0x0;
	s26 =	sor.u32 @!p0 $0x2800, s26  }
0x36: {  	[tilespmem:s26], [sflag:$0x3] =	stream.linear.gather @!p0 [hbm4b:s24+s28], $0x400, $0x38;
	[tilespmem:$0x1F000] =	vst v63  }
0x37: {  	s28 =	sshra.s32 s25, $0x2  }
0x38: {  	s29 =	sadd.s32 $0x80, s28  }
0x39: {  	[tilespmem:s18], [sflag:$0x2] =	stream.indirect.gather [hbm4b:s4+s15], $0x80, s29, s15, $0xb8;
	[tilespmem:$0x1F000] =	vst v63  }
0x3a: {  	_ =	swait.ge [sflag:s19], $0x4000  }
0x3b: {  	s26 =	sand.u32 $0x400, s23;
	[sflag:s19] =	ssyncset.done $0x0  }
0x3c: {  	s29 =	sor.u32 $0x2800, s26;
	[sflag:s19] =	ssyncadd.s32 $0xFFFFC000  }
0x3d: {  	[spmem:s1] =	stream.indirect.scatter.add.f32 [tilespmem:s16], [sflag:$0x4], $0x80, s29, s15, $0xb8;
	[tilespmem:$0x1F000] =	vst v63  }
0x3e: {  	_ =	swait.ge [sflag:s13], $0x4000  }
0x3f: {  	[sflag:s13] =	ssyncset.done $0x0  }
0x40: {  	s30 =	sadd.s32 $0x100, s28;
	[sflag:s13] =	ssyncadd.s32 $0xFFFFC000  }
0x41: {  	[tilespmem:s16], [sflag:$0x1] =	stream.indirect.gather [hbm4b:s4+s15], $0x80, s30, s15, $0xb8;
	[tilespmem:$0x1F000] =	vst v63  }
0x42: {  	_ =	swait.ge [sflag:s20], $0x4000  }
0x43: {  	[sflag:s20] =	ssyncset.done $0x0  }
0x44: {  	s31 =	sor.u32 $0x2880, s26;
	[sflag:s20] =	ssyncadd.s32 $0xFFFFC000  }
0x45: {  	[spmem:s1] =	stream.indirect.scatter.add.f32 [tilespmem:s18], [sflag:$0x4], $0x80, s31, s15, $0xb8;
	[tilespmem:$0x1F000] =	vst v63  }
0x46: {  	_ =	swait.ge [sflag:s13], $0x4000  }
0x47: {  	[sflag:s13] =	ssyncset.done $0x0  }
0x48: {  	s30 =	sadd.s32 $0x180, s28;
	[sflag:s13] =	ssyncadd.s32 $0xFFFFC000  }
0x49: {  	[tilespmem:s18], [sflag:$0x2] =	stream.indirect.gather [hbm4b:s4+s15], $0x80, s30, s15, $0xb8;
	[tilespmem:$0x1F000] =	vst v63  }
0x4a: {  	_ =	swait.ge [sflag:s19], $0x4000  }
0x4b: {  	[sflag:s19] =	ssyncset.done $0x0  }
0x4c: {  	s31 =	sor.u32 $0x2900, s26;
	[sflag:s19] =	ssyncadd.s32 $0xFFFFC000  }
0x4d: {  	[spmem:s1] =	stream.indirect.scatter.add.f32 [tilespmem:s16], [sflag:$0x4], $0x80, s31, s15, $0xb8;
	[tilespmem:$0x1F000] =	vst v63  }
0x4e: {  	_ =	swait.ge [sflag:s13], $0x4000  }
0x4f: {  	[sflag:s13] =	ssyncset.done $0x0  }
0x50: {  	s30 =	sadd.s32 $0x200, s28;
	[sflag:s13] =	ssyncadd.s32 $0xFFFFC000  }
0x51: {  	[tilespmem:s16], [sflag:$0x1] =	stream.indirect.gather [hbm4b:s4+s15], $0x80, s30, s15, $0xb8;
	[tilespmem:$0x1F000] =	vst v63  }
0x52: {  	_ =	swait.ge [sflag:s20], $0x4000  }
0x53: {  	[sflag:s20] =	ssyncset.done $0x0  }
0x54: {  	s31 =	sor.u32 $0x2980, s26;
	[sflag:s20] =	ssyncadd.s32 $0xFFFFC000  }
0x55: {  	[spmem:s1] =	stream.indirect.scatter.add.f32 [tilespmem:s18], [sflag:$0x4], $0x80, s31, s15, $0xb8;
	[tilespmem:$0x1F000] =	vst v63  }
0x56: {  	_ =	swait.ge [sflag:s13], $0x4000  }
0x57: {  	[sflag:s13] =	ssyncset.done $0x0  }
0x58: {  	s30 =	sadd.s32 $0x280, s28;
	[sflag:s13] =	ssyncadd.s32 $0xFFFFC000  }
0x59: {  	[tilespmem:s18], [sflag:$0x2] =	stream.indirect.gather [hbm4b:s4+s15], $0x80, s30, s15, $0xb8;
	[tilespmem:$0x1F000] =	vst v63  }
0x5a: {  	_ =	swait.ge [sflag:s19], $0x4000  }
0x5b: {  	[sflag:s19] =	ssyncset.done $0x0  }
0x5c: {  	s31 =	sor.u32 $0x2A00, s26;
	[sflag:s19] =	ssyncadd.s32 $0xFFFFC000  }
0x5d: {  	[spmem:s1] =	stream.indirect.scatter.add.f32 [tilespmem:s16], [sflag:$0x4], $0x80, s31, s15, $0xb8;
	[tilespmem:$0x1F000] =	vst v63  }
0x5e: {  	_ =	swait.ge [sflag:s13], $0x4000  }
0x5f: {  	[sflag:s13] =	ssyncset.done $0x0  }
0x60: {  	s30 =	sadd.s32 $0x300, s28;
	[sflag:s13] =	ssyncadd.s32 $0xFFFFC000  }
0x61: {  	[tilespmem:s16], [sflag:$0x1] =	stream.indirect.gather [hbm4b:s4+s15], $0x80, s30, s15, $0xb8;
	[tilespmem:$0x1F000] =	vst v63  }
0x62: {  	_ =	swait.ge [sflag:s20], $0x4000  }
0x63: {  	[sflag:s20] =	ssyncset.done $0x0  }
0x64: {  	s31 =	sor.u32 $0x2A80, s26;
	[sflag:s20] =	ssyncadd.s32 $0xFFFFC000  }
0x65: {  	[spmem:s1] =	stream.indirect.scatter.add.f32 [tilespmem:s18], [sflag:$0x4], $0x80, s31, s15, $0xb8;
	[tilespmem:$0x1F000] =	vst v63  }
0x66: {  	_ =	swait.ge [sflag:s13], $0x4000  }
0x67: {  	[sflag:s13] =	ssyncset.done $0x0  }
0x68: {  	s30 =	sadd.s32 $0x380, s28;
	[sflag:s13] =	ssyncadd.s32 $0xFFFFC000  }
0x69: {  	[tilespmem:s18], [sflag:$0x2] =	stream.indirect.gather [hbm4b:s4+s15], $0x80, s30, s15, $0xb8;
	[tilespmem:$0x1F000] =	vst v63  }
0x6a: {  	_ =	swait.ge [sflag:s19], $0x4000  }
0x6b: {  	p0 =	sne.s32 s25, $0x9000;
	[sflag:s19] =	ssyncset.done $0x0  }
.Ltmp2:
0x6c: {  	s31 =	sor.u32 $0x2B00, s26;
	[sflag:s19] =	ssyncadd.s32 $0xFFFFC000;
	(pc) =	sbr.rel @!p0 .LBB2_3-.Ltmp2, $4  }
0x6d: {  	[spmem:s1] =	stream.indirect.scatter.add.f32 [tilespmem:s16], [sflag:$0x4], $0x80, s31, s15, $0xb8;
	[tilespmem:$0x1F000] =	vst v63  }
0x6e: {  	_ =	swait.ge [sflag:s13], $0x4000  }
0x6f: {  	[sflag:s13] =	ssyncset.done $0x0  }
0x70: {  	[sflag:s13] =	ssyncadd.s32 $0xFFFFC000  }
0x71: {  	s28 =	sadd.s32 $0x400, s28  }
0x72: {  	[tilespmem:s16], [sflag:$0x1] =	stream.indirect.gather [hbm4b:s4+s15], $0x80, s28, s15, $0xb8;
	[tilespmem:$0x1F000] =	vst v63  }
0x73: {  	_ =	swait.ge [sflag:s20], $0x4000  }
0x74: {  	[sflag:s20] =	ssyncset.done $0x0  }
0x75: {  	s26 =	sadd.s32 $0x2B80, s26;
	s25 =	sadd.s32 $0x1000, s25;
	[sflag:s20] =	ssyncadd.s32 $0xFFFFC000  }
0x76: {  	[spmem:s1] =	stream.indirect.scatter.add.f32 [tilespmem:s18], [sflag:$0x4], $0x80, s26, s15, $0xb8;
	[tilespmem:$0x1F000] =	vst v63  }
0x77: {  	p0 =	sne.s32 s25, $0xA000;
	_ =	swait.ge [sflag:s13], $0x4000  }
.Ltmp3:
0x78: {  	[sflag:s13] =	ssyncset.done $0x0;
	(pc) =	sbr.rel @p0 .LBB2_2-.Ltmp3, $4  }
.Ltmp4:
0x79: {  	[sflag:s13] =	ssyncadd.s32 $0xFFFFC000;
	(pc) =	sbr.rel @!p0 .LBB2_5-.Ltmp4, $4  }
0x7a: {  	_ =	swait.ge [sflag:s17], $0x400  }
0x7b: {  	[sflag:s17] =	ssyncset.done $0x0  }
0x7c: {  	s24 =	sadd.s32 $0x80, s24;
	s23 =	sadd.s32 $0x400, s23;
	[sflag:s17] =	ssyncadd.s32 $0xFFFFFC00  }
0x7d: {  	_ = 	snop  }
.LBB2_6:
0x7e: {  	_ =	sfence.sel $0x180000  }
0x7f: {  	[bflag:$0x0] =	sbarrier.arrive $0xFFFF  }
0x80: {  	p0 =	sne.s32 s2, $0x0;
	_ =	strace $0x9000004A  }
0x81: {  	s0 =	sadd.s32 @!p0 $0x100000, s0;
	[bflag:$0x2] =	sbarrier.arrive $0xFFFF  }
0x82: {  	[sflag:s0] =	ssyncadd.tile.s32 @!p0 $0x1;
	_ =	shalt  }
.Lfunc_end2:
_tile_overlayer_lowered:
.L_overlay_start_2:
0x83: {  	(tag) =	ssettag $0x2  }
0x84: {  	s0 =	rddreg [dreg:$0x0];
	s2 =	stileid.u32  }
0x85: {  	s1 =	rddreg [dreg:$0x1];
	p0 =	sne.s32 s2, $0x0  }
0x86: {  	s3 =	rddreg [dreg:$0x2];
	[bflag:$0x3] =	sbarrier.arrive $0xFFFF;
	s2 =	simm.s32 @!p0 $0x1C04  }
0x87: {  	[timem:s3], [sflag:s2] =	dma.local @!p0 [hbm:s0], s1  }
0x88: {  	s0 =	simm.s32 @!p0 $0x4  }
0x89: {  	_ =	swait.ge @!p0 [sflag:s0], s1  }
0x8a: {  	s1 =	ssub.s32 @!p0 $0x0, s1;
	[sflag:s0] =	ssyncset.done @!p0 $0x0  }
0x8b: {  	[sflag:s0] =	ssyncadd.s32 @!p0 s1  }
0x8c: {  	[bflag:$0x3] =	sbarrier.arrive $0xFFFF  }
0x8d: {  	_ =	shalt  }

// kernel: kernel.14.cloned.1.call-start
scs
__scs_entry_jumppad:
0x0: {  	(pc) =	sbr.rel $0x88, $3  }
0x1: {  	(tag) =	ssettag $0x0;
	lr =	simm.s32 $0x1  }
0x2: {  	[smem:$0x3F8A] =	sst lr;
	_ =	strace $0xD0000000  }
0x3: {  	_ = 	snop  }
0x4: {  	_ = 	snop  }
0x5: {  	_ = 	snop  }
0x6: {  	_ = 	snop  }
0x7: {  	_ = 	snop  }
__scs_overlays_trampoline_lowered:
0x8: {  	[smem:$0x3F99] =	sst s0  }
0x9: {  	[smem:$0x3F9A] =	sst s1  }
0xa: {  	[smem:$0x3F9B] =	sst s2  }
0xb: {  	[smem:$0x3F9C] =	sst s3  }
0xc: {  	[smem:$0x3F9D] =	sst s4  }
0xd: {  	[smem:$0x3F9E] =	sst s5  }
0xe: {  	[smem:$0x3F9F] =	sst s6  }
0xf: {  	[smem:$0x3FA0] =	sst s7  }
0x10: {  	[smem:$0x3FA1] =	sst s8  }
0x11: {  	[smem:$0x3FA2] =	sst s9;
	s0 =	simm.s32 @!p0 $0x0  }
0x12: {  	s1 =	sld [smem:$0x3F88];
	s0 =	simm.s32 @p0 $0x1  }
0x13: {  	[smem:$0x3FA3] =	sst s0;
	s0 =	simm.s32 @!p1 $0x0  }
0x14: {  	s2 =	sld [smem:$0x3F87];
	s0 =	simm.s32 @p1 $0x1  }
0x15: {  	[smem:$0x3FA4] =	sst s0;
	s0 =	simm.s32 @!p2 $0x0  }
0x16: {  	s3 =	sld [smem:$0x3FDB];
	s0 =	simm.s32 @p2 $0x1  }
0x17: {  	s4 =	simm.s32 $0x1BF5;
	[smem:$0x3FA6] =	sst s0  }
0x18: {  	s0 =	sld [smem:$0x3F89];
	_ =	swait.ge [sflag:s4], $0x0  }
0x19: {  	s7 =	sld [smem:$0x3F8A]  }
0x1a: {  	s8 =	sadd.s32 $0xFFFFE003, lr  }
0x1b: {  	s9 =	sadd.s32 $0xFFFFFEF7, lr;
	s5 =	simm.s32 $0xFFFFFFFF;
	p2 =	slt.u32 s8, $0xFFFFF086  }
0x1c: {  	p1 =	slt.u32 s9, $0xF7A;
	s5 =	simm.s32 @!p2 $0x0  }
0x1d: {  	s5 =	simm.s32 @p1 $0x1;
	p0 =	seq.s32 s7, s2  }
0x1e: {  	s7 =	smul.u32 @!p0 $0xF7A, s2;
	p2 =	seq.s32 @!p0 s5, $0x0  }
0x1f: {  	s9 =	smul.u32 $0xF7A, s1;
	s8 =	simm.s32 @!p0 $0x1BF5;
	p2 =	por !p2, p0  }
0x20: {  	[sflag:s8] =	ssyncset.s32 @!p0 $0xFFFFF086;
	s6 =	sadd.s32 @!p0 s3, s7;
	s7 =	simm.s32 @!p0 $0x108  }
0x21: {  	s3 =	sadd.s32 s3, s9;
	s6 =	sadd.s32 @!p0 $0x88, s6;
	s7 =	simm.s32 @p2 $0x1082  }
0x22: {  	[simem:s7], [sflag:s8] =	dma.local @!p0 [hbm:s6], $0xF7A  }
0x23: {  	s9 =	sor.u32 $0xD0000000, s2;
	s6 =	simm.s32 $0x108;
	_ =	swait.ge @!p0 [sflag:s8], $0x0  }
0x24: {  	s3 =	sadd.s32 $0x88, s3;
	s6 =	simm.s32 @!p1 $0x1082;
	[sflag:s4] =	ssyncset.s32 $0xFFFFF086  }
0x25: {  	[simem:s6], [sflag:s4] =	dma.local [hbm:s3], $0xF7A  }
0x26: {  	[smem:$0x3F8A] =	sst s1;
	(tag) =	ssettag s2;
	_ =	strace s9  }
0x27: {  	s1 =	sld [smem:$0x3F9A]  }
0x28: {  	s2 =	sld [smem:$0x3F9B]  }
0x29: {  	s4 =	sld [smem:$0x3F9D]  }
0x2a: {  	p0 =	seq.s32 s5, $0x0;
	s5 =	sld [smem:$0x3F9E]  }
0x2b: {  	s6 =	sld [smem:$0x3F9F]  }
0x2c: {  	s7 =	sld [smem:$0x3FA0]  }
0x2d: {  	s3 =	simm.s32 $0x108;
	s8 =	sld [smem:$0x3FA1]  }
0x2e: {  	s3 =	simm.s32 @!p0 $0x1082;
	s9 =	sld [smem:$0x3FA2]  }
0x2f: {  	lr =	sadd.s32 s0, s3;
	s0 =	sld [smem:$0x3F99]  }
0x30: {  	s3 =	sld [smem:$0x3F9C]  }
0x31: {  	[smem:$0x3FA5] =	sst s10  }
0x32: {  	s10 =	sld [smem:$0x3FA3];
	_ =	sdelay $0x3  }
0x33: {  	p0 =	seq.s32 s10, $0x1;
	s10 =	sld [smem:$0x3FA5];
	_ =	sdelay $0x3  }
0x34: {  	[smem:$0x3FA5] =	sst s10  }
0x35: {  	s10 =	sld [smem:$0x3FA4];
	_ =	sdelay $0x3  }
0x36: {  	p1 =	seq.s32 s10, $0x1;
	s10 =	sld [smem:$0x3FA5];
	_ =	sdelay $0x3  }
0x37: {  	[smem:$0x3FA5] =	sst s10  }
0x38: {  	s10 =	sld [smem:$0x3FA6]  }
0x39: {  	_ = 	snop;
	(pc) =	sbr.ind lr, $3  }
0x3a: {  	_ = 	snop  }
0x3b: {  	_ = 	snop  }
0x3c: {  	p2 =	seq.s32 s10, $0x1;
	s10 =	sld [smem:$0x3FA5]  }
0x3d: {  	_ =	shalt  }
0x3e: {  	_ =	shalt  }
0x3f: {  	_ =	shalt  }
0x40: {  	_ =	shalt  }
0x41: {  	_ =	shalt  }
0x42: {  	_ =	shalt  }
0x43: {  	_ =	shalt  }
0x44: {  	_ =	shalt  }
0x45: {  	_ =	shalt  }
0x46: {  	_ =	shalt  }
0x47: {  	_ =	shalt  }
0x48: {  	_ =	shalt  }
0x49: {  	_ =	shalt  }
0x4a: {  	_ =	shalt  }
0x4b: {  	_ =	shalt  }
0x4c: {  	_ =	shalt  }
0x4d: {  	_ =	shalt  }
0x4e: {  	_ =	shalt  }
0x4f: {  	_ =	shalt  }
0x50: {  	_ =	shalt  }
0x51: {  	_ =	shalt  }
0x52: {  	_ =	shalt  }
0x53: {  	_ =	shalt  }
0x54: {  	_ =	shalt  }
0x55: {  	_ =	shalt  }
0x56: {  	_ =	shalt  }
0x57: {  	_ =	shalt  }
0x58: {  	_ =	shalt  }
0x59: {  	_ =	shalt  }
0x5a: {  	_ =	shalt  }
0x5b: {  	_ =	shalt  }
0x5c: {  	_ =	shalt  }
0x5d: {  	_ =	shalt  }
0x5e: {  	_ =	shalt  }
0x5f: {  	_ =	shalt  }
0x60: {  	_ =	shalt  }
0x61: {  	_ =	shalt  }
0x62: {  	_ =	shalt  }
0x63: {  	_ =	shalt  }
0x64: {  	_ =	shalt  }
0x65: {  	_ =	shalt  }
0x66: {  	_ =	shalt  }
0x67: {  	_ =	shalt  }
0x68: {  	_ =	shalt  }
0x69: {  	_ =	shalt  }
0x6a: {  	_ =	shalt  }
0x6b: {  	_ =	shalt  }
0x6c: {  	_ =	shalt  }
0x6d: {  	_ =	shalt  }
0x6e: {  	_ =	shalt  }
0x6f: {  	_ =	shalt  }
0x70: {  	_ =	shalt  }
0x71: {  	_ =	shalt  }
0x72: {  	_ =	shalt  }
0x73: {  	_ =	shalt  }
0x74: {  	_ =	shalt  }
0x75: {  	_ =	shalt  }
0x76: {  	_ =	shalt  }
0x77: {  	_ =	shalt  }
0x78: {  	_ =	shalt  }
0x79: {  	_ =	shalt  }
0x7a: {  	_ =	shalt  }
0x7b: {  	_ =	shalt  }
0x7c: {  	_ =	shalt  }
0x7d: {  	_ =	shalt  }
0x7e: {  	_ =	shalt  }
0x7f: {  	_ =	shalt  }
0x80: {  	_ =	shalt  }
0x81: {  	_ =	shalt  }
0x82: {  	_ =	shalt  }
0x83: {  	_ =	shalt  }
0x84: {  	_ =	shalt  }
0x85: {  	_ =	shalt  }
0x86: {  	_ =	shalt  }
0x87: {  	_ =	shalt  }
.Lfunc_end0:
.L_simem_size_0:
called_computation.2_lowered:
.L_overlay_start_0:
0x88: {  	s2 =	sld [smem:$0x3FD9]  }
0x89: {  	s3 =	sld [smem:$0x3FFE];
	_ =	sdelay $0x1  }
0x8a: {  	s1 =	srdreg.scid  }
0x8b: {  	s0 =	sand.u32 $0x1, s1  }
0x8c: {  	s16 =	sshll.u32 s0, $0xA;
	s2 =	sadd.s32 s3, s2  }
0x8d: {  	s2 =	sadd.s32 s2, s16  }
0x8e: {  	[smem:$0x3FB1] =	sst s2  }
0x8f: {  	_ = 	snop  }
0x90: {  	(tm) =	ssettm $0x1  }
0x91: {  	s17 =	sld [smem:$0x3FFB];
	_ =	sdelay $0x3  }
0x92: {  	_ =	strace s17  }
0x93: {  	s2 =	sld [smem:$0x3FFC];
	_ =	sdelay $0x3  }
0x94: {  	_ =	strace s2  }
0x95: {  	s2 =	sld [smem:$0x3FFD];
	_ =	sdelay $0x3  }
0x96: {  	_ =	strace s2  }
0x97: {  	_ =	strace $0x8FFFFFFF  }
0x98: {  	s18 =	sld [smem:$0x3FDB];
	_ =	sdelay $0x1  }
0x99: {  	s19 =	simm.s32 $_scs_section_size  }
0x9a: {  	s4 =	simm.s32 $_size__tile_overlayer_lowered;
	s5 =	simm.s32 $_tile_overlayer_lowered  }
0x9b: {  	s22 =	simm.s32 $0x1BFF;
	s21 =	sshll.u32 s5, $0x1;
	s2 =	sadd.s32 s19, s18  }
0x9c: {  	s6 =	simm.s32 $0x0;
	s20 =	sshll.u32 s4, $0x1;
	s4 =	sadd.s32 s21, s2  }
0x9d: {  	[timem:s6], [sflag:s22] =	dma.local [hbm:s4], s20  }
0x9e: {  	_ =	swait.ge [sflag:s22], s20  }
0x9f: {  	s3 =	ssub.s32 $0x0, s20;
	[sflag:s22] =	ssyncset.done $0x0  }
0xa0: {  	[sflag:s22] =	ssyncadd.s32 s3;
	_ =	sdelay $0x1  }
0xa1: {  	s23 =	simm.s32 $0x1B8B  }
0xa2: {  	_ =	swait.ge [sflag:s23], $0x1  }
0xa3: {  	[sflag:s23] =	ssyncset.done $0x0  }
0xa4: {  	s25 =	simm.s32 $0x1B8E;
	s24 =	sld [smem:$0x3FFE];
	[sflag:s23] =	ssyncadd.s32 $0xFFFFFFFF  }
0xa5: {  	s26 =	simm.s32 $execute0_lowered;
	[smem:$0x3FD2] =	sst s25  }
0xa6: {  	s4 =	sshll.u32 s26, $0x1;
	_ =	strace $0x8000004C;
	[dreg:$0x1] =	wrdreg $0xFFFFFFFF  }
0xa7: {  	s28 =	simm.s32 $_size_execute0_lowered;
	s2 =	sadd.s32 s2, s4;
	[dreg:$0x0] =	wrdreg $0x0  }
0xa8: {  	s4 =	sshll.u32 s28, $0x1;
	[dreg:$0x2] =	wrdreg s2  }
0xa9: {  	[dreg:$0x3] =	wrdreg s4  }
0xaa: {  	[dreg:$0x4] =	wrdreg $0xC0  }
0xab: {  	_ =	task [dreg:s6], $0x5FFFF  }
0xac: {  	[dreg:$0x1] =	wrdreg $0xFFFFFFFF  }
0xad: {  	[dreg:$0x0] =	wrdreg $0x60  }
0xae: {  	[dreg:$0x2] =	wrdreg s24  }
0xaf: {  	[dreg:$0x3] =	wrdreg $0xB0000  }
0xb0: {  	[dreg:$0x4] =	wrdreg $0x9  }
0xb1: {  	_ =	task.clear_ibuf [dreg:s6], $0x5FFFF;
	_ =	strace $0x9000004C  }
0xb2: {  	s29 =	simm.s32 $0x9;
	_ =	strace $0x8000004E  }
0xb3: {  	_ =	swait.ge [sflag:s29], $0x1  }
0xb4: {  	[sflag:s29] =	ssyncadd.s32 $0xFFFFFFFF  }
0xb5: {  	_ =	strace $0x9000004E  }
0xb6: {  	_ =	sfence  }
0xb7: {  	s30 =	sld [smem:$0x0];
	_ =	sdelay $0x2  }
0xb8: {  	s31 =	sshll.u32 s1, $0xD;
	s1 =	sshrl.u32 s1, $0x2  }
0xb9: {  	s3 =	sand.u32 $0x4000, s31;
	s1 =	sadd.s32 s1, s30  }
0xba: {  	s0 =	sor.u32 s3, s0;
	s1 =	sshll.u32 s1, $0x11  }
0xbb: {  	s0 =	sor.u32 s1, s0  }
0xbc: {  	s0 =	sadd.s32 $0x8F2B, s0  }
0xbd: {  	[sflag:s0] =	ssyncadd.remote.s32 $0x1  }
0xbe: {  	_ =	sfence.sel $0xFFFF  }
0xbf: {  	[dreg:$0x0] =	wrdreg $0xFFFFFFFF;
	(pc) =	sbr.abs _section_cstart, $3  }
0xc0: {  	[dreg:$0x1] =	wrdreg $0xFFFFFFFF  }
0xc1: {  	_ =	task.clear_ibuf [dreg:s6], $0x2FFFF;
	_ =	strace $0x9FFFFFFF  }
0xc2: {  	(tm) =	ssettm $0x7FFFFFFF  }
0xc3: {  	_ =	shalt  }
tec
execute0_lowered:
.L_overlay_start_1:
0x0: {  	(tag) =	ssettag $0x1  }
0x1: {  	s5 =	rddreg [dreg:$0x0]  }
0x2: {  	s1 =	rddreg [dreg:$0x1]  }
0x3: {  	s0 =	rddreg [dreg:$0x2];
	s3 =	simm.s32 $0x0  }
0x4: {  	s2 =	srdreg.scid;
	s17 =	simm.s32 $0x3;
	s18 =	simm.s32 $0x7000  }
0x5: {  	s19 =	simm.s32 $0x1;
	s20 =	simm.s32 $0x2;
	s9 =	sand.u32 $0x1, s2  }
0x6: {  	s22 =	simm.s32 $0x0;
	s2 =	stileid.u32;
	s6 =	smul.u32 $0x140000, s9  }
0x7: {  	[smem:$0x7FF] =	sst s3;
	s4 =	sadd.s32 $0x18400, s5;
	s7 =	smul.u32 $0x14000, s2  }
0x8: {  	s10 =	sadd.s32 $0x40400, s5;
	s11 =	sadd.s32 $0x4400, s5;
	s30 =	smul.u32 $0x50000, s2  }
0x9: {  	_ =	strace $0x8000004D;
	s8 =	sshll.u32 s2, $0x1;
	s13 =	smul.u32 $0x2800, s2  }
0xa: {  	s28 =	ssub.s32 $0x2, s9;
	p0 =	seq.s32 s9, $0x1;
	s15 =	smul.u32 $0xA00, s2  }
0xb: {  	s16 =	smul.u32 $0x500, s9;
	s26 =	sor.u32 s9, s8;
	s29 =	sshrl.u32 s28, $0x1  }
0xc: {  	s6 =	sadd.s32 s7, s6;
	s7 =	smul.u32 $0x2800, s26;
	s8 =	ssub.s32 s28, s29  }
0xd: {  	s21 =	sshll.u32 s2, $0x6;
	s6 =	sshrl.u32 s6, $0x3;
	s8 =	smax.u32 s8, $0x1  }
0xe: {  	s12 =	sadd.s32 s6, s5;
	s31 =	sshrl.u32 s7, $0x3;
	s6 =	sshrl.u32 s30, $0x2  }
0xf: {  	s5 =	sadd.s32 s11, s31;
	s14 =	sadd.s32 s6, s1;
	s7 =	sadd.s32 $0x68400, s12  }
.Ltmp0:
0x10: {  	s12 =	smov.u32 s4;
	s11 =	sadd.s32 s15, s11;
	(pc) =	sbr.rel .LBB2_1-.Ltmp0, $4  }
0x11: {  	s15 =	simm.s32 $0x80;
	s6 =	sadd.s32 $0xA000, s5;
	s12 =	smov.u32 @p0 s10  }
0x12: {  	s10 =	sor.u32 $0x1C03, s21;
	s11 =	sadd.s32 s16, s11;
	s16 =	simm.s32 $0x3000  }
0x13: {  	s21 =	sor.u32 $0x1C04, s21;
	s9 =	sadd.s32 s12, s13;
	s11 =	sadd.s32 $0xA080, s11  }
0x14: {  	s12 =	sshrl.u32 s14, $0x3;
	s13 =	simm.s32 $0x4;
	s14 =	simm.s32 $0x2800  }
.LBB2_3:
0x15: {  	_ =	swait.ge [sflag:s20], $0x4000  }
0x16: {  	[sflag:s20] =	ssyncset.done $0x0  }
0x17: {  	s23 =	sadd.s32 $0x2B80, s26;
	[sflag:s20] =	ssyncadd.s32 $0xFFFFC000  }
0x18: {  	[spmem:s1] =	stream.indirect.scatter.add.f32 [tilespmem:s18], [sflag:$0x4], $0x80, s23, s15, $0xb8;
	[tilespmem:$0x1F000] =	vst v63  }
0x19: {  	_ =	swait.ge [sflag:s13], $0x4000  }
0x1a: {  	[sflag:s13] =	ssyncset.done $0x0  }
0x1b: {  	[sflag:s13] =	ssyncadd.s32 $0xFFFFC000  }
.LBB2_5:
0x1c: {  	s22 =	sadd.s32 $0x1, s22  }
0x1d: {  	p0 =	sne.s32 s22, s8  }
.Ltmp1:
0x1e: {  	[bflag:$0x0] =	sbarrier.arrive $0xFFFF;
	(pc) =	sbr.rel @!p0 .LBB2_6-.Ltmp1, $4  }
0x1f: {  	[hbm:s7], [sflag:s21] =	dma.local [spmem:s12], $0x2800  }
0x20: {  	_ =	swait.ge [sflag:s13], $0x2800  }
0x21: {  	[sflag:s13] =	ssyncset.done $0x0  }
0x22: {  	[sflag:s13] =	ssyncadd.s32 $0xFFFFD800  }
.LBB2_1:
0x23: {  	[spmem:s12], [sflag:s10] =	dma.local [hbm:s9], $0x2800  }
0x24: {  	[tilespmem:s3], [sflag:$0x4] =	stream.linear.gather [hbm4b:s5+s3], $0x2800, $0x38;
	[tilespmem:$0x1F000] =	vst v63  }
0x25: {  	_ =	swait.ge [sflag:s13], $0x2800  }
0x26: {  	[sflag:s13] =	ssyncset.done $0x0  }
0x27: {  	[sflag:s13] =	ssyncadd.s32 $0xFFFFD800  }
0x28: {  	[tilespmem:s14], [sflag:$0x4] =	stream.linear.gather [hbm4b:s6+s3], $0x400, $0x38;
	[tilespmem:$0x1F000] =	vst v63  }
0x29: {  	_ =	swait.ge [sflag:s13], $0x400  }
0x2a: {  	[sflag:s13] =	ssyncset.done $0x0  }
0x2b: {  	[sflag:s13] =	ssyncadd.s32 $0xFFFFFC00  }
0x2c: {  	[tilespmem:s16], [sflag:$0x1] =	stream.indirect.gather [hbm4b:s4+s15], $0x80, s3, s15, $0xb8;
	[tilespmem:$0x1F000] =	vst v63  }
0x2d: {  	_ =	swait.ge [sflag:s17], $0x2800  }
0x2e: {  	[sflag:s17] =	ssyncset.done $0x0  }
0x2f: {  	s23 =	simm.s32 $0x0;
	[sflag:s17] =	ssyncadd.s32 $0xFFFFD800  }
0x30: {  	s24 =	smov.u32 s11;
	s25 =	simm.s32 $0x0;
	[bflag:$0x0] =	sbarrier.arrive $0xFFFF  }
.LBB2_2:
0x31: {  	p0 =	seq.s32 s25, $0x9000  }
0x32: {  	s26 =	sxor.u32 @!p0 $0xFFFFFFFF, s25  }
0x33: {  	s26 =	sand.u32 @!p0 $0x1000, s26  }
0x34: {  	s26 =	sshrl.u32 @!p0 s26, $0x2  }
0x35: {  	s28 =	simm.s32 @!p0 $0x0;
	s26 =	sor.u32 @!p0 $0x2800, s26  }
0x36: {  	[tilespmem:s26], [sflag:$0x3] =	stream.linear.gather @!p0 [hbm4b:s24+s28], $0x400, $0x38;
	[tilespmem:$0x1F000] =	vst v63  }
0x37: {  	s28 =	sshra.s32 s25, $0x2  }
0x38: {  	s29 =	sadd.s32 $0x80, s28  }
0x39: {  	[tilespmem:s18], [sflag:$0x2] =	stream.indirect.gather [hbm4b:s4+s15], $0x80, s29, s15, $0xb8;
	[tilespmem:$0x1F000] =	vst v63  }
0x3a: {  	_ =	swait.ge [sflag:s19], $0x4000  }
0x3b: {  	s26 =	sand.u32 $0x400, s23;
	[sflag:s19] =	ssyncset.done $0x0  }
0x3c: {  	s29 =	sor.u32 $0x2800, s26;
	[sflag:s19] =	ssyncadd.s32 $0xFFFFC000  }
0x3d: {  	[spmem:s1] =	stream.indirect.scatter.add.f32 [tilespmem:s16], [sflag:$0x4], $0x80, s29, s15, $0xb8;
	[tilespmem:$0x1F000] =	vst v63  }
0x3e: {  	_ =	swait.ge [sflag:s13], $0x4000  }
0x3f: {  	[sflag:s13] =	ssyncset.done $0x0  }
0x40: {  	s30 =	sadd.s32 $0x100, s28;
	[sflag:s13] =	ssyncadd.s32 $0xFFFFC000  }
0x41: {  	[tilespmem:s16], [sflag:$0x1] =	stream.indirect.gather [hbm4b:s4+s15], $0x80, s30, s15, $0xb8;
	[tilespmem:$0x1F000] =	vst v63  }
0x42: {  	_ =	swait.ge [sflag:s20], $0x4000  }
0x43: {  	[sflag:s20] =	ssyncset.done $0x0  }
0x44: {  	s31 =	sor.u32 $0x2880, s26;
	[sflag:s20] =	ssyncadd.s32 $0xFFFFC000  }
0x45: {  	[spmem:s1] =	stream.indirect.scatter.add.f32 [tilespmem:s18], [sflag:$0x4], $0x80, s31, s15, $0xb8;
	[tilespmem:$0x1F000] =	vst v63  }
0x46: {  	_ =	swait.ge [sflag:s13], $0x4000  }
0x47: {  	[sflag:s13] =	ssyncset.done $0x0  }
0x48: {  	s30 =	sadd.s32 $0x180, s28;
	[sflag:s13] =	ssyncadd.s32 $0xFFFFC000  }
0x49: {  	[tilespmem:s18], [sflag:$0x2] =	stream.indirect.gather [hbm4b:s4+s15], $0x80, s30, s15, $0xb8;
	[tilespmem:$0x1F000] =	vst v63  }
0x4a: {  	_ =	swait.ge [sflag:s19], $0x4000  }
0x4b: {  	[sflag:s19] =	ssyncset.done $0x0  }
0x4c: {  	s31 =	sor.u32 $0x2900, s26;
	[sflag:s19] =	ssyncadd.s32 $0xFFFFC000  }
0x4d: {  	[spmem:s1] =	stream.indirect.scatter.add.f32 [tilespmem:s16], [sflag:$0x4], $0x80, s31, s15, $0xb8;
	[tilespmem:$0x1F000] =	vst v63  }
0x4e: {  	_ =	swait.ge [sflag:s13], $0x4000  }
0x4f: {  	[sflag:s13] =	ssyncset.done $0x0  }
0x50: {  	s30 =	sadd.s32 $0x200, s28;
	[sflag:s13] =	ssyncadd.s32 $0xFFFFC000  }
0x51: {  	[tilespmem:s16], [sflag:$0x1] =	stream.indirect.gather [hbm4b:s4+s15], $0x80, s30, s15, $0xb8;
	[tilespmem:$0x1F000] =	vst v63  }
0x52: {  	_ =	swait.ge [sflag:s20], $0x4000  }
0x53: {  	[sflag:s20] =	ssyncset.done $0x0  }
0x54: {  	s31 =	sor.u32 $0x2980, s26;
	[sflag:s20] =	ssyncadd.s32 $0xFFFFC000  }
0x55: {  	[spmem:s1] =	stream.indirect.scatter.add.f32 [tilespmem:s18], [sflag:$0x4], $0x80, s31, s15, $0xb8;
	[tilespmem:$0x1F000] =	vst v63  }
0x56: {  	_ =	swait.ge [sflag:s13], $0x4000  }
0x57: {  	[sflag:s13] =	ssyncset.done $0x0  }
0x58: {  	s30 =	sadd.s32 $0x280, s28;
	[sflag:s13] =	ssyncadd.s32 $0xFFFFC000  }
0x59: {  	[tilespmem:s18], [sflag:$0x2] =	stream.indirect.gather [hbm4b:s4+s15], $0x80, s30, s15, $0xb8;
	[tilespmem:$0x1F000] =	vst v63  }
0x5a: {  	_ =	swait.ge [sflag:s19], $0x4000  }
0x5b: {  	[sflag:s19] =	ssyncset.done $0x0  }
0x5c: {  	s31 =	sor.u32 $0x2A00, s26;
	[sflag:s19] =	ssyncadd.s32 $0xFFFFC000  }
0x5d: {  	[spmem:s1] =	stream.indirect.scatter.add.f32 [tilespmem:s16], [sflag:$0x4], $0x80, s31, s15, $0xb8;
	[tilespmem:$0x1F000] =	vst v63  }
0x5e: {  	_ =	swait.ge [sflag:s13], $0x4000  }
0x5f: {  	[sflag:s13] =	ssyncset.done $0x0  }
0x60: {  	s30 =	sadd.s32 $0x300, s28;
	[sflag:s13] =	ssyncadd.s32 $0xFFFFC000  }
0x61: {  	[tilespmem:s16], [sflag:$0x1] =	stream.indirect.gather [hbm4b:s4+s15], $0x80, s30, s15, $0xb8;
	[tilespmem:$0x1F000] =	vst v63  }
0x62: {  	_ =	swait.ge [sflag:s20], $0x4000  }
0x63: {  	[sflag:s20] =	ssyncset.done $0x0  }
0x64: {  	s31 =	sor.u32 $0x2A80, s26;
	[sflag:s20] =	ssyncadd.s32 $0xFFFFC000  }
0x65: {  	[spmem:s1] =	stream.indirect.scatter.add.f32 [tilespmem:s18], [sflag:$0x4], $0x80, s31, s15, $0xb8;
	[tilespmem:$0x1F000] =	vst v63  }
0x66: {  	_ =	swait.ge [sflag:s13], $0x4000  }
0x67: {  	[sflag:s13] =	ssyncset.done $0x0  }
0x68: {  	s30 =	sadd.s32 $0x380, s28;
	[sflag:s13] =	ssyncadd.s32 $0xFFFFC000  }
0x69: {  	[tilespmem:s18], [sflag:$0x2] =	stream.indirect.gather [hbm4b:s4+s15], $0x80, s30, s15, $0xb8;
	[tilespmem:$0x1F000] =	vst v63  }
0x6a: {  	_ =	swait.ge [sflag:s19], $0x4000  }
0x6b: {  	p0 =	sne.s32 s25, $0x9000;
	[sflag:s19] =	ssyncset.done $0x0  }
.Ltmp2:
0x6c: {  	s31 =	sor.u32 $0x2B00, s26;
	[sflag:s19] =	ssyncadd.s32 $0xFFFFC000;
	(pc) =	sbr.rel @!p0 .LBB2_3-.Ltmp2, $4  }
0x6d: {  	[spmem:s1] =	stream.indirect.scatter.add.f32 [tilespmem:s16], [sflag:$0x4], $0x80, s31, s15, $0xb8;
	[tilespmem:$0x1F000] =	vst v63  }
0x6e: {  	_ =	swait.ge [sflag:s13], $0x4000  }
0x6f: {  	[sflag:s13] =	ssyncset.done $0x0  }
0x70: {  	[sflag:s13] =	ssyncadd.s32 $0xFFFFC000  }
0x71: {  	s28 =	sadd.s32 $0x400, s28  }
0x72: {  	[tilespmem:s16], [sflag:$0x1] =	stream.indirect.gather [hbm4b:s4+s15], $0x80, s28, s15, $0xb8;
	[tilespmem:$0x1F000] =	vst v63  }
0x73: {  	_ =	swait.ge [sflag:s20], $0x4000  }
0x74: {  	[sflag:s20] =	ssyncset.done $0x0  }
0x75: {  	s26 =	sadd.s32 $0x2B80, s26;
	s25 =	sadd.s32 $0x1000, s25;
	[sflag:s20] =	ssyncadd.s32 $0xFFFFC000  }
0x76: {  	[spmem:s1] =	stream.indirect.scatter.add.f32 [tilespmem:s18], [sflag:$0x4], $0x80, s26, s15, $0xb8;
	[tilespmem:$0x1F000] =	vst v63  }
0x77: {  	p0 =	sne.s32 s25, $0xA000;
	_ =	swait.ge [sflag:s13], $0x4000  }
.Ltmp3:
0x78: {  	[sflag:s13] =	ssyncset.done $0x0;
	(pc) =	sbr.rel @p0 .LBB2_2-.Ltmp3, $4  }
.Ltmp4:
0x79: {  	[sflag:s13] =	ssyncadd.s32 $0xFFFFC000;
	(pc) =	sbr.rel @!p0 .LBB2_5-.Ltmp4, $4  }
0x7a: {  	_ =	swait.ge [sflag:s17], $0x400  }
0x7b: {  	[sflag:s17] =	ssyncset.done $0x0  }
0x7c: {  	s24 =	sadd.s32 $0x80, s24;
	s23 =	sadd.s32 $0x400, s23;
	[sflag:s17] =	ssyncadd.s32 $0xFFFFFC00  }
0x7d: {  	_ = 	snop  }
.LBB2_6:
0x7e: {  	_ =	sfence.sel $0x180000  }
0x7f: {  	[bflag:$0x0] =	sbarrier.arrive $0xFFFF  }
0x80: {  	p0 =	sne.s32 s2, $0x0;
	_ =	strace $0x9000004D  }
0x81: {  	s0 =	sadd.s32 @!p0 $0x100000, s0;
	[bflag:$0x2] =	sbarrier.arrive $0xFFFF  }
0x82: {  	[sflag:s0] =	ssyncadd.tile.s32 @!p0 $0x1;
	_ =	shalt  }
.Lfunc_end2:
_tile_overlayer_lowered:
.L_overlay_start_2:
0x83: {  	(tag) =	ssettag $0x2  }
0x84: {  	s0 =	rddreg [dreg:$0x0];
	s2 =	stileid.u32  }
0x85: {  	s1 =	rddreg [dreg:$0x1];
	p0 =	sne.s32 s2, $0x0  }
0x86: {  	s3 =	rddreg [dreg:$0x2];
	[bflag:$0x3] =	sbarrier.arrive $0xFFFF;
	s2 =	simm.s32 @!p0 $0x1C04  }
0x87: {  	[timem:s3], [sflag:s2] =	dma.local @!p0 [hbm:s0], s1  }
0x88: {  	s0 =	simm.s32 @!p0 $0x4  }
0x89: {  	_ =	swait.ge @!p0 [sflag:s0], s1  }
0x8a: {  	s1 =	ssub.s32 @!p0 $0x0, s1;
	[sflag:s0] =	ssyncset.done @!p0 $0x0  }
0x8b: {  	[sflag:s0] =	ssyncadd.s32 @!p0 s1  }
0x8c: {  	[bflag:$0x3] =	sbarrier.arrive $0xFFFF  }
0x8d: {  	_ =	shalt  }

// kernel: kernel.8.cloned.1.call-start
scs
__scs_entry_jumppad:
0x0: {  	(pc) =	sbr.rel $0x88, $3  }
0x1: {  	(tag) =	ssettag $0x0;
	lr =	simm.s32 $0x1  }
0x2: {  	[smem:$0x3F8A] =	sst lr;
	_ =	strace $0xD0000000  }
0x3: {  	_ = 	snop  }
0x4: {  	_ = 	snop  }
0x5: {  	_ = 	snop  }
0x6: {  	_ = 	snop  }
0x7: {  	_ = 	snop  }
__scs_overlays_trampoline_lowered:
0x8: {  	[smem:$0x3F99] =	sst s0  }
0x9: {  	[smem:$0x3F9A] =	sst s1  }
0xa: {  	[smem:$0x3F9B] =	sst s2  }
0xb: {  	[smem:$0x3F9C] =	sst s3  }
0xc: {  	[smem:$0x3F9D] =	sst s4  }
0xd: {  	[smem:$0x3F9E] =	sst s5  }
0xe: {  	[smem:$0x3F9F] =	sst s6  }
0xf: {  	[smem:$0x3FA0] =	sst s7  }
0x10: {  	[smem:$0x3FA1] =	sst s8  }
0x11: {  	[smem:$0x3FA2] =	sst s9;
	s0 =	simm.s32 @!p0 $0x0  }
0x12: {  	s1 =	sld [smem:$0x3F88];
	s0 =	simm.s32 @p0 $0x1  }
0x13: {  	[smem:$0x3FA3] =	sst s0;
	s0 =	simm.s32 @!p1 $0x0  }
0x14: {  	s2 =	sld [smem:$0x3F87];
	s0 =	simm.s32 @p1 $0x1  }
0x15: {  	[smem:$0x3FA4] =	sst s0;
	s0 =	simm.s32 @!p2 $0x0  }
0x16: {  	s3 =	sld [smem:$0x3FDB];
	s0 =	simm.s32 @p2 $0x1  }
0x17: {  	s4 =	simm.s32 $0x1BF5;
	[smem:$0x3FA6] =	sst s0  }
0x18: {  	s0 =	sld [smem:$0x3F89];
	_ =	swait.ge [sflag:s4], $0x0  }
0x19: {  	s7 =	sld [smem:$0x3F8A]  }
0x1a: {  	s8 =	sadd.s32 $0xFFFFE003, lr  }
0x1b: {  	s9 =	sadd.s32 $0xFFFFFEF7, lr;
	s5 =	simm.s32 $0xFFFFFFFF;
	p2 =	slt.u32 s8, $0xFFFFF086  }
0x1c: {  	p1 =	slt.u32 s9, $0xF7A;
	s5 =	simm.s32 @!p2 $0x0  }
0x1d: {  	s5 =	simm.s32 @p1 $0x1;
	p0 =	seq.s32 s7, s2  }
0x1e: {  	s7 =	smul.u32 @!p0 $0xF7A, s2;
	p2 =	seq.s32 @!p0 s5, $0x0  }
0x1f: {  	s9 =	smul.u32 $0xF7A, s1;
	s8 =	simm.s32 @!p0 $0x1BF5;
	p2 =	por !p2, p0  }
0x20: {  	[sflag:s8] =	ssyncset.s32 @!p0 $0xFFFFF086;
	s6 =	sadd.s32 @!p0 s3, s7;
	s7 =	simm.s32 @!p0 $0x108  }
0x21: {  	s3 =	sadd.s32 s3, s9;
	s6 =	sadd.s32 @!p0 $0x88, s6;
	s7 =	simm.s32 @p2 $0x1082  }
0x22: {  	[simem:s7], [sflag:s8] =	dma.local @!p0 [hbm:s6], $0xF7A  }
0x23: {  	s9 =	sor.u32 $0xD0000000, s2;
	s6 =	simm.s32 $0x108;
	_ =	swait.ge @!p0 [sflag:s8], $0x0  }
0x24: {  	s3 =	sadd.s32 $0x88, s3;
	s6 =	simm.s32 @!p1 $0x1082;
	[sflag:s4] =	ssyncset.s32 $0xFFFFF086  }
0x25: {  	[simem:s6], [sflag:s4] =	dma.local [hbm:s3], $0xF7A  }
0x26: {  	[smem:$0x3F8A] =	sst s1;
	(tag) =	ssettag s2;
	_ =	strace s9  }
0x27: {  	s1 =	sld [smem:$0x3F9A]  }
0x28: {  	s2 =	sld [smem:$0x3F9B]  }
0x29: {  	s4 =	sld [smem:$0x3F9D]  }
0x2a: {  	p0 =	seq.s32 s5, $0x0;
	s5 =	sld [smem:$0x3F9E]  }
0x2b: {  	s6 =	sld [smem:$0x3F9F]  }
0x2c: {  	s7 =	sld [smem:$0x3FA0]  }
0x2d: {  	s3 =	simm.s32 $0x108;
	s8 =	sld [smem:$0x3FA1]  }
0x2e: {  	s3 =	simm.s32 @!p0 $0x1082;
	s9 =	sld [smem:$0x3FA2]  }
0x2f: {  	lr =	sadd.s32 s0, s3;
	s0 =	sld [smem:$0x3F99]  }
0x30: {  	s3 =	sld [smem:$0x3F9C]  }
0x31: {  	[smem:$0x3FA5] =	sst s10  }
0x32: {  	s10 =	sld [smem:$0x3FA3];
	_ =	sdelay $0x3  }
0x33: {  	p0 =	seq.s32 s10, $0x1;
	s10 =	sld [smem:$0x3FA5];
	_ =	sdelay $0x3  }
0x34: {  	[smem:$0x3FA5] =	sst s10  }
0x35: {  	s10 =	sld [smem:$0x3FA4];
	_ =	sdelay $0x3  }
0x36: {  	p1 =	seq.s32 s10, $0x1;
	s10 =	sld [smem:$0x3FA5];
	_ =	sdelay $0x3  }
0x37: {  	[smem:$0x3FA5] =	sst s10  }
0x38: {  	s10 =	sld [smem:$0x3FA6]  }
0x39: {  	_ = 	snop;
	(pc) =	sbr.ind lr, $3  }
0x3a: {  	_ = 	snop  }
0x3b: {  	_ = 	snop  }
0x3c: {  	p2 =	seq.s32 s10, $0x1;
	s10 =	sld [smem:$0x3FA5]  }
0x3d: {  	_ =	shalt  }
0x3e: {  	_ =	shalt  }
0x3f: {  	_ =	shalt  }
0x40: {  	_ =	shalt  }
0x41: {  	_ =	shalt  }
0x42: {  	_ =	shalt  }
0x43: {  	_ =	shalt  }
0x44: {  	_ =	shalt  }
0x45: {  	_ =	shalt  }
0x46: {  	_ =	shalt  }
0x47: {  	_ =	shalt  }
0x48: {  	_ =	shalt  }
0x49: {  	_ =	shalt  }
0x4a: {  	_ =	shalt  }
0x4b: {  	_ =	shalt  }
0x4c: {  	_ =	shalt  }
0x4d: {  	_ =	shalt  }
0x4e: {  	_ =	shalt  }
0x4f: {  	_ =	shalt  }
0x50: {  	_ =	shalt  }
0x51: {  	_ =	shalt  }
0x52: {  	_ =	shalt  }
0x53: {  	_ =	shalt  }
0x54: {  	_ =	shalt  }
0x55: {  	_ =	shalt  }
0x56: {  	_ =	shalt  }
0x57: {  	_ =	shalt  }
0x58: {  	_ =	shalt  }
0x59: {  	_ =	shalt  }
0x5a: {  	_ =	shalt  }
0x5b: {  	_ =	shalt  }
0x5c: {  	_ =	shalt  }
0x5d: {  	_ =	shalt  }
0x5e: {  	_ =	shalt  }
0x5f: {  	_ =	shalt  }
0x60: {  	_ =	shalt  }
0x61: {  	_ =	shalt  }
0x62: {  	_ =	shalt  }
0x63: {  	_ =	shalt  }
0x64: {  	_ =	shalt  }
0x65: {  	_ =	shalt  }
0x66: {  	_ =	shalt  }
0x67: {  	_ =	shalt  }
0x68: {  	_ =	shalt  }
0x69: {  	_ =	shalt  }
0x6a: {  	_ =	shalt  }
0x6b: {  	_ =	shalt  }
0x6c: {  	_ =	shalt  }
0x6d: {  	_ =	shalt  }
0x6e: {  	_ =	shalt  }
0x6f: {  	_ =	shalt  }
0x70: {  	_ =	shalt  }
0x71: {  	_ =	shalt  }
0x72: {  	_ =	shalt  }
0x73: {  	_ =	shalt  }
0x74: {  	_ =	shalt  }
0x75: {  	_ =	shalt  }
0x76: {  	_ =	shalt  }
0x77: {  	_ =	shalt  }
0x78: {  	_ =	shalt  }
0x79: {  	_ =	shalt  }
0x7a: {  	_ =	shalt  }
0x7b: {  	_ =	shalt  }
0x7c: {  	_ =	shalt  }
0x7d: {  	_ =	shalt  }
0x7e: {  	_ =	shalt  }
0x7f: {  	_ =	shalt  }
0x80: {  	_ =	shalt  }
0x81: {  	_ =	shalt  }
0x82: {  	_ =	shalt  }
0x83: {  	_ =	shalt  }
0x84: {  	_ =	shalt  }
0x85: {  	_ =	shalt  }
0x86: {  	_ =	shalt  }
0x87: {  	_ =	shalt  }
.Lfunc_end0:
.L_simem_size_0:
called_computation_lowered:
.L_overlay_start_0:
0x88: {  	s2 =	sld [smem:$0x3FD9]  }
0x89: {  	s3 =	sld [smem:$0x3FFE];
	_ =	sdelay $0x1  }
0x8a: {  	s1 =	srdreg.scid  }
0x8b: {  	s0 =	sand.u32 $0x1, s1  }
0x8c: {  	s16 =	sshll.u32 s0, $0xA;
	s2 =	sadd.s32 s3, s2  }
0x8d: {  	s2 =	sadd.s32 s2, s16  }
0x8e: {  	[smem:$0x3FB1] =	sst s2  }
0x8f: {  	_ = 	snop  }
0x90: {  	(tm) =	ssettm $0x1  }
0x91: {  	s17 =	sld [smem:$0x3FFB];
	_ =	sdelay $0x3  }
0x92: {  	_ =	strace s17  }
0x93: {  	s2 =	sld [smem:$0x3FFC];
	_ =	sdelay $0x3  }
0x94: {  	_ =	strace s2  }
0x95: {  	s2 =	sld [smem:$0x3FFD];
	_ =	sdelay $0x3  }
0x96: {  	_ =	strace s2  }
0x97: {  	_ =	strace $0x8FFFFFFF  }
0x98: {  	s18 =	sld [smem:$0x3FDB];
	_ =	sdelay $0x1  }
0x99: {  	s19 =	simm.s32 $_scs_section_size  }
0x9a: {  	s4 =	simm.s32 $_size__tile_overlayer_lowered;
	s5 =	simm.s32 $_tile_overlayer_lowered  }
0x9b: {  	s22 =	simm.s32 $0x1BFF;
	s21 =	sshll.u32 s5, $0x1;
	s2 =	sadd.s32 s19, s18  }
0x9c: {  	s6 =	simm.s32 $0x0;
	s20 =	sshll.u32 s4, $0x1;
	s4 =	sadd.s32 s21, s2  }
0x9d: {  	[timem:s6], [sflag:s22] =	dma.local [hbm:s4], s20  }
0x9e: {  	_ =	swait.ge [sflag:s22], s20  }
0x9f: {  	s3 =	ssub.s32 $0x0, s20;
	[sflag:s22] =	ssyncset.done $0x0  }
0xa0: {  	[sflag:s22] =	ssyncadd.s32 s3;
	_ =	sdelay $0x1  }
0xa1: {  	s23 =	simm.s32 $0x1B8B  }
0xa2: {  	_ =	swait.ge [sflag:s23], $0x1  }
0xa3: {  	[sflag:s23] =	ssyncset.done $0x0  }
0xa4: {  	s25 =	simm.s32 $0x1B8E;
	s24 =	sld [smem:$0x3FFE];
	[sflag:s23] =	ssyncadd.s32 $0xFFFFFFFF  }
0xa5: {  	s26 =	simm.s32 $execute0_lowered;
	[smem:$0x3FD2] =	sst s25  }
0xa6: {  	s4 =	sshll.u32 s26, $0x1;
	_ =	strace $0x80000046;
	[dreg:$0x1] =	wrdreg $0xFFFFFFFF  }
0xa7: {  	s28 =	simm.s32 $_size_execute0_lowered;
	s2 =	sadd.s32 s2, s4;
	[dreg:$0x0] =	wrdreg $0x0  }
0xa8: {  	s4 =	sshll.u32 s28, $0x1;
	[dreg:$0x2] =	wrdreg s2  }
0xa9: {  	[dreg:$0x3] =	wrdreg s4  }
0xaa: {  	[dreg:$0x4] =	wrdreg $0xC0  }
0xab: {  	_ =	task [dreg:s6], $0x5FFFF  }
0xac: {  	[dreg:$0x1] =	wrdreg $0xFFFFFFFF  }
0xad: {  	[dreg:$0x0] =	wrdreg $0x60  }
0xae: {  	[dreg:$0x2] =	wrdreg s24  }
0xaf: {  	[dreg:$0x3] =	wrdreg $0xB0000  }
0xb0: {  	[dreg:$0x4] =	wrdreg $0x9  }
0xb1: {  	_ =	task.clear_ibuf [dreg:s6], $0x5FFFF;
	_ =	strace $0x90000046  }
0xb2: {  	s29 =	simm.s32 $0x9;
	_ =	strace $0x80000048  }
0xb3: {  	_ =	swait.ge [sflag:s29], $0x1  }
0xb4: {  	[sflag:s29] =	ssyncadd.s32 $0xFFFFFFFF  }
0xb5: {  	_ =	strace $0x90000048  }
0xb6: {  	_ =	sfence  }
0xb7: {  	s30 =	sld [smem:$0x0];
	_ =	sdelay $0x2  }
0xb8: {  	s31 =	sshll.u32 s1, $0xD;
	s1 =	sshrl.u32 s1, $0x2  }
0xb9: {  	s3 =	sand.u32 $0x4000, s31;
	s1 =	sadd.s32 s1, s30  }
0xba: {  	s0 =	sor.u32 s3, s0;
	s1 =	sshll.u32 s1, $0x11  }
0xbb: {  	s0 =	sor.u32 s1, s0  }
0xbc: {  	s0 =	sadd.s32 $0x8F2B, s0  }
0xbd: {  	[sflag:s0] =	ssyncadd.remote.s32 $0x1  }
0xbe: {  	_ =	sfence.sel $0xFFFF  }
0xbf: {  	[dreg:$0x0] =	wrdreg $0xFFFFFFFF;
	(pc) =	sbr.abs _section_cstart, $3  }
0xc0: {  	[dreg:$0x1] =	wrdreg $0xFFFFFFFF  }
0xc1: {  	_ =	task.clear_ibuf [dreg:s6], $0x2FFFF;
	_ =	strace $0x9FFFFFFF  }
0xc2: {  	(tm) =	ssettm $0x7FFFFFFF  }
0xc3: {  	_ =	shalt  }
tec
execute0_lowered:
.L_overlay_start_1:
0x0: {  	(tag) =	ssettag $0x1  }
0x1: {  	s5 =	rddreg [dreg:$0x0]  }
0x2: {  	s1 =	rddreg [dreg:$0x1]  }
0x3: {  	s0 =	rddreg [dreg:$0x2];
	s3 =	simm.s32 $0x0  }
0x4: {  	s2 =	srdreg.scid;
	s17 =	simm.s32 $0x3;
	s18 =	simm.s32 $0x7000  }
0x5: {  	s19 =	simm.s32 $0x1;
	s20 =	simm.s32 $0x2;
	s9 =	sand.u32 $0x1, s2  }
0x6: {  	s22 =	simm.s32 $0x0;
	s2 =	stileid.u32;
	s6 =	smul.u32 $0x140000, s9  }
0x7: {  	[smem:$0x7FF] =	sst s3;
	s4 =	sadd.s32 $0x18400, s5;
	s7 =	smul.u32 $0x14000, s2  }
0x8: {  	s10 =	sadd.s32 $0x40400, s5;
	s11 =	sadd.s32 $0x4400, s5;
	s30 =	smul.u32 $0x50000, s2  }
0x9: {  	_ =	strace $0x80000047;
	s8 =	sshll.u32 s2, $0x1;
	s13 =	smul.u32 $0x2800, s2  }
0xa: {  	s28 =	ssub.s32 $0x2, s9;
	p0 =	seq.s32 s9, $0x1;
	s15 =	smul.u32 $0xA00, s2  }
0xb: {  	s16 =	smul.u32 $0x500, s9;
	s26 =	sor.u32 s9, s8;
	s29 =	sshrl.u32 s28, $0x1  }
0xc: {  	s6 =	sadd.s32 s7, s6;
	s7 =	smul.u32 $0x2800, s26;
	s8 =	ssub.s32 s28, s29  }
0xd: {  	s21 =	sshll.u32 s2, $0x6;
	s6 =	sshrl.u32 s6, $0x3;
	s8 =	smax.u32 s8, $0x1  }
0xe: {  	s12 =	sadd.s32 s6, s5;
	s31 =	sshrl.u32 s7, $0x3;
	s6 =	sshrl.u32 s30, $0x2  }
0xf: {  	s5 =	sadd.s32 s11, s31;
	s14 =	sadd.s32 s6, s1;
	s7 =	sadd.s32 $0x68400, s12  }
.Ltmp0:
0x10: {  	s12 =	smov.u32 s4;
	s11 =	sadd.s32 s15, s11;
	(pc) =	sbr.rel .LBB2_1-.Ltmp0, $4  }
0x11: {  	s15 =	simm.s32 $0x80;
	s6 =	sadd.s32 $0xA000, s5;
	s12 =	smov.u32 @p0 s10  }
0x12: {  	s10 =	sor.u32 $0x1C03, s21;
	s11 =	sadd.s32 s16, s11;
	s16 =	simm.s32 $0x3000  }
0x13: {  	s21 =	sor.u32 $0x1C04, s21;
	s9 =	sadd.s32 s12, s13;
	s11 =	sadd.s32 $0xA080, s11  }
0x14: {  	s12 =	sshrl.u32 s14, $0x3;
	s13 =	simm.s32 $0x4;
	s14 =	simm.s32 $0x2800  }
.LBB2_3:
0x15: {  	_ =	swait.ge [sflag:s20], $0x4000  }
0x16: {  	[sflag:s20] =	ssyncset.done $0x0  }
0x17: {  	s23 =	sadd.s32 $0x2B80, s26;
	[sflag:s20] =	ssyncadd.s32 $0xFFFFC000  }
0x18: {  	[spmem:s1] =	stream.indirect.scatter.add.f32 [tilespmem:s18], [sflag:$0x4], $0x80, s23, s15, $0xb8;
	[tilespmem:$0x1F000] =	vst v63  }
0x19: {  	_ =	swait.ge [sflag:s13], $0x4000  }
0x1a: {  	[sflag:s13] =	ssyncset.done $0x0  }
0x1b: {  	[sflag:s13] =	ssyncadd.s32 $0xFFFFC000  }
.LBB2_5:
0x1c: {  	s22 =	sadd.s32 $0x1, s22  }
0x1d: {  	p0 =	sne.s32 s22, s8  }
.Ltmp1:
0x1e: {  	[bflag:$0x0] =	sbarrier.arrive $0xFFFF;
	(pc) =	sbr.rel @!p0 .LBB2_6-.Ltmp1, $4  }
0x1f: {  	[hbm:s7], [sflag:s21] =	dma.local [spmem:s12], $0x2800  }
0x20: {  	_ =	swait.ge [sflag:s13], $0x2800  }
0x21: {  	[sflag:s13] =	ssyncset.done $0x0  }
0x22: {  	[sflag:s13] =	ssyncadd.s32 $0xFFFFD800  }
.LBB2_1:
0x23: {  	[spmem:s12], [sflag:s10] =	dma.local [hbm:s9], $0x2800  }
0x24: {  	[tilespmem:s3], [sflag:$0x4] =	stream.linear.gather [hbm4b:s5+s3], $0x2800, $0x38;
	[tilespmem:$0x1F000] =	vst v63  }
0x25: {  	_ =	swait.ge [sflag:s13], $0x2800  }
0x26: {  	[sflag:s13] =	ssyncset.done $0x0  }
0x27: {  	[sflag:s13] =	ssyncadd.s32 $0xFFFFD800  }
0x28: {  	[tilespmem:s14], [sflag:$0x4] =	stream.linear.gather [hbm4b:s6+s3], $0x400, $0x38;
	[tilespmem:$0x1F000] =	vst v63  }
0x29: {  	_ =	swait.ge [sflag:s13], $0x400  }
0x2a: {  	[sflag:s13] =	ssyncset.done $0x0  }
0x2b: {  	[sflag:s13] =	ssyncadd.s32 $0xFFFFFC00  }
0x2c: {  	[tilespmem:s16], [sflag:$0x1] =	stream.indirect.gather [hbm4b:s4+s15], $0x80, s3, s15, $0xb8;
	[tilespmem:$0x1F000] =	vst v63  }
0x2d: {  	_ =	swait.ge [sflag:s17], $0x2800  }
0x2e: {  	[sflag:s17] =	ssyncset.done $0x0  }
0x2f: {  	s23 =	simm.s32 $0x0;
	[sflag:s17] =	ssyncadd.s32 $0xFFFFD800  }
0x30: {  	s24 =	smov.u32 s11;
	s25 =	simm.s32 $0x0;
	[bflag:$0x0] =	sbarrier.arrive $0xFFFF  }
.LBB2_2:
0x31: {  	p0 =	seq.s32 s25, $0x9000  }
0x32: {  	s26 =	sxor.u32 @!p0 $0xFFFFFFFF, s25  }
0x33: {  	s26 =	sand.u32 @!p0 $0x1000, s26  }
0x34: {  	s26 =	sshrl.u32 @!p0 s26, $0x2  }
0x35: {  	s28 =	simm.s32 @!p0 $0x0;
	s26 =	sor.u32 @!p0 $0x2800, s26  }
0x36: {  	[tilespmem:s26], [sflag:$0x3] =	stream.linear.gather @!p0 [hbm4b:s24+s28], $0x400, $0x38;
	[tilespmem:$0x1F000] =	vst v63  }
0x37: {  	s28 =	sshra.s32 s25, $0x2  }
0x38: {  	s29 =	sadd.s32 $0x80, s28  }
0x39: {  	[tilespmem:s18], [sflag:$0x2] =	stream.indirect.gather [hbm4b:s4+s15], $0x80, s29, s15, $0xb8;
	[tilespmem:$0x1F000] =	vst v63  }
0x3a: {  	_ =	swait.ge [sflag:s19], $0x4000  }
0x3b: {  	s26 =	sand.u32 $0x400, s23;
	[sflag:s19] =	ssyncset.done $0x0  }
0x3c: {  	s29 =	sor.u32 $0x2800, s26;
	[sflag:s19] =	ssyncadd.s32 $0xFFFFC000  }
0x3d: {  	[spmem:s1] =	stream.indirect.scatter.add.f32 [tilespmem:s16], [sflag:$0x4], $0x80, s29, s15, $0xb8;
	[tilespmem:$0x1F000] =	vst v63  }
0x3e: {  	_ =	swait.ge [sflag:s13], $0x4000  }
0x3f: {  	[sflag:s13] =	ssyncset.done $0x0  }
0x40: {  	s30 =	sadd.s32 $0x100, s28;
	[sflag:s13] =	ssyncadd.s32 $0xFFFFC000  }
0x41: {  	[tilespmem:s16], [sflag:$0x1] =	stream.indirect.gather [hbm4b:s4+s15], $0x80, s30, s15, $0xb8;
	[tilespmem:$0x1F000] =	vst v63  }
0x42: {  	_ =	swait.ge [sflag:s20], $0x4000  }
0x43: {  	[sflag:s20] =	ssyncset.done $0x0  }
0x44: {  	s31 =	sor.u32 $0x2880, s26;
	[sflag:s20] =	ssyncadd.s32 $0xFFFFC000  }
0x45: {  	[spmem:s1] =	stream.indirect.scatter.add.f32 [tilespmem:s18], [sflag:$0x4], $0x80, s31, s15, $0xb8;
	[tilespmem:$0x1F000] =	vst v63  }
0x46: {  	_ =	swait.ge [sflag:s13], $0x4000  }
0x47: {  	[sflag:s13] =	ssyncset.done $0x0  }
0x48: {  	s30 =	sadd.s32 $0x180, s28;
	[sflag:s13] =	ssyncadd.s32 $0xFFFFC000  }
0x49: {  	[tilespmem:s18], [sflag:$0x2] =	stream.indirect.gather [hbm4b:s4+s15], $0x80, s30, s15, $0xb8;
	[tilespmem:$0x1F000] =	vst v63  }
0x4a: {  	_ =	swait.ge [sflag:s19], $0x4000  }
0x4b: {  	[sflag:s19] =	ssyncset.done $0x0  }
0x4c: {  	s31 =	sor.u32 $0x2900, s26;
	[sflag:s19] =	ssyncadd.s32 $0xFFFFC000  }
0x4d: {  	[spmem:s1] =	stream.indirect.scatter.add.f32 [tilespmem:s16], [sflag:$0x4], $0x80, s31, s15, $0xb8;
	[tilespmem:$0x1F000] =	vst v63  }
0x4e: {  	_ =	swait.ge [sflag:s13], $0x4000  }
0x4f: {  	[sflag:s13] =	ssyncset.done $0x0  }
0x50: {  	s30 =	sadd.s32 $0x200, s28;
	[sflag:s13] =	ssyncadd.s32 $0xFFFFC000  }
0x51: {  	[tilespmem:s16], [sflag:$0x1] =	stream.indirect.gather [hbm4b:s4+s15], $0x80, s30, s15, $0xb8;
	[tilespmem:$0x1F000] =	vst v63  }
0x52: {  	_ =	swait.ge [sflag:s20], $0x4000  }
0x53: {  	[sflag:s20] =	ssyncset.done $0x0  }
0x54: {  	s31 =	sor.u32 $0x2980, s26;
	[sflag:s20] =	ssyncadd.s32 $0xFFFFC000  }
0x55: {  	[spmem:s1] =	stream.indirect.scatter.add.f32 [tilespmem:s18], [sflag:$0x4], $0x80, s31, s15, $0xb8;
	[tilespmem:$0x1F000] =	vst v63  }
0x56: {  	_ =	swait.ge [sflag:s13], $0x4000  }
0x57: {  	[sflag:s13] =	ssyncset.done $0x0  }
0x58: {  	s30 =	sadd.s32 $0x280, s28;
	[sflag:s13] =	ssyncadd.s32 $0xFFFFC000  }
0x59: {  	[tilespmem:s18], [sflag:$0x2] =	stream.indirect.gather [hbm4b:s4+s15], $0x80, s30, s15, $0xb8;
	[tilespmem:$0x1F000] =	vst v63  }
0x5a: {  	_ =	swait.ge [sflag:s19], $0x4000  }
0x5b: {  	[sflag:s19] =	ssyncset.done $0x0  }
0x5c: {  	s31 =	sor.u32 $0x2A00, s26;
	[sflag:s19] =	ssyncadd.s32 $0xFFFFC000  }
0x5d: {  	[spmem:s1] =	stream.indirect.scatter.add.f32 [tilespmem:s16], [sflag:$0x4], $0x80, s31, s15, $0xb8;
	[tilespmem:$0x1F000] =	vst v63  }
0x5e: {  	_ =	swait.ge [sflag:s13], $0x4000  }
0x5f: {  	[sflag:s13] =	ssyncset.done $0x0  }
0x60: {  	s30 =	sadd.s32 $0x300, s28;
	[sflag:s13] =	ssyncadd.s32 $0xFFFFC000  }
0x61: {  	[tilespmem:s16], [sflag:$0x1] =	stream.indirect.gather [hbm4b:s4+s15], $0x80, s30, s15, $0xb8;
	[tilespmem:$0x1F000] =	vst v63  }
0x62: {  	_ =	swait.ge [sflag:s20], $0x4000  }
0x63: {  	[sflag:s20] =	ssyncset.done $0x0  }
0x64: {  	s31 =	sor.u32 $0x2A80, s26;
	[sflag:s20] =	ssyncadd.s32 $0xFFFFC000  }
0x65: {  	[spmem:s1] =	stream.indirect.scatter.add.f32 [tilespmem:s18], [sflag:$0x4], $0x80, s31, s15, $0xb8;
	[tilespmem:$0x1F000] =	vst v63  }
0x66: {  	_ =	swait.ge [sflag:s13], $0x4000  }
0x67: {  	[sflag:s13] =	ssyncset.done $0x0  }
0x68: {  	s30 =	sadd.s32 $0x380, s28;
	[sflag:s13] =	ssyncadd.s32 $0xFFFFC000  }
0x69: {  	[tilespmem:s18], [sflag:$0x2] =	stream.indirect.gather [hbm4b:s4+s15], $0x80, s30, s15, $0xb8;
	[tilespmem:$0x1F000] =	vst v63  }
0x6a: {  	_ =	swait.ge [sflag:s19], $0x4000  }
0x6b: {  	p0 =	sne.s32 s25, $0x9000;
	[sflag:s19] =	ssyncset.done $0x0  }
.Ltmp2:
0x6c: {  	s31 =	sor.u32 $0x2B00, s26;
	[sflag:s19] =	ssyncadd.s32 $0xFFFFC000;
	(pc) =	sbr.rel @!p0 .LBB2_3-.Ltmp2, $4  }
0x6d: {  	[spmem:s1] =	stream.indirect.scatter.add.f32 [tilespmem:s16], [sflag:$0x4], $0x80, s31, s15, $0xb8;
	[tilespmem:$0x1F000] =	vst v63  }
0x6e: {  	_ =	swait.ge [sflag:s13], $0x4000  }
0x6f: {  	[sflag:s13] =	ssyncset.done $0x0  }
0x70: {  	[sflag:s13] =	ssyncadd.s32 $0xFFFFC000  }
0x71: {  	s28 =	sadd.s32 $0x400, s28  }
0x72: {  	[tilespmem:s16], [sflag:$0x1] =	stream.indirect.gather [hbm4b:s4+s15], $0x80, s28, s15, $0xb8;
	[tilespmem:$0x1F000] =	vst v63  }
0x73: {  	_ =	swait.ge [sflag:s20], $0x4000  }
0x74: {  	[sflag:s20] =	ssyncset.done $0x0  }
0x75: {  	s26 =	sadd.s32 $0x2B80, s26;
	s25 =	sadd.s32 $0x1000, s25;
	[sflag:s20] =	ssyncadd.s32 $0xFFFFC000  }
0x76: {  	[spmem:s1] =	stream.indirect.scatter.add.f32 [tilespmem:s18], [sflag:$0x4], $0x80, s26, s15, $0xb8;
	[tilespmem:$0x1F000] =	vst v63  }
0x77: {  	p0 =	sne.s32 s25, $0xA000;
	_ =	swait.ge [sflag:s13], $0x4000  }
.Ltmp3:
0x78: {  	[sflag:s13] =	ssyncset.done $0x0;
	(pc) =	sbr.rel @p0 .LBB2_2-.Ltmp3, $4  }
.Ltmp4:
0x79: {  	[sflag:s13] =	ssyncadd.s32 $0xFFFFC000;
	(pc) =	sbr.rel @!p0 .LBB2_5-.Ltmp4, $4  }
0x7a: {  	_ =	swait.ge [sflag:s17], $0x400  }
0x7b: {  	[sflag:s17] =	ssyncset.done $0x0  }
0x7c: {  	s24 =	sadd.s32 $0x80, s24;
	s23 =	sadd.s32 $0x400, s23;
	[sflag:s17] =	ssyncadd.s32 $0xFFFFFC00  }
0x7d: {  	_ = 	snop  }
.LBB2_6:
0x7e: {  	_ =	sfence.sel $0x180000  }
0x7f: {  	[bflag:$0x0] =	sbarrier.arrive $0xFFFF  }
0x80: {  	p0 =	sne.s32 s2, $0x0;
	_ =	strace $0x90000047  }
0x81: {  	s0 =	sadd.s32 @!p0 $0x100000, s0;
	[bflag:$0x2] =	sbarrier.arrive $0xFFFF  }
0x82: {  	[sflag:s0] =	ssyncadd.tile.s32 @!p0 $0x1;
	_ =	shalt  }
.Lfunc_end2:
_tile_overlayer_lowered:
.L_overlay_start_2:
0x83: {  	(tag) =	ssettag $0x2  }
0x84: {  	s0 =	rddreg [dreg:$0x0];
	s2 =	stileid.u32  }
0x85: {  	s1 =	rddreg [dreg:$0x1];
	p0 =	sne.s32 s2, $0x0  }
0x86: {  	s3 =	rddreg [dreg:$0x2];
	[bflag:$0x3] =	sbarrier.arrive $0xFFFF;
	s2 =	simm.s32 @!p0 $0x1C04  }
0x87: {  	[timem:s3], [sflag:s2] =	dma.local @!p0 [hbm:s0], s1  }
0x88: {  	s0 =	simm.s32 @!p0 $0x4  }
0x89: {  	_ =	swait.ge @!p0 [sflag:s0], s1  }
0x8a: {  	s1 =	ssub.s32 @!p0 $0x0, s1;
	[sflag:s0] =	ssyncset.done @!p0 $0x0  }
0x8b: {  	[sflag:s0] =	ssyncadd.s32 @!p0 s1  }
0x8c: {  	[bflag:$0x3] =	sbarrier.arrive $0xFFFF  }
0x8d: {  	_ =	shalt  }

</sc_bundles>
